<compile_context>
chip_gen: v7x
topology: tpu7x:2x2x1
jax: 0.10.2.dev20260603
libtpu: 0.0.44.dev20260713+nightly
codegen_flags: <defaults>
</compile_context>

<pallas_src>
import functools

import jax
import jax.numpy as jnp
from jax import lax
from jax.experimental import pallas as pl
from jax.experimental.pallas import tpu as pltpu
from jax.experimental.pallas import tpu_sc as plsc

N = 10000
E = 160000
NC = 2
NS = 16
NW = NC * NS
K = 128
CPS = 80
TOT_CH = NS * CPS
E_PAD = TOT_CH * K
ACC_ROWS = 10112
RPS = ACC_ROWS // NS
BR = 1000


def _make_propagate(D, f_ch):
  s_ch = CPS - f_ch
  mesh = plsc.VectorSubcoreMesh(core_axis_name="c", subcore_axis_name="s")

  @functools.partial(
      pl.kernel,
      mesh=mesh,
      compiler_params=pltpu.CompilerParams(use_tc_tiling_on_sc=False),
      out_type=jax.ShapeDtypeStruct((NC, ACC_ROWS, D), jnp.float32),
      scratch_types=[
          pltpu.VMEM((f_ch, K), jnp.int32),
          pltpu.VMEM((f_ch, K), jnp.int32),
          pltpu.VMEM((2, K, D), jnp.float32),
          pltpu.VMEM_SHARED((ACC_ROWS, D), jnp.float32),
          pltpu.SemaphoreType.DMA,
          pltpu.SemaphoreType.DMA,
      ],
  )
  def prop(table_hbm, src_hbm, dst_hbm, zeros_hbm, out_hbm,
           src_v, dst_v, rows_v, acc_sh, gsem0, gsem1):
    c = lax.axis_index("c")
    s = lax.axis_index("s")
    st = jnp.where(c == 0, s * f_ch, NS * f_ch + s * s_ch)
    nch = jnp.where(c == 0, f_ch, s_ch)

    @pl.when(c == 0)
    def _():
      pltpu.sync_copy(src_hbm.at[pl.ds(st, f_ch)], src_v)
      pltpu.sync_copy(dst_hbm.at[pl.ds(st, f_ch)], dst_v)

    @pl.when(c != 0)
    def _():
      pltpu.sync_copy(src_hbm.at[pl.ds(st, s_ch)], src_v.at[pl.ds(0, s_ch)])
      pltpu.sync_copy(dst_hbm.at[pl.ds(st, s_ch)], dst_v.at[pl.ds(0, s_ch)])

    pltpu.async_copy(table_hbm.at[src_v.at[0]], rows_v.at[0], gsem0)
    pltpu.async_copy(table_hbm.at[src_v.at[1]], rows_v.at[1], gsem1)
    pltpu.sync_copy(zeros_hbm, acc_sh.at[pl.ds(s * RPS, RPS)])
    plsc.subcore_barrier()

    def body(i, carry):
      jj = i * 2
      for b, sem in ((0, gsem0), (1, gsem1)):
        j = jj + b
        pltpu.make_async_copy(
            table_hbm.at[src_v.at[j]], rows_v.at[b], sem).wait()
        pltpu.sync_copy(rows_v.at[b], acc_sh.at[dst_v.at[j]], add=True)

        @pl.when(j + 2 < nch)
        def _():
          pltpu.async_copy(table_hbm.at[src_v.at[j + 2]], rows_v.at[b], sem)

      return carry

    lax.fori_loop(0, nch // 2, body, 0)
    plsc.subcore_barrier()
    pltpu.sync_copy(acc_sh.at[pl.ds(s * RPS, RPS)],
                    out_hbm.at[c, pl.ds(s * RPS, RPS)])

  return prop


_prop16 = _make_propagate(16, 64)


def _make_propagate_colsplit():
  D = 64
  mesh = plsc.VectorSubcoreMesh(core_axis_name="c", subcore_axis_name="s")

  @functools.partial(
      pl.kernel,
      mesh=mesh,
      compiler_params=pltpu.CompilerParams(use_tc_tiling_on_sc=False),
      out_type=jax.ShapeDtypeStruct((NC, ACC_ROWS, D), jnp.float32),
      scratch_types=[
          pltpu.VMEM((CPS, K), jnp.int32),
          pltpu.VMEM((CPS, K), jnp.int32),
          pltpu.VMEM((2, K, D), jnp.float32),
          pltpu.VMEM_SHARED((ACC_ROWS, D), jnp.float32),
          pltpu.SemaphoreType.DMA,
          pltpu.SemaphoreType.DMA,
      ],
  )
  def prop(t0_hbm, t1_hbm, src_hbm, dst_hbm, zeros_hbm, out_hbm,
           src_v, dst_v, rows_v, acc_sh, gsem0, gsem1):
    c = lax.axis_index("c")
    s = lax.axis_index("s")
    st = s * CPS

    pltpu.sync_copy(src_hbm.at[pl.ds(st, CPS)], src_v)
    pltpu.sync_copy(dst_hbm.at[pl.ds(st, CPS)], dst_v)

    def run(table_hbm):
      pltpu.async_copy(table_hbm.at[src_v.at[0]], rows_v.at[0], gsem0)
      pltpu.async_copy(table_hbm.at[src_v.at[1]], rows_v.at[1], gsem1)
      pltpu.sync_copy(zeros_hbm, acc_sh.at[pl.ds(s * RPS, RPS)])
      plsc.subcore_barrier()

      def body(i, carry):
        jj = i * 2
        for b, sem in ((0, gsem0), (1, gsem1)):
          j = jj + b
          pltpu.make_async_copy(
              table_hbm.at[src_v.at[j]], rows_v.at[b], sem).wait()
          pltpu.sync_copy(rows_v.at[b], acc_sh.at[dst_v.at[j]], add=True)

          @pl.when(j + 2 < CPS)
          def _():
            pltpu.async_copy(table_hbm.at[src_v.at[j + 2]], rows_v.at[b], sem)

        return carry

      lax.fori_loop(0, CPS // 2, body, 0)
      plsc.subcore_barrier()

    @pl.when(c == 0)
    def _():
      run(t0_hbm)

    @pl.when(c != 0)
    def _():
      run(t1_hbm)

    pltpu.sync_copy(acc_sh.at[pl.ds(s * RPS, RPS)],
                    out_hbm.at[c, pl.ds(s * RPS, RPS)])

  return prop


_prop128 = _make_propagate_colsplit()


def _rsqrt_deg(da_ref, db_ref):
  deg = da_ref[:, 0:1] + db_ref[:, 0:1] + 1.0
  return lax.rsqrt(deg)


def _tc1(x_ref, da_ref, db_ref, w_ref, o0_ref, o1_ref):
  s = _rsqrt_deg(da_ref, db_ref)
  h = jnp.dot(x_ref[...], w_ref[...], preferred_element_type=jnp.float32)
  g = h * s
  o0_ref[...] = g[:, :64]
  o1_ref[...] = g[:, 64:]


def _tc2(aa_ref, ab_ref, g0_ref, g1_ref, da_ref, db_ref, w_ref, b_ref,
         o_ref):
  s = _rsqrt_deg(da_ref, db_ref)
  ha = s * (aa_ref[...] + g0_ref[...]) + b_ref[:, :64]
  hb = s * (ab_ref[...] + g1_ref[...]) + b_ref[:, 64:]
  h = jnp.maximum(jnp.concatenate([ha, hb], axis=1), 0.0)
  h2 = jnp.dot(h, w_ref[...], preferred_element_type=jnp.float32)
  o_ref[...] = h2 * s


def _tc3(aa_ref, ab_ref, g2_ref, da_ref, db_ref, b_ref, o_ref):
  s = _rsqrt_deg(da_ref, db_ref)
  t = s * (aa_ref[...] + ab_ref[...] + g2_ref[...]) + b_ref[...]
  col = lax.broadcasted_iota(jnp.int32, t.shape, 1)
  valid = col < 12
  t = jnp.where(valid, t, -jnp.inf)
  m = jnp.max(t, axis=1, keepdims=True)
  e = jnp.where(valid, jnp.exp(t - m), 0.0)
  lse = jnp.log(jnp.sum(e, axis=1, keepdims=True))
  o_ref[...] = (t - m - lse)[:, :12]


def _row_spec(d):
  return pl.BlockSpec((BR, d), lambda i: (i, 0))


def _full_spec(r, c):
  return pl.BlockSpec((r, c), lambda i: (0, 0))


def kernel(x, edge_index, W1, b1, W2, b2):
  x = x.astype(jnp.float32)
  ei = edge_index.astype(jnp.int32)
  pad = E_PAD - E
  src = jnp.concatenate([ei[0], jnp.zeros((pad,), jnp.int32)])
  dummy_dst = N + jnp.arange(pad, dtype=jnp.int32) % (ACC_ROWS - N)
  dst = jnp.concatenate([ei[1], dummy_dst])
  src3 = src.reshape(TOT_CH, K)
  dst3 = dst.reshape(TOT_CH, K)
  z16 = jnp.zeros((RPS, 16), jnp.float32)
  z64 = jnp.zeros((RPS, 64), jnp.float32)
  ones_tab = jnp.ones((N, 16), jnp.float32)

  degp = _prop16(ones_tab, src3, dst3, z16)
  dega = degp[0, :N]
  degb = degp[1, :N]

  grid = N // BR
  g1a, g1b = pl.pallas_call(
      _tc1,
      grid=(grid,),
      in_specs=[_row_spec(256), _row_spec(16), _row_spec(16),
                _full_spec(256, 128)],
      out_specs=(_row_spec(64), _row_spec(64)),
      out_shape=(jax.ShapeDtypeStruct((N, 64), jnp.float32),
                 jax.ShapeDtypeStruct((N, 64), jnp.float32)),
  )(x, dega, degb, W1)

  acc1 = _prop128(g1a, g1b, src3, dst3, z64)

  W2p = jnp.pad(W2.astype(jnp.float32), ((0, 0), (0, 4)))
  b1r = b1.astype(jnp.float32).reshape(1, 128)
  g2 = pl.pallas_call(
      _tc2,
      grid=(grid,),
      in_specs=[_row_spec(64), _row_spec(64), _row_spec(64), _row_spec(64),
                _row_spec(16), _row_spec(16), _full_spec(128, 16),
                _full_spec(1, 128)],
      out_specs=_row_spec(16),
      out_shape=jax.ShapeDtypeStruct((N, 16), jnp.float32),
  )(acc1[0, :N], acc1[1, :N], g1a, g1b, dega, degb, W2p, b1r)

  acc2 = _prop16(g2, src3, dst3, z16)

  b2r = jnp.pad(b2.astype(jnp.float32), (0, 4)).reshape(1, 16)
  out = pl.pallas_call(
      _tc3,
      grid=(grid,),
      in_specs=[_row_spec(16), _row_spec(16), _row_spec(16),
                _row_spec(16), _row_spec(16), _full_spec(1, 16)],
      out_specs=pl.BlockSpec((BR, 12), lambda i: (i, 0)),
      out_shape=jax.ShapeDtypeStruct((N, 12), jnp.float32),
  )(acc2[0, :N], acc2[1, :N], g2, dega, degb, b2r)

  return out

# --- scband reference (transcript-rebuilt; emitter-appended) ---
"""Pipeline reference for scband-gcn-13718125543984 (READ-ONLY COPY).

The authoritative reference and input builder live on the scoring server;
editing this copy changes nothing except your own understanding.
"""

import jax, jax.numpy as jnp
import numpy as np

N_NODES = 10000


def gcn_conv(x, edge_index, W, b):
    num_nodes = x.shape[0]
    src = edge_index[0]
    dst = edge_index[1]
    # add self loops (PyG GCNConv default add_self_loops=True)
    loop = jnp.arange(num_nodes, dtype=src.dtype)
    src = jnp.concatenate([src, loop])
    dst = jnp.concatenate([dst, loop])
    # symmetric normalization with unit edge weights
    deg = jnp.zeros((num_nodes,), dtype=x.dtype).at[dst].add(1.0)
    deg_inv_sqrt = jnp.where(deg > 0, deg ** -0.5, 0.0)
    norm = deg_inv_sqrt[src] * deg_inv_sqrt[dst]
    # linear transform then propagate (scatter-add of normalized messages)
    h = x @ W
    msg = h[src] * norm[:, None]
    out = jnp.zeros((num_nodes, W.shape[1]), dtype=x.dtype).at[dst].add(msg)
    return out + b


def setup_inputs(seed: int = 0) -> dict:
    key = jax.random.key(seed)
    k1, k2, k3, k4 = jax.random.split(key, 4)
    x = jax.random.normal(k1, (N_NODES, 256), dtype=jnp.float32)
    edge_index = jax.random.randint(k2, (2, 160000), 0, N_NODES, dtype=jnp.int64)
    hidden = 128
    # glorot-style init for GCNConv weights
    W1 = jax.random.normal(k3, (256, hidden), dtype=jnp.float32) * (1.0 / np.sqrt(256))
    b1 = jnp.zeros((hidden,), dtype=jnp.float32)
    W2 = jax.random.normal(k4, (hidden, 12), dtype=jnp.float32) * (1.0 / np.sqrt(hidden))
    b2 = jnp.zeros((12,), dtype=jnp.float32)
    return {"x": x, "edge_index": edge_index, "W1": W1, "b1": b1, "W2": W2, "b2": b2}


def reference(x, edge_index, W1, b1, W2, b2):
    h = gcn_conv(x, edge_index, W1, b1)
    h = jax.nn.relu(h)
    # dropout p=0.5 is identity in eval mode
    h = gcn_conv(h, edge_index, W2, b2)
    return jax.nn.log_softmax(h, axis=1)

if __name__ == "__main__":
    import jax
    _d = setup_inputs()
    print(jax.jit(kernel)(*tuple(_d.values())))

</pallas_src>

<mosaic_0001>
#map = affine_map<(d0, d1) -> (0, 0)>
#map1 = affine_map<(d0, d1) -> (0, 0, 0)>
module attributes {stable_mosaic.version = 14 : i64} {
  func.func @prop(%arg0: i32, %arg1: i32, %arg2: memref<10000x16xf32, #tpu.memory_space<hbm>>, %arg3: memref<1280x128xi32, #tpu.memory_space<hbm>>, %arg4: memref<1280x128xi32, #tpu.memory_space<hbm>>, %arg5: memref<632x16xf32, #tpu.memory_space<hbm>>, %arg6: memref<2x10112x16xf32, #tpu.memory_space<hbm>>, %arg7: memref<64x128xi32, #tpu.memory_space<vmem>>, %arg8: memref<64x128xi32, #tpu.memory_space<vmem>>, %arg9: memref<2x128x16xf32, #tpu.memory_space<vmem>>, %arg10: memref<10112x16xf32, #tpu.memory_space<vmem_shared>>, %arg11: memref<!tpu.dma_semaphore, #tpu.memory_space<semaphore_mem>>, %arg12: memref<!tpu.dma_semaphore, #tpu.memory_space<semaphore_mem>>) attributes {dimension_semantics = [#tpu.dimension_semantics<core_parallel>, #tpu.dimension_semantics<subcore_parallel>], iteration_bounds = array<i64: 2, 16>, scalar_prefetch = 0 : i64, scratch_operands = 6 : i64, tpu.core_type = #tpu.core_type<sc_vector_subcore>, window_params = [{transform_indices = #map}, {transform_indices = #map}, {transform_indices = #map}, {transform_indices = #map}, {transform_indices = #map1}]} {
    %eq3A = arith.constant 0 : i32
    %eq3A_0 = arith.cmpi eq, %arg0, %eq3A : i32
    %mul3A = arith.constant 64 : i32
    %mul3A_1 = arith.muli %arg1, %mul3A : i32
    %mul3A_2 = arith.constant 16 : i32
    %mul3A_3 = arith.muli %arg1, %mul3A_2 : i32
    %add3A = arith.constant 1024 : i32
    %add3A_4 = arith.addi %add3A, %mul3A_3 : i32
    %select_n3A = arith.select %eq3A_0, %mul3A_1, %add3A_4 : i32
    %eq3A_5 = arith.constant 0 : i32
    %eq3A_6 = arith.cmpi eq, %arg0, %eq3A_5 : i32
    %jit3A = arith.constant 64 : i32
    %jit3A_7 = arith.constant 16 : i32
    %select_n3A_8 = arith.select %eq3A_6, %jit3A, %jit3A_7 : i32
    %eq3A_9 = arith.constant 0 : i32
    %eq3A_10 = arith.cmpi eq, %arg0, %eq3A_9 : i32
    %convert_element_type3A = arith.extui %eq3A_10 : i1 to i32
    %cond3A = arith.constant 0 : i32
    %cond3A_11 = arith.cmpi ne, %convert_element_type3A, %cond3A : i32
    scf.if %cond3A_11 {
      "tpu.region"() ({
        %run_scoped3A = tpu.sem_alloc : memref<!tpu.dma_semaphore, #tpu.memory_space<semaphore_mem>>
        %dma_start3A_74 = arith.constant 0 : i32
        %dma_start3A_75 = tpu.memref_slice %arg3[%select_n3A, %dma_start3A_74] : memref<1280x128xi32, #tpu.memory_space<hbm>> -> memref<64x128xi32, #tpu.memory_space<hbm>>
        %dma_start3A_76 = arith.constant 0 : i32
        %dma_start3A_77 = tpu.memref_slice %arg3[%select_n3A, %dma_start3A_76] : memref<1280x128xi32, #tpu.memory_space<hbm>> -> memref<64x128xi32, #tpu.memory_space<hbm>>
        tpu.enqueue_dma source(%dma_start3A_77 : memref<64x128xi32, #tpu.memory_space<hbm>>) target(%arg7 : memref<64x128xi32, #tpu.memory_space<vmem>>) target_semaphore(%run_scoped3A : memref<!tpu.dma_semaphore, #tpu.memory_space<semaphore_mem>>)
        %dma_wait3A = arith.constant 0 : i32
        %dma_wait3A_78 = tpu.memref_slice %arg3[%select_n3A, %dma_wait3A] : memref<1280x128xi32, #tpu.memory_space<hbm>> -> memref<64x128xi32, #tpu.memory_space<hbm>>
        %dma_wait3A_79 = arith.constant 0 : i32
        %dma_wait3A_80 = tpu.memref_slice %arg3[%select_n3A, %dma_wait3A_79] : memref<1280x128xi32, #tpu.memory_space<hbm>> -> memref<64x128xi32, #tpu.memory_space<hbm>>
        tpu.wait_dma2 semaphore(%run_scoped3A : memref<!tpu.dma_semaphore, #tpu.memory_space<semaphore_mem>>) src(%dma_wait3A_80 : memref<64x128xi32, #tpu.memory_space<hbm>>) dst(%arg7 : memref<64x128xi32, #tpu.memory_space<vmem>>)
        tpu.yield
      }) : () -> ()
      "tpu.region"() ({
        %run_scoped3A = tpu.sem_alloc : memref<!tpu.dma_semaphore, #tpu.memory_space<semaphore_mem>>
        %dma_start3A_74 = arith.constant 0 : i32
        %dma_start3A_75 = tpu.memref_slice %arg4[%select_n3A, %dma_start3A_74] : memref<1280x128xi32, #tpu.memory_space<hbm>> -> memref<64x128xi32, #tpu.memory_space<hbm>>
        %dma_start3A_76 = arith.constant 0 : i32
        %dma_start3A_77 = tpu.memref_slice %arg4[%select_n3A, %dma_start3A_76] : memref<1280x128xi32, #tpu.memory_space<hbm>> -> memref<64x128xi32, #tpu.memory_space<hbm>>
        tpu.enqueue_dma source(%dma_start3A_77 : memref<64x128xi32, #tpu.memory_space<hbm>>) target(%arg8 : memref<64x128xi32, #tpu.memory_space<vmem>>) target_semaphore(%run_scoped3A : memref<!tpu.dma_semaphore, #tpu.memory_space<semaphore_mem>>)
        %dma_wait3A = arith.constant 0 : i32
        %dma_wait3A_78 = tpu.memref_slice %arg4[%select_n3A, %dma_wait3A] : memref<1280x128xi32, #tpu.memory_space<hbm>> -> memref<64x128xi32, #tpu.memory_space<hbm>>
        %dma_wait3A_79 = arith.constant 0 : i32
        %dma_wait3A_80 = tpu.memref_slice %arg4[%select_n3A, %dma_wait3A_79] : memref<1280x128xi32, #tpu.memory_space<hbm>> -> memref<64x128xi32, #tpu.memory_space<hbm>>
        tpu.wait_dma2 semaphore(%run_scoped3A : memref<!tpu.dma_semaphore, #tpu.memory_space<semaphore_mem>>) src(%dma_wait3A_80 : memref<64x128xi32, #tpu.memory_space<hbm>>) dst(%arg8 : memref<64x128xi32, #tpu.memory_space<vmem>>)
        tpu.yield
      }) : () -> ()
    } else {
    }
    %ne3A = arith.constant 0 : i32
    %ne3A_12 = arith.cmpi ne, %arg0, %ne3A : i32
    %convert_element_type3A_13 = arith.extui %ne3A_12 : i1 to i32
    %cond3A_14 = arith.constant 0 : i32
    %cond3A_15 = arith.cmpi ne, %convert_element_type3A_13, %cond3A_14 : i32
    scf.if %cond3A_15 {
      "tpu.region"() ({
        %run_scoped3A = tpu.sem_alloc : memref<!tpu.dma_semaphore, #tpu.memory_space<semaphore_mem>>
        %dma_start3A_74 = arith.constant 0 : i32
        %dma_start3A_75 = arith.constant 0 : i32
        %dma_start3A_76 = tpu.memref_slice %arg7[%dma_start3A_74, %dma_start3A_75] : memref<64x128xi32, #tpu.memory_space<vmem>> -> memref<16x128xi32, #tpu.memory_space<vmem>>
        %dma_start3A_77 = arith.constant 0 : i32
        %dma_start3A_78 = tpu.memref_slice %arg3[%select_n3A, %dma_start3A_77] : memref<1280x128xi32, #tpu.memory_space<hbm>> -> memref<16x128xi32, #tpu.memory_space<hbm>>
        %dma_start3A_79 = arith.constant 0 : i32
        %dma_start3A_80 = arith.constant 0 : i32
        %dma_start3A_81 = tpu.memref_slice %arg7[%dma_start3A_79, %dma_start3A_80] : memref<64x128xi32, #tpu.memory_space<vmem>> -> memref<16x128xi32, #tpu.memory_space<vmem>>
        %dma_start3A_82 = arith.constant 0 : i32
        %dma_start3A_83 = tpu.memref_slice %arg3[%select_n3A, %dma_start3A_82] : memref<1280x128xi32, #tpu.memory_space<hbm>> -> memref<16x128xi32, #tpu.memory_space<hbm>>
        tpu.enqueue_dma source(%dma_start3A_83 : memref<16x128xi32, #tpu.memory_space<hbm>>) target(%dma_start3A_81 : memref<16x128xi32, #tpu.memory_space<vmem>>) target_semaphore(%run_scoped3A : memref<!tpu.dma_semaphore, #tpu.memory_space<semaphore_mem>>)
        %dma_wait3A = arith.constant 0 : i32
        %dma_wait3A_84 = arith.constant 0 : i32
        %dma_wait3A_85 = tpu.memref_slice %arg7[%dma_wait3A, %dma_wait3A_84] : memref<64x128xi32, #tpu.memory_space<vmem>> -> memref<16x128xi32, #tpu.memory_space<vmem>>
        %dma_wait3A_86 = arith.constant 0 : i32
        %dma_wait3A_87 = tpu.memref_slice %arg3[%select_n3A, %dma_wait3A_86] : memref<1280x128xi32, #tpu.memory_space<hbm>> -> memref<16x128xi32, #tpu.memory_space<hbm>>
        %dma_wait3A_88 = arith.constant 0 : i32
        %dma_wait3A_89 = arith.constant 0 : i32
        %dma_wait3A_90 = tpu.memref_slice %arg7[%dma_wait3A_88, %dma_wait3A_89] : memref<64x128xi32, #tpu.memory_space<vmem>> -> memref<16x128xi32, #tpu.memory_space<vmem>>
        %dma_wait3A_91 = arith.constant 0 : i32
        %dma_wait3A_92 = tpu.memref_slice %arg3[%select_n3A, %dma_wait3A_91] : memref<1280x128xi32, #tpu.memory_space<hbm>> -> memref<16x128xi32, #tpu.memory_space<hbm>>
        tpu.wait_dma2 semaphore(%run_scoped3A : memref<!tpu.dma_semaphore, #tpu.memory_space<semaphore_mem>>) src(%dma_wait3A_92 : memref<16x128xi32, #tpu.memory_space<hbm>>) dst(%dma_wait3A_90 : memref<16x128xi32, #tpu.memory_space<vmem>>)
        tpu.yield
      }) : () -> ()
      "tpu.region"() ({
        %run_scoped3A = tpu.sem_alloc : memref<!tpu.dma_semaphore, #tpu.memory_space<semaphore_mem>>
        %dma_start3A_74 = arith.constant 0 : i32
        %dma_start3A_75 = arith.constant 0 : i32
        %dma_start3A_76 = tpu.memref_slice %arg8[%dma_start3A_74, %dma_start3A_75] : memref<64x128xi32, #tpu.memory_space<vmem>> -> memref<16x128xi32, #tpu.memory_space<vmem>>
        %dma_start3A_77 = arith.constant 0 : i32
        %dma_start3A_78 = tpu.memref_slice %arg4[%select_n3A, %dma_start3A_77] : memref<1280x128xi32, #tpu.memory_space<hbm>> -> memref<16x128xi32, #tpu.memory_space<hbm>>
        %dma_start3A_79 = arith.constant 0 : i32
        %dma_start3A_80 = arith.constant 0 : i32
        %dma_start3A_81 = tpu.memref_slice %arg8[%dma_start3A_79, %dma_start3A_80] : memref<64x128xi32, #tpu.memory_space<vmem>> -> memref<16x128xi32, #tpu.memory_space<vmem>>
        %dma_start3A_82 = arith.constant 0 : i32
        %dma_start3A_83 = tpu.memref_slice %arg4[%select_n3A, %dma_start3A_82] : memref<1280x128xi32, #tpu.memory_space<hbm>> -> memref<16x128xi32, #tpu.memory_space<hbm>>
        tpu.enqueue_dma source(%dma_start3A_83 : memref<16x128xi32, #tpu.memory_space<hbm>>) target(%dma_start3A_81 : memref<16x128xi32, #tpu.memory_space<vmem>>) target_semaphore(%run_scoped3A : memref<!tpu.dma_semaphore, #tpu.memory_space<semaphore_mem>>)
        %dma_wait3A = arith.constant 0 : i32
        %dma_wait3A_84 = arith.constant 0 : i32
        %dma_wait3A_85 = tpu.memref_slice %arg8[%dma_wait3A, %dma_wait3A_84] : memref<64x128xi32, #tpu.memory_space<vmem>> -> memref<16x128xi32, #tpu.memory_space<vmem>>
        %dma_wait3A_86 = arith.constant 0 : i32
        %dma_wait3A_87 = tpu.memref_slice %arg4[%select_n3A, %dma_wait3A_86] : memref<1280x128xi32, #tpu.memory_space<hbm>> -> memref<16x128xi32, #tpu.memory_space<hbm>>
        %dma_wait3A_88 = arith.constant 0 : i32
        %dma_wait3A_89 = arith.constant 0 : i32
        %dma_wait3A_90 = tpu.memref_slice %arg8[%dma_wait3A_88, %dma_wait3A_89] : memref<64x128xi32, #tpu.memory_space<vmem>> -> memref<16x128xi32, #tpu.memory_space<vmem>>
        %dma_wait3A_91 = arith.constant 0 : i32
        %dma_wait3A_92 = tpu.memref_slice %arg4[%select_n3A, %dma_wait3A_91] : memref<1280x128xi32, #tpu.memory_space<hbm>> -> memref<16x128xi32, #tpu.memory_space<hbm>>
        tpu.wait_dma2 semaphore(%run_scoped3A : memref<!tpu.dma_semaphore, #tpu.memory_space<semaphore_mem>>) src(%dma_wait3A_92 : memref<16x128xi32, #tpu.memory_space<hbm>>) dst(%dma_wait3A_90 : memref<16x128xi32, #tpu.memory_space<vmem>>)
        tpu.yield
      }) : () -> ()
    } else {
    }
    %dma_start3A = arith.constant 0 : i32
    %dma_start3A_16 = arith.constant 0 : i32
    %dma_start3A_17 = arith.constant 0 : i32
    %dma_start3A_18 = arith.constant 0 : i32
    %dma_start3A_19 = tpu.memref_slice %arg9[%dma_start3A_16, %dma_start3A_17, %dma_start3A_18] : memref<2x128x16xf32, #tpu.memory_space<vmem>> -> memref<1x128x16xf32, #tpu.memory_space<vmem>>
    %dma_start3A_20 = tpu.memref_squeeze %dma_start3A_19 : memref<1x128x16xf32, #tpu.memory_space<vmem>> -> memref<128x16xf32, #tpu.memory_space<vmem>>
    %dma_start3A_21 = arith.constant 0 : i32
    %dma_start3A_22 = tpu.memref_slice %arg7[%dma_start3A, %dma_start3A_21] : memref<64x128xi32, #tpu.memory_space<vmem>> -> memref<1x128xi32, #tpu.memory_space<vmem>>
    %dma_start3A_23 = tpu.memref_squeeze %dma_start3A_22 : memref<1x128xi32, #tpu.memory_space<vmem>> -> memref<128xi32, #tpu.memory_space<vmem>>
    %dma_start3A_24 = arith.constant 0 : i32
    %dma_start3A_25 = arith.constant 0 : i32
    %dma_start3A_26 = tpu.memref_slice %arg2[%dma_start3A_24, %dma_start3A_25] : memref<10000x16xf32, #tpu.memory_space<hbm>> -> memref<10000x16xf32, #tpu.memory_space<hbm>>
    tpu.enqueue_indirect_dma source(%dma_start3A_26 : memref<10000x16xf32, #tpu.memory_space<hbm>>) target(%dma_start3A_20 : memref<128x16xf32, #tpu.memory_space<vmem>>) offsets(%dma_start3A_23 : memref<128xi32, #tpu.memory_space<vmem>>) semaphore(%arg11 : memref<!tpu.dma_semaphore, #tpu.memory_space<semaphore_mem>>)
    %dma_start3A_27 = arith.constant 1 : i32
    %dma_start3A_28 = arith.constant 1 : i32
    %dma_start3A_29 = arith.constant 0 : i32
    %dma_start3A_30 = arith.constant 0 : i32
    %dma_start3A_31 = tpu.memref_slice %arg9[%dma_start3A_28, %dma_start3A_29, %dma_start3A_30] : memref<2x128x16xf32, #tpu.memory_space<vmem>> -> memref<1x128x16xf32, #tpu.memory_space<vmem>>
    %dma_start3A_32 = tpu.memref_squeeze %dma_start3A_31 : memref<1x128x16xf32, #tpu.memory_space<vmem>> -> memref<128x16xf32, #tpu.memory_space<vmem>>
    %dma_start3A_33 = arith.constant 0 : i32
    %dma_start3A_34 = tpu.memref_slice %arg7[%dma_start3A_27, %dma_start3A_33] : memref<64x128xi32, #tpu.memory_space<vmem>> -> memref<1x128xi32, #tpu.memory_space<vmem>>
    %dma_start3A_35 = tpu.memref_squeeze %dma_start3A_34 : memref<1x128xi32, #tpu.memory_space<vmem>> -> memref<128xi32, #tpu.memory_space<vmem>>
    %dma_start3A_36 = arith.constant 0 : i32
    %dma_start3A_37 = arith.constant 0 : i32
    %dma_start3A_38 = tpu.memref_slice %arg2[%dma_start3A_36, %dma_start3A_37] : memref<10000x16xf32, #tpu.memory_space<hbm>> -> memref<10000x16xf32, #tpu.memory_space<hbm>>
    tpu.enqueue_indirect_dma source(%dma_start3A_38 : memref<10000x16xf32, #tpu.memory_space<hbm>>) target(%dma_start3A_32 : memref<128x16xf32, #tpu.memory_space<vmem>>) offsets(%dma_start3A_35 : memref<128xi32, #tpu.memory_space<vmem>>) semaphore(%arg12 : memref<!tpu.dma_semaphore, #tpu.memory_space<semaphore_mem>>)
    %mul3A_39 = arith.constant 632 : i32
    %mul3A_40 = arith.muli %arg1, %mul3A_39 : i32
    "tpu.region"() ({
      %run_scoped3A = tpu.sem_alloc : memref<!tpu.dma_semaphore, #tpu.memory_space<semaphore_mem>>
      %dma_start3A_74 = arith.constant 0 : i32
      %dma_start3A_75 = tpu.memref_slice %arg10[%mul3A_40, %dma_start3A_74] : memref<10112x16xf32, #tpu.memory_space<vmem_shared>> -> memref<632x16xf32, #tpu.memory_space<vmem_shared>>
      tpu.enqueue_dma source(%arg5 : memref<632x16xf32, #tpu.memory_space<hbm>>) target(%dma_start3A_75 : memref<632x16xf32, #tpu.memory_space<vmem_shared>>) target_semaphore(%run_scoped3A : memref<!tpu.dma_semaphore, #tpu.memory_space<semaphore_mem>>)
      %dma_wait3A = arith.constant 0 : i32
      %dma_wait3A_76 = tpu.memref_slice %arg10[%mul3A_40, %dma_wait3A] : memref<10112x16xf32, #tpu.memory_space<vmem_shared>> -> memref<632x16xf32, #tpu.memory_space<vmem_shared>>
      tpu.wait_dma2 semaphore(%run_scoped3A : memref<!tpu.dma_semaphore, #tpu.memory_space<semaphore_mem>>) src(%arg5 : memref<632x16xf32, #tpu.memory_space<hbm>>) dst(%dma_wait3A_76 : memref<632x16xf32, #tpu.memory_space<vmem_shared>>)
      tpu.yield
    }) : () -> ()
    %barrier3A = arith.constant 0 : index
    tpu.barrier barrier_id(%barrier3A)
    %jit3A_41 = arith.constant 2 : i32
    %div3A = arith.divsi %select_n3A_8, %jit3A_41 : i32
    %sign3A = arith.constant 0 : i32
    %sign3A_42 = arith.cmpi sgt, %select_n3A_8, %sign3A : i32
    %sign3A_43 = arith.extui %sign3A_42 : i1 to i32
    %sign3A_44 = arith.constant 0 : i32
    %sign3A_45 = arith.cmpi slt, %select_n3A_8, %sign3A_44 : i32
    %sign3A_46 = arith.extui %sign3A_45 : i1 to i32
    %sign3A_47 = arith.subi %sign3A_43, %sign3A_46 : i32
    %sign3A_48 = arith.constant 0 : i32
    %sign3A_49 = arith.cmpi sgt, %jit3A_41, %sign3A_48 : i32
    %sign3A_50 = arith.extui %sign3A_49 : i1 to i32
    %sign3A_51 = arith.constant 0 : i32
    %sign3A_52 = arith.cmpi slt, %jit3A_41, %sign3A_51 : i32
    %sign3A_53 = arith.extui %sign3A_52 : i1 to i32
    %sign3A_54 = arith.subi %sign3A_50, %sign3A_53 : i32
    %ne3A_55 = arith.cmpi ne, %sign3A_47, %sign3A_54 : i32
    %rem3A = arith.remsi %select_n3A_8, %jit3A_41 : i32
    %ne3A_56 = arith.constant 0 : i32
    %ne3A_57 = arith.cmpi ne, %rem3A, %ne3A_56 : i32
    %and3A = arith.andi %ne3A_55, %ne3A_57 : i1
    %sub3A = arith.constant 1 : i32
    %sub3A_58 = arith.subi %div3A, %sub3A : i32
    %select_n3A_59 = arith.select %and3A, %sub3A_58, %div3A : i32
    %while3A = arith.constant 0 : i32
    %while3A_60 = arith.constant 0 : i32
    %while3A_61 = arith.subi %select_n3A_59, %while3A_60 : i32
    %while3A_62 = arith.addi %while3A_60, %while3A_61 : i32
    %while3A_63 = arith.constant 1 : i32
    %while3A_64 = arith.divsi %while3A_61, %while3A_63 : i32
    %while3A_65 = arith.muli %while3A_64, %while3A_63 : i32
    %while3A_66 = arith.addi %while3A_60, %while3A_65 : i32
    %while3A_67 = arith.constant 1 : i32
    scf.for %while3A_74 = %while3A_60 to %while3A_66 step %while3A_67  : i32 {
      %mul3A_75 = arith.constant 2 : i32
      %mul3A_76 = arith.muli %while3A_74, %mul3A_75 : i32
      %add3A_77 = arith.constant 0 : i32
      %add3A_78 = arith.addi %mul3A_76, %add3A_77 : i32
      %dma_wait3A = arith.constant 0 : i32
      %dma_wait3A_79 = arith.constant 0 : i32
      %dma_wait3A_80 = arith.constant 0 : i32
      %dma_wait3A_81 = tpu.memref_slice %arg9[%dma_wait3A, %dma_wait3A_79, %dma_wait3A_80] : memref<2x128x16xf32, #tpu.memory_space<vmem>> -> memref<1x128x16xf32, #tpu.memory_space<vmem>>
      %dma_wait3A_82 = tpu.memref_squeeze %dma_wait3A_81 : memref<1x128x16xf32, #tpu.memory_space<vmem>> -> memref<128x16xf32, #tpu.memory_space<vmem>>
      %dma_wait3A_83 = arith.constant 0 : i32
      %dma_wait3A_84 = tpu.memref_slice %arg7[%add3A_78, %dma_wait3A_83] : memref<64x128xi32, #tpu.memory_space<vmem>> -> memref<1x128xi32, #tpu.memory_space<vmem>>
      %dma_wait3A_85 = tpu.memref_squeeze %dma_wait3A_84 : memref<1x128xi32, #tpu.memory_space<vmem>> -> memref<128xi32, #tpu.memory_space<vmem>>
      %dma_wait3A_86 = arith.constant 0 : i32
      %dma_wait3A_87 = arith.constant 0 : i32
      %dma_wait3A_88 = tpu.memref_slice %arg2[%dma_wait3A_86, %dma_wait3A_87] : memref<10000x16xf32, #tpu.memory_space<hbm>> -> memref<10000x16xf32, #tpu.memory_space<hbm>>
      tpu.wait_indirect_dma semaphore(%arg11 : memref<!tpu.dma_semaphore, #tpu.memory_space<semaphore_mem>>) src(%dma_wait3A_88 : memref<10000x16xf32, #tpu.memory_space<hbm>>) dst(%dma_wait3A_82 : memref<128x16xf32, #tpu.memory_space<vmem>>)
      %run_scoped3A = arith.constant 0 : i32
      "tpu.region"() ({
        %run_scoped3A_114 = tpu.sem_alloc : memref<!tpu.dma_semaphore, #tpu.memory_space<semaphore_mem>>
        %dma_start3A_115 = arith.constant 0 : i32
        %dma_start3A_116 = arith.constant 0 : i32
        %dma_start3A_117 = tpu.memref_slice %arg9[%run_scoped3A, %dma_start3A_115, %dma_start3A_116] : memref<2x128x16xf32, #tpu.memory_space<vmem>> -> memref<1x128x16xf32, #tpu.memory_space<vmem>>
        %dma_start3A_118 = tpu.memref_squeeze %dma_start3A_117 : memref<1x128x16xf32, #tpu.memory_space<vmem>> -> memref<128x16xf32, #tpu.memory_space<vmem>>
        %dma_start3A_119 = arith.constant 0 : i32
        %dma_start3A_120 = tpu.memref_slice %arg8[%add3A_78, %dma_start3A_119] : memref<64x128xi32, #tpu.memory_space<vmem>> -> memref<1x128xi32, #tpu.memory_space<vmem>>
        %dma_start3A_121 = tpu.memref_squeeze %dma_start3A_120 : memref<1x128xi32, #tpu.memory_space<vmem>> -> memref<128xi32, #tpu.memory_space<vmem>>
        %dma_start3A_122 = arith.constant 0 : i32
        %dma_start3A_123 = arith.constant 0 : i32
        %dma_start3A_124 = tpu.memref_slice %arg10[%dma_start3A_122, %dma_start3A_123] : memref<10112x16xf32, #tpu.memory_space<vmem_shared>> -> memref<10112x16xf32, #tpu.memory_space<vmem_shared>>
        tpu.enqueue_indirect_dma source(%dma_start3A_118 : memref<128x16xf32, #tpu.memory_space<vmem>>) target(%dma_start3A_124 : memref<10112x16xf32, #tpu.memory_space<vmem_shared>>) offsets(%dma_start3A_121 : memref<128xi32, #tpu.memory_space<vmem>>) semaphore(%run_scoped3A_114 : memref<!tpu.dma_semaphore, #tpu.memory_space<semaphore_mem>>) {add = true}
        %dma_wait3A_125 = arith.constant 0 : i32
        %dma_wait3A_126 = arith.constant 0 : i32
        %dma_wait3A_127 = tpu.memref_slice %arg9[%run_scoped3A, %dma_wait3A_125, %dma_wait3A_126] : memref<2x128x16xf32, #tpu.memory_space<vmem>> -> memref<1x128x16xf32, #tpu.memory_space<vmem>>
        %dma_wait3A_128 = tpu.memref_squeeze %dma_wait3A_127 : memref<1x128x16xf32, #tpu.memory_space<vmem>> -> memref<128x16xf32, #tpu.memory_space<vmem>>
        %dma_wait3A_129 = arith.constant 0 : i32
        %dma_wait3A_130 = tpu.memref_slice %arg8[%add3A_78, %dma_wait3A_129] : memref<64x128xi32, #tpu.memory_space<vmem>> -> memref<1x128xi32, #tpu.memory_space<vmem>>
        %dma_wait3A_131 = tpu.memref_squeeze %dma_wait3A_130 : memref<1x128xi32, #tpu.memory_space<vmem>> -> memref<128xi32, #tpu.memory_space<vmem>>
        %dma_wait3A_132 = arith.constant 0 : i32
        %dma_wait3A_133 = arith.constant 0 : i32
        %dma_wait3A_134 = tpu.memref_slice %arg10[%dma_wait3A_132, %dma_wait3A_133] : memref<10112x16xf32, #tpu.memory_space<vmem_shared>> -> memref<10112x16xf32, #tpu.memory_space<vmem_shared>>
        tpu.wait_indirect_dma semaphore(%run_scoped3A_114 : memref<!tpu.dma_semaphore, #tpu.memory_space<semaphore_mem>>) src(%dma_wait3A_128 : memref<128x16xf32, #tpu.memory_space<vmem>>) dst(%dma_wait3A_134 : memref<10112x16xf32, #tpu.memory_space<vmem_shared>>)
        tpu.yield
      }) : () -> ()
      %add3A_89 = arith.constant 2 : i32
      %add3A_90 = arith.addi %add3A_78, %add3A_89 : i32
      %lt3A = arith.cmpi slt, %add3A_90, %select_n3A_8 : i32
      %convert_element_type3A_91 = arith.extui %lt3A : i1 to i32
      %cond3A_92 = arith.constant 0 : i32
      %cond3A_93 = arith.cmpi ne, %convert_element_type3A_91, %cond3A_92 : i32
      scf.if %cond3A_93 {
        %add3A_114 = arith.constant 2 : i32
        %add3A_115 = arith.addi %add3A_78, %add3A_114 : i32
        %dma_start3A_116 = arith.constant 0 : i32
        %dma_start3A_117 = arith.constant 0 : i32
        %dma_start3A_118 = arith.constant 0 : i32
        %dma_start3A_119 = tpu.memref_slice %arg9[%dma_start3A_116, %dma_start3A_117, %dma_start3A_118] : memref<2x128x16xf32, #tpu.memory_space<vmem>> -> memref<1x128x16xf32, #tpu.memory_space<vmem>>
        %dma_start3A_120 = tpu.memref_squeeze %dma_start3A_119 : memref<1x128x16xf32, #tpu.memory_space<vmem>> -> memref<128x16xf32, #tpu.memory_space<vmem>>
        %dma_start3A_121 = arith.constant 0 : i32
        %dma_start3A_122 = tpu.memref_slice %arg7[%add3A_115, %dma_start3A_121] : memref<64x128xi32, #tpu.memory_space<vmem>> -> memref<1x128xi32, #tpu.memory_space<vmem>>
        %dma_start3A_123 = tpu.memref_squeeze %dma_start3A_122 : memref<1x128xi32, #tpu.memory_space<vmem>> -> memref<128xi32, #tpu.memory_space<vmem>>
        %dma_start3A_124 = arith.constant 0 : i32
        %dma_start3A_125 = arith.constant 0 : i32
        %dma_start3A_126 = tpu.memref_slice %arg2[%dma_start3A_124, %dma_start3A_125] : memref<10000x16xf32, #tpu.memory_space<hbm>> -> memref<10000x16xf32, #tpu.memory_space<hbm>>
        tpu.enqueue_indirect_dma source(%dma_start3A_126 : memref<10000x16xf32, #tpu.memory_space<hbm>>) target(%dma_start3A_120 : memref<128x16xf32, #tpu.memory_space<vmem>>) offsets(%dma_start3A_123 : memref<128xi32, #tpu.memory_space<vmem>>) semaphore(%arg11 : memref<!tpu.dma_semaphore, #tpu.memory_space<semaphore_mem>>)
      } else {
      }
      %add3A_94 = arith.constant 1 : i32
      %add3A_95 = arith.addi %mul3A_76, %add3A_94 : i32
      %dma_wait3A_96 = arith.constant 1 : i32
      %dma_wait3A_97 = arith.constant 0 : i32
      %dma_wait3A_98 = arith.constant 0 : i32
      %dma_wait3A_99 = tpu.memref_slice %arg9[%dma_wait3A_96, %dma_wait3A_97, %dma_wait3A_98] : memref<2x128x16xf32, #tpu.memory_space<vmem>> -> memref<1x128x16xf32, #tpu.memory_space<vmem>>
      %dma_wait3A_100 = tpu.memref_squeeze %dma_wait3A_99 : memref<1x128x16xf32, #tpu.memory_space<vmem>> -> memref<128x16xf32, #tpu.memory_space<vmem>>
      %dma_wait3A_101 = arith.constant 0 : i32
      %dma_wait3A_102 = tpu.memref_slice %arg7[%add3A_95, %dma_wait3A_101] : memref<64x128xi32, #tpu.memory_space<vmem>> -> memref<1x128xi32, #tpu.memory_space<vmem>>
      %dma_wait3A_103 = tpu.memref_squeeze %dma_wait3A_102 : memref<1x128xi32, #tpu.memory_space<vmem>> -> memref<128xi32, #tpu.memory_space<vmem>>
      %dma_wait3A_104 = arith.constant 0 : i32
      %dma_wait3A_105 = arith.constant 0 : i32
      %dma_wait3A_106 = tpu.memref_slice %arg2[%dma_wait3A_104, %dma_wait3A_105] : memref<10000x16xf32, #tpu.memory_space<hbm>> -> memref<10000x16xf32, #tpu.memory_space<hbm>>
      tpu.wait_indirect_dma semaphore(%arg12 : memref<!tpu.dma_semaphore, #tpu.memory_space<semaphore_mem>>) src(%dma_wait3A_106 : memref<10000x16xf32, #tpu.memory_space<hbm>>) dst(%dma_wait3A_100 : memref<128x16xf32, #tpu.memory_space<vmem>>)
      %run_scoped3A_107 = arith.constant 1 : i32
      "tpu.region"() ({
        %run_scoped3A_114 = tpu.sem_alloc : memref<!tpu.dma_semaphore, #tpu.memory_space<semaphore_mem>>
        %dma_start3A_115 = arith.constant 0 : i32
        %dma_start3A_116 = arith.constant 0 : i32
        %dma_start3A_117 = tpu.memref_slice %arg9[%run_scoped3A_107, %dma_start3A_115, %dma_start3A_116] : memref<2x128x16xf32, #tpu.memory_space<vmem>> -> memref<1x128x16xf32, #tpu.memory_space<vmem>>
        %dma_start3A_118 = tpu.memref_squeeze %dma_start3A_117 : memref<1x128x16xf32, #tpu.memory_space<vmem>> -> memref<128x16xf32, #tpu.memory_space<vmem>>
        %dma_start3A_119 = arith.constant 0 : i32
        %dma_start3A_120 = tpu.memref_slice %arg8[%add3A_95, %dma_start3A_119] : memref<64x128xi32, #tpu.memory_space<vmem>> -> memref<1x128xi32, #tpu.memory_space<vmem>>
        %dma_start3A_121 = tpu.memref_squeeze %dma_start3A_120 : memref<1x128xi32, #tpu.memory_space<vmem>> -> memref<128xi32, #tpu.memory_space<vmem>>
        %dma_start3A_122 = arith.constant 0 : i32
        %dma_start3A_123 = arith.constant 0 : i32
        %dma_start3A_124 = tpu.memref_slice %arg10[%dma_start3A_122, %dma_start3A_123] : memref<10112x16xf32, #tpu.memory_space<vmem_shared>> -> memref<10112x16xf32, #tpu.memory_space<vmem_shared>>
        tpu.enqueue_indirect_dma source(%dma_start3A_118 : memref<128x16xf32, #tpu.memory_space<vmem>>) target(%dma_start3A_124 : memref<10112x16xf32, #tpu.memory_space<vmem_shared>>) offsets(%dma_start3A_121 : memref<128xi32, #tpu.memory_space<vmem>>) semaphore(%run_scoped3A_114 : memref<!tpu.dma_semaphore, #tpu.memory_space<semaphore_mem>>) {add = true}
        %dma_wait3A_125 = arith.constant 0 : i32
        %dma_wait3A_126 = arith.constant 0 : i32
        %dma_wait3A_127 = tpu.memref_slice %arg9[%run_scoped3A_107, %dma_wait3A_125, %dma_wait3A_126] : memref<2x128x16xf32, #tpu.memory_space<vmem>> -> memref<1x128x16xf32, #tpu.memory_space<vmem>>
        %dma_wait3A_128 = tpu.memref_squeeze %dma_wait3A_127 : memref<1x128x16xf32, #tpu.memory_space<vmem>> -> memref<128x16xf32, #tpu.memory_space<vmem>>
        %dma_wait3A_129 = arith.constant 0 : i32
        %dma_wait3A_130 = tpu.memref_slice %arg8[%add3A_95, %dma_wait3A_129] : memref<64x128xi32, #tpu.memory_space<vmem>> -> memref<1x128xi32, #tpu.memory_space<vmem>>
        %dma_wait3A_131 = tpu.memref_squeeze %dma_wait3A_130 : memref<1x128xi32, #tpu.memory_space<vmem>> -> memref<128xi32, #tpu.memory_space<vmem>>
        %dma_wait3A_132 = arith.constant 0 : i32
        %dma_wait3A_133 = arith.constant 0 : i32
        %dma_wait3A_134 = tpu.memref_slice %arg10[%dma_wait3A_132, %dma_wait3A_133] : memref<10112x16xf32, #tpu.memory_space<vmem_shared>> -> memref<10112x16xf32, #tpu.memory_space<vmem_shared>>
        tpu.wait_indirect_dma semaphore(%run_scoped3A_114 : memref<!tpu.dma_semaphore, #tpu.memory_space<semaphore_mem>>) src(%dma_wait3A_128 : memref<128x16xf32, #tpu.memory_space<vmem>>) dst(%dma_wait3A_134 : memref<10112x16xf32, #tpu.memory_space<vmem_shared>>)
        tpu.yield
      }) : () -> ()
      %add3A_108 = arith.constant 2 : i32
      %add3A_109 = arith.addi %add3A_95, %add3A_108 : i32
      %lt3A_110 = arith.cmpi slt, %add3A_109, %select_n3A_8 : i32
      %convert_element_type3A_111 = arith.extui %lt3A_110 : i1 to i32
      %cond3A_112 = arith.constant 0 : i32
      %cond3A_113 = arith.cmpi ne, %convert_element_type3A_111, %cond3A_112 : i32
      scf.if %cond3A_113 {
        %add3A_114 = arith.constant 2 : i32
        %add3A_115 = arith.addi %add3A_95, %add3A_114 : i32
        %dma_start3A_116 = arith.constant 1 : i32
        %dma_start3A_117 = arith.constant 0 : i32
        %dma_start3A_118 = arith.constant 0 : i32
        %dma_start3A_119 = tpu.memref_slice %arg9[%dma_start3A_116, %dma_start3A_117, %dma_start3A_118] : memref<2x128x16xf32, #tpu.memory_space<vmem>> -> memref<1x128x16xf32, #tpu.memory_space<vmem>>
        %dma_start3A_120 = tpu.memref_squeeze %dma_start3A_119 : memref<1x128x16xf32, #tpu.memory_space<vmem>> -> memref<128x16xf32, #tpu.memory_space<vmem>>
        %dma_start3A_121 = arith.constant 0 : i32
        %dma_start3A_122 = tpu.memref_slice %arg7[%add3A_115, %dma_start3A_121] : memref<64x128xi32, #tpu.memory_space<vmem>> -> memref<1x128xi32, #tpu.memory_space<vmem>>
        %dma_start3A_123 = tpu.memref_squeeze %dma_start3A_122 : memref<1x128xi32, #tpu.memory_space<vmem>> -> memref<128xi32, #tpu.memory_space<vmem>>
        %dma_start3A_124 = arith.constant 0 : i32
        %dma_start3A_125 = arith.constant 0 : i32
        %dma_start3A_126 = tpu.memref_slice %arg2[%dma_start3A_124, %dma_start3A_125] : memref<10000x16xf32, #tpu.memory_space<hbm>> -> memref<10000x16xf32, #tpu.memory_space<hbm>>
        tpu.enqueue_indirect_dma source(%dma_start3A_126 : memref<10000x16xf32, #tpu.memory_space<hbm>>) target(%dma_start3A_120 : memref<128x16xf32, #tpu.memory_space<vmem>>) offsets(%dma_start3A_123 : memref<128xi32, #tpu.memory_space<vmem>>) semaphore(%arg12 : memref<!tpu.dma_semaphore, #tpu.memory_space<semaphore_mem>>)
      } else {
      }
    }
    %while3A_68 = arith.constant 1 : i32
    scf.for %while3A_74 = %while3A_66 to %while3A_62 step %while3A_68  : i32 {
      %mul3A_75 = arith.constant 2 : i32
      %mul3A_76 = arith.muli %while3A_74, %mul3A_75 : i32
      %add3A_77 = arith.constant 0 : i32
      %add3A_78 = arith.addi %mul3A_76, %add3A_77 : i32
      %dma_wait3A = arith.constant 0 : i32
      %dma_wait3A_79 = arith.constant 0 : i32
      %dma_wait3A_80 = arith.constant 0 : i32
      %dma_wait3A_81 = tpu.memref_slice %arg9[%dma_wait3A, %dma_wait3A_79, %dma_wait3A_80] : memref<2x128x16xf32, #tpu.memory_space<vmem>> -> memref<1x128x16xf32, #tpu.memory_space<vmem>>
      %dma_wait3A_82 = tpu.memref_squeeze %dma_wait3A_81 : memref<1x128x16xf32, #tpu.memory_space<vmem>> -> memref<128x16xf32, #tpu.memory_space<vmem>>
      %dma_wait3A_83 = arith.constant 0 : i32
      %dma_wait3A_84 = tpu.memref_slice %arg7[%add3A_78, %dma_wait3A_83] : memref<64x128xi32, #tpu.memory_space<vmem>> -> memref<1x128xi32, #tpu.memory_space<vmem>>
      %dma_wait3A_85 = tpu.memref_squeeze %dma_wait3A_84 : memref<1x128xi32, #tpu.memory_space<vmem>> -> memref<128xi32, #tpu.memory_space<vmem>>
      %dma_wait3A_86 = arith.constant 0 : i32
      %dma_wait3A_87 = arith.constant 0 : i32
      %dma_wait3A_88 = tpu.memref_slice %arg2[%dma_wait3A_86, %dma_wait3A_87] : memref<10000x16xf32, #tpu.memory_space<hbm>> -> memref<10000x16xf32, #tpu.memory_space<hbm>>
      tpu.wait_indirect_dma semaphore(%arg11 : memref<!tpu.dma_semaphore, #tpu.memory_space<semaphore_mem>>) src(%dma_wait3A_88 : memref<10000x16xf32, #tpu.memory_space<hbm>>) dst(%dma_wait3A_82 : memref<128x16xf32, #tpu.memory_space<vmem>>)
      %run_scoped3A = arith.constant 0 : i32
      "tpu.region"() ({
        %run_scoped3A_114 = tpu.sem_alloc : memref<!tpu.dma_semaphore, #tpu.memory_space<semaphore_mem>>
        %dma_start3A_115 = arith.constant 0 : i32
        %dma_start3A_116 = arith.constant 0 : i32
        %dma_start3A_117 = tpu.memref_slice %arg9[%run_scoped3A, %dma_start3A_115, %dma_start3A_116] : memref<2x128x16xf32, #tpu.memory_space<vmem>> -> memref<1x128x16xf32, #tpu.memory_space<vmem>>
        %dma_start3A_118 = tpu.memref_squeeze %dma_start3A_117 : memref<1x128x16xf32, #tpu.memory_space<vmem>> -> memref<128x16xf32, #tpu.memory_space<vmem>>
        %dma_start3A_119 = arith.constant 0 : i32
        %dma_start3A_120 = tpu.memref_slice %arg8[%add3A_78, %dma_start3A_119] : memref<64x128xi32, #tpu.memory_space<vmem>> -> memref<1x128xi32, #tpu.memory_space<vmem>>
        %dma_start3A_121 = tpu.memref_squeeze %dma_start3A_120 : memref<1x128xi32, #tpu.memory_space<vmem>> -> memref<128xi32, #tpu.memory_space<vmem>>
        %dma_start3A_122 = arith.constant 0 : i32
        %dma_start3A_123 = arith.constant 0 : i32
        %dma_start3A_124 = tpu.memref_slice %arg10[%dma_start3A_122, %dma_start3A_123] : memref<10112x16xf32, #tpu.memory_space<vmem_shared>> -> memref<10112x16xf32, #tpu.memory_space<vmem_shared>>
        tpu.enqueue_indirect_dma source(%dma_start3A_118 : memref<128x16xf32, #tpu.memory_space<vmem>>) target(%dma_start3A_124 : memref<10112x16xf32, #tpu.memory_space<vmem_shared>>) offsets(%dma_start3A_121 : memref<128xi32, #tpu.memory_space<vmem>>) semaphore(%run_scoped3A_114 : memref<!tpu.dma_semaphore, #tpu.memory_space<semaphore_mem>>) {add = true}
        %dma_wait3A_125 = arith.constant 0 : i32
        %dma_wait3A_126 = arith.constant 0 : i32
        %dma_wait3A_127 = tpu.memref_slice %arg9[%run_scoped3A, %dma_wait3A_125, %dma_wait3A_126] : memref<2x128x16xf32, #tpu.memory_space<vmem>> -> memref<1x128x16xf32, #tpu.memory_space<vmem>>
        %dma_wait3A_128 = tpu.memref_squeeze %dma_wait3A_127 : memref<1x128x16xf32, #tpu.memory_space<vmem>> -> memref<128x16xf32, #tpu.memory_space<vmem>>
        %dma_wait3A_129 = arith.constant 0 : i32
        %dma_wait3A_130 = tpu.memref_slice %arg8[%add3A_78, %dma_wait3A_129] : memref<64x128xi32, #tpu.memory_space<vmem>> -> memref<1x128xi32, #tpu.memory_space<vmem>>
        %dma_wait3A_131 = tpu.memref_squeeze %dma_wait3A_130 : memref<1x128xi32, #tpu.memory_space<vmem>> -> memref<128xi32, #tpu.memory_space<vmem>>
        %dma_wait3A_132 = arith.constant 0 : i32
        %dma_wait3A_133 = arith.constant 0 : i32
        %dma_wait3A_134 = tpu.memref_slice %arg10[%dma_wait3A_132, %dma_wait3A_133] : memref<10112x16xf32, #tpu.memory_space<vmem_shared>> -> memref<10112x16xf32, #tpu.memory_space<vmem_shared>>
        tpu.wait_indirect_dma semaphore(%run_scoped3A_114 : memref<!tpu.dma_semaphore, #tpu.memory_space<semaphore_mem>>) src(%dma_wait3A_128 : memref<128x16xf32, #tpu.memory_space<vmem>>) dst(%dma_wait3A_134 : memref<10112x16xf32, #tpu.memory_space<vmem_shared>>)
        tpu.yield
      }) : () -> ()
      %add3A_89 = arith.constant 2 : i32
      %add3A_90 = arith.addi %add3A_78, %add3A_89 : i32
      %lt3A = arith.cmpi slt, %add3A_90, %select_n3A_8 : i32
      %convert_element_type3A_91 = arith.extui %lt3A : i1 to i32
      %cond3A_92 = arith.constant 0 : i32
      %cond3A_93 = arith.cmpi ne, %convert_element_type3A_91, %cond3A_92 : i32
      scf.if %cond3A_93 {
        %add3A_114 = arith.constant 2 : i32
        %add3A_115 = arith.addi %add3A_78, %add3A_114 : i32
        %dma_start3A_116 = arith.constant 0 : i32
        %dma_start3A_117 = arith.constant 0 : i32
        %dma_start3A_118 = arith.constant 0 : i32
        %dma_start3A_119 = tpu.memref_slice %arg9[%dma_start3A_116, %dma_start3A_117, %dma_start3A_118] : memref<2x128x16xf32, #tpu.memory_space<vmem>> -> memref<1x128x16xf32, #tpu.memory_space<vmem>>
        %dma_start3A_120 = tpu.memref_squeeze %dma_start3A_119 : memref<1x128x16xf32, #tpu.memory_space<vmem>> -> memref<128x16xf32, #tpu.memory_space<vmem>>
        %dma_start3A_121 = arith.constant 0 : i32
        %dma_start3A_122 = tpu.memref_slice %arg7[%add3A_115, %dma_start3A_121] : memref<64x128xi32, #tpu.memory_space<vmem>> -> memref<1x128xi32, #tpu.memory_space<vmem>>
        %dma_start3A_123 = tpu.memref_squeeze %dma_start3A_122 : memref<1x128xi32, #tpu.memory_space<vmem>> -> memref<128xi32, #tpu.memory_space<vmem>>
        %dma_start3A_124 = arith.constant 0 : i32
        %dma_start3A_125 = arith.constant 0 : i32
        %dma_start3A_126 = tpu.memref_slice %arg2[%dma_start3A_124, %dma_start3A_125] : memref<10000x16xf32, #tpu.memory_space<hbm>> -> memref<10000x16xf32, #tpu.memory_space<hbm>>
        tpu.enqueue_indirect_dma source(%dma_start3A_126 : memref<10000x16xf32, #tpu.memory_space<hbm>>) target(%dma_start3A_120 : memref<128x16xf32, #tpu.memory_space<vmem>>) offsets(%dma_start3A_123 : memref<128xi32, #tpu.memory_space<vmem>>) semaphore(%arg11 : memref<!tpu.dma_semaphore, #tpu.memory_space<semaphore_mem>>)
      } else {
      }
      %add3A_94 = arith.constant 1 : i32
      %add3A_95 = arith.addi %mul3A_76, %add3A_94 : i32
      %dma_wait3A_96 = arith.constant 1 : i32
      %dma_wait3A_97 = arith.constant 0 : i32
      %dma_wait3A_98 = arith.constant 0 : i32
      %dma_wait3A_99 = tpu.memref_slice %arg9[%dma_wait3A_96, %dma_wait3A_97, %dma_wait3A_98] : memref<2x128x16xf32, #tpu.memory_space<vmem>> -> memref<1x128x16xf32, #tpu.memory_space<vmem>>
      %dma_wait3A_100 = tpu.memref_squeeze %dma_wait3A_99 : memref<1x128x16xf32, #tpu.memory_space<vmem>> -> memref<128x16xf32, #tpu.memory_space<vmem>>
      %dma_wait3A_101 = arith.constant 0 : i32
      %dma_wait3A_102 = tpu.memref_slice %arg7[%add3A_95, %dma_wait3A_101] : memref<64x128xi32, #tpu.memory_space<vmem>> -> memref<1x128xi32, #tpu.memory_space<vmem>>
      %dma_wait3A_103 = tpu.memref_squeeze %dma_wait3A_102 : memref<1x128xi32, #tpu.memory_space<vmem>> -> memref<128xi32, #tpu.memory_space<vmem>>
      %dma_wait3A_104 = arith.constant 0 : i32
      %dma_wait3A_105 = arith.constant 0 : i32
      %dma_wait3A_106 = tpu.memref_slice %arg2[%dma_wait3A_104, %dma_wait3A_105] : memref<10000x16xf32, #tpu.memory_space<hbm>> -> memref<10000x16xf32, #tpu.memory_space<hbm>>
      tpu.wait_indirect_dma semaphore(%arg12 : memref<!tpu.dma_semaphore, #tpu.memory_space<semaphore_mem>>) src(%dma_wait3A_106 : memref<10000x16xf32, #tpu.memory_space<hbm>>) dst(%dma_wait3A_100 : memref<128x16xf32, #tpu.memory_space<vmem>>)
      %run_scoped3A_107 = arith.constant 1 : i32
      "tpu.region"() ({
        %run_scoped3A_114 = tpu.sem_alloc : memref<!tpu.dma_semaphore, #tpu.memory_space<semaphore_mem>>
        %dma_start3A_115 = arith.constant 0 : i32
        %dma_start3A_116 = arith.constant 0 : i32
        %dma_start3A_117 = tpu.memref_slice %arg9[%run_scoped3A_107, %dma_start3A_115, %dma_start3A_116] : memref<2x128x16xf32, #tpu.memory_space<vmem>> -> memref<1x128x16xf32, #tpu.memory_space<vmem>>
        %dma_start3A_118 = tpu.memref_squeeze %dma_start3A_117 : memref<1x128x16xf32, #tpu.memory_space<vmem>> -> memref<128x16xf32, #tpu.memory_space<vmem>>
        %dma_start3A_119 = arith.constant 0 : i32
        %dma_start3A_120 = tpu.memref_slice %arg8[%add3A_95, %dma_start3A_119] : memref<64x128xi32, #tpu.memory_space<vmem>> -> memref<1x128xi32, #tpu.memory_space<vmem>>
        %dma_start3A_121 = tpu.memref_squeeze %dma_start3A_120 : memref<1x128xi32, #tpu.memory_space<vmem>> -> memref<128xi32, #tpu.memory_space<vmem>>
        %dma_start3A_122 = arith.constant 0 : i32
        %dma_start3A_123 = arith.constant 0 : i32
        %dma_start3A_124 = tpu.memref_slice %arg10[%dma_start3A_122, %dma_start3A_123] : memref<10112x16xf32, #tpu.memory_space<vmem_shared>> -> memref<10112x16xf32, #tpu.memory_space<vmem_shared>>
        tpu.enqueue_indirect_dma source(%dma_start3A_118 : memref<128x16xf32, #tpu.memory_space<vmem>>) target(%dma_start3A_124 : memref<10112x16xf32, #tpu.memory_space<vmem_shared>>) offsets(%dma_start3A_121 : memref<128xi32, #tpu.memory_space<vmem>>) semaphore(%run_scoped3A_114 : memref<!tpu.dma_semaphore, #tpu.memory_space<semaphore_mem>>) {add = true}
        %dma_wait3A_125 = arith.constant 0 : i32
        %dma_wait3A_126 = arith.constant 0 : i32
        %dma_wait3A_127 = tpu.memref_slice %arg9[%run_scoped3A_107, %dma_wait3A_125, %dma_wait3A_126] : memref<2x128x16xf32, #tpu.memory_space<vmem>> -> memref<1x128x16xf32, #tpu.memory_space<vmem>>
        %dma_wait3A_128 = tpu.memref_squeeze %dma_wait3A_127 : memref<1x128x16xf32, #tpu.memory_space<vmem>> -> memref<128x16xf32, #tpu.memory_space<vmem>>
        %dma_wait3A_129 = arith.constant 0 : i32
        %dma_wait3A_130 = tpu.memref_slice %arg8[%add3A_95, %dma_wait3A_129] : memref<64x128xi32, #tpu.memory_space<vmem>> -> memref<1x128xi32, #tpu.memory_space<vmem>>
        %dma_wait3A_131 = tpu.memref_squeeze %dma_wait3A_130 : memref<1x128xi32, #tpu.memory_space<vmem>> -> memref<128xi32, #tpu.memory_space<vmem>>
        %dma_wait3A_132 = arith.constant 0 : i32
        %dma_wait3A_133 = arith.constant 0 : i32
        %dma_wait3A_134 = tpu.memref_slice %arg10[%dma_wait3A_132, %dma_wait3A_133] : memref<10112x16xf32, #tpu.memory_space<vmem_shared>> -> memref<10112x16xf32, #tpu.memory_space<vmem_shared>>
        tpu.wait_indirect_dma semaphore(%run_scoped3A_114 : memref<!tpu.dma_semaphore, #tpu.memory_space<semaphore_mem>>) src(%dma_wait3A_128 : memref<128x16xf32, #tpu.memory_space<vmem>>) dst(%dma_wait3A_134 : memref<10112x16xf32, #tpu.memory_space<vmem_shared>>)
        tpu.yield
      }) : () -> ()
      %add3A_108 = arith.constant 2 : i32
      %add3A_109 = arith.addi %add3A_95, %add3A_108 : i32
      %lt3A_110 = arith.cmpi slt, %add3A_109, %select_n3A_8 : i32
      %convert_element_type3A_111 = arith.extui %lt3A_110 : i1 to i32
      %cond3A_112 = arith.constant 0 : i32
      %cond3A_113 = arith.cmpi ne, %convert_element_type3A_111, %cond3A_112 : i32
      scf.if %cond3A_113 {
        %add3A_114 = arith.constant 2 : i32
        %add3A_115 = arith.addi %add3A_95, %add3A_114 : i32
        %dma_start3A_116 = arith.constant 1 : i32
        %dma_start3A_117 = arith.constant 0 : i32
        %dma_start3A_118 = arith.constant 0 : i32
        %dma_start3A_119 = tpu.memref_slice %arg9[%dma_start3A_116, %dma_start3A_117, %dma_start3A_118] : memref<2x128x16xf32, #tpu.memory_space<vmem>> -> memref<1x128x16xf32, #tpu.memory_space<vmem>>
        %dma_start3A_120 = tpu.memref_squeeze %dma_start3A_119 : memref<1x128x16xf32, #tpu.memory_space<vmem>> -> memref<128x16xf32, #tpu.memory_space<vmem>>
        %dma_start3A_121 = arith.constant 0 : i32
        %dma_start3A_122 = tpu.memref_slice %arg7[%add3A_115, %dma_start3A_121] : memref<64x128xi32, #tpu.memory_space<vmem>> -> memref<1x128xi32, #tpu.memory_space<vmem>>
        %dma_start3A_123 = tpu.memref_squeeze %dma_start3A_122 : memref<1x128xi32, #tpu.memory_space<vmem>> -> memref<128xi32, #tpu.memory_space<vmem>>
        %dma_start3A_124 = arith.constant 0 : i32
        %dma_start3A_125 = arith.constant 0 : i32
        %dma_start3A_126 = tpu.memref_slice %arg2[%dma_start3A_124, %dma_start3A_125] : memref<10000x16xf32, #tpu.memory_space<hbm>> -> memref<10000x16xf32, #tpu.memory_space<hbm>>
        tpu.enqueue_indirect_dma source(%dma_start3A_126 : memref<10000x16xf32, #tpu.memory_space<hbm>>) target(%dma_start3A_120 : memref<128x16xf32, #tpu.memory_space<vmem>>) offsets(%dma_start3A_123 : memref<128xi32, #tpu.memory_space<vmem>>) semaphore(%arg12 : memref<!tpu.dma_semaphore, #tpu.memory_space<semaphore_mem>>)
      } else {
      }
    }
    %barrier3A_69 = arith.constant 0 : index
    tpu.barrier barrier_id(%barrier3A_69)
    %mul3A_70 = arith.constant 632 : i32
    %mul3A_71 = arith.muli %arg1, %mul3A_70 : i32
    %mul3A_72 = arith.constant 632 : i32
    %mul3A_73 = arith.muli %arg1, %mul3A_72 : i32
    "tpu.region"() ({
      %run_scoped3A = tpu.sem_alloc : memref<!tpu.dma_semaphore, #tpu.memory_space<semaphore_mem>>
      %dma_start3A_74 = arith.constant 0 : i32
      %dma_start3A_75 = tpu.memref_slice %arg6[%arg0, %mul3A_73, %dma_start3A_74] : memref<2x10112x16xf32, #tpu.memory_space<hbm>> -> memref<1x632x16xf32, #tpu.memory_space<hbm>>
      %dma_start3A_76 = tpu.memref_squeeze %dma_start3A_75 : memref<1x632x16xf32, #tpu.memory_space<hbm>> -> memref<632x16xf32, #tpu.memory_space<hbm>>
      %dma_start3A_77 = arith.constant 0 : i32
      %dma_start3A_78 = tpu.memref_slice %arg10[%mul3A_71, %dma_start3A_77] : memref<10112x16xf32, #tpu.memory_space<vmem_shared>> -> memref<632x16xf32, #tpu.memory_space<vmem_shared>>
      tpu.enqueue_dma source(%dma_start3A_78 : memref<632x16xf32, #tpu.memory_space<vmem_shared>>) target(%dma_start3A_76 : memref<632x16xf32, #tpu.memory_space<hbm>>) target_semaphore(%run_scoped3A : memref<!tpu.dma_semaphore, #tpu.memory_space<semaphore_mem>>)
      %dma_wait3A = arith.constant 0 : i32
      %dma_wait3A_79 = tpu.memref_slice %arg6[%arg0, %mul3A_73, %dma_wait3A] : memref<2x10112x16xf32, #tpu.memory_space<hbm>> -> memref<1x632x16xf32, #tpu.memory_space<hbm>>
      %dma_wait3A_80 = tpu.memref_squeeze %dma_wait3A_79 : memref<1x632x16xf32, #tpu.memory_space<hbm>> -> memref<632x16xf32, #tpu.memory_space<hbm>>
      %dma_wait3A_81 = arith.constant 0 : i32
      %dma_wait3A_82 = tpu.memref_slice %arg10[%mul3A_71, %dma_wait3A_81] : memref<10112x16xf32, #tpu.memory_space<vmem_shared>> -> memref<632x16xf32, #tpu.memory_space<vmem_shared>>
      tpu.wait_dma2 semaphore(%run_scoped3A : memref<!tpu.dma_semaphore, #tpu.memory_space<semaphore_mem>>) src(%dma_wait3A_82 : memref<632x16xf32, #tpu.memory_space<vmem_shared>>) dst(%dma_wait3A_80 : memref<632x16xf32, #tpu.memory_space<hbm>>)
      tpu.yield
    }) : () -> ()
    return
  }
}

#map = affine_map<(d0, d1) -> (0, 0)>
#map1 = affine_map<(d0, d1) -> (0, 0, 0)>
module attributes {stable_mosaic.version = 14 : i64} {
  func.func @prop(%arg0: i32, %arg1: i32, %arg2: memref<10000x64xf32, #tpu.memory_space<hbm>>, %arg3: memref<10000x64xf32, #tpu.memory_space<hbm>>, %arg4: memref<1280x128xi32, #tpu.memory_space<hbm>>, %arg5: memref<1280x128xi32, #tpu.memory_space<hbm>>, %arg6: memref<632x64xf32, #tpu.memory_space<hbm>>, %arg7: memref<2x10112x64xf32, #tpu.memory_space<hbm>>, %arg8: memref<80x128xi32, #tpu.memory_space<vmem>>, %arg9: memref<80x128xi32, #tpu.memory_space<vmem>>, %arg10: memref<2x128x64xf32, #tpu.memory_space<vmem>>, %arg11: memref<10112x64xf32, #tpu.memory_space<vmem_shared>>, %arg12: memref<!tpu.dma_semaphore, #tpu.memory_space<semaphore_mem>>, %arg13: memref<!tpu.dma_semaphore, #tpu.memory_space<semaphore_mem>>) attributes {dimension_semantics = [#tpu.dimension_semantics<core_parallel>, #tpu.dimension_semantics<subcore_parallel>], iteration_bounds = array<i64: 2, 16>, scalar_prefetch = 0 : i64, scratch_operands = 6 : i64, tpu.core_type = #tpu.core_type<sc_vector_subcore>, window_params = [{transform_indices = #map}, {transform_indices = #map}, {transform_indices = #map}, {transform_indices = #map}, {transform_indices = #map}, {transform_indices = #map1}]} {
    %mul3A = arith.constant 80 : i32
    %mul3A_0 = arith.muli %arg1, %mul3A : i32
    "tpu.region"() ({
      %run_scoped3A = tpu.sem_alloc : memref<!tpu.dma_semaphore, #tpu.memory_space<semaphore_mem>>
      %dma_start3A = arith.constant 0 : i32
      %dma_start3A_11 = tpu.memref_slice %arg4[%mul3A_0, %dma_start3A] : memref<1280x128xi32, #tpu.memory_space<hbm>> -> memref<80x128xi32, #tpu.memory_space<hbm>>
      %dma_start3A_12 = arith.constant 0 : i32
      %dma_start3A_13 = tpu.memref_slice %arg4[%mul3A_0, %dma_start3A_12] : memref<1280x128xi32, #tpu.memory_space<hbm>> -> memref<80x128xi32, #tpu.memory_space<hbm>>
      tpu.enqueue_dma source(%dma_start3A_13 : memref<80x128xi32, #tpu.memory_space<hbm>>) target(%arg8 : memref<80x128xi32, #tpu.memory_space<vmem>>) target_semaphore(%run_scoped3A : memref<!tpu.dma_semaphore, #tpu.memory_space<semaphore_mem>>)
      %dma_wait3A = arith.constant 0 : i32
      %dma_wait3A_14 = tpu.memref_slice %arg4[%mul3A_0, %dma_wait3A] : memref<1280x128xi32, #tpu.memory_space<hbm>> -> memref<80x128xi32, #tpu.memory_space<hbm>>
      %dma_wait3A_15 = arith.constant 0 : i32
      %dma_wait3A_16 = tpu.memref_slice %arg4[%mul3A_0, %dma_wait3A_15] : memref<1280x128xi32, #tpu.memory_space<hbm>> -> memref<80x128xi32, #tpu.memory_space<hbm>>
      tpu.wait_dma2 semaphore(%run_scoped3A : memref<!tpu.dma_semaphore, #tpu.memory_space<semaphore_mem>>) src(%dma_wait3A_16 : memref<80x128xi32, #tpu.memory_space<hbm>>) dst(%arg8 : memref<80x128xi32, #tpu.memory_space<vmem>>)
      tpu.yield
    }) : () -> ()
    "tpu.region"() ({
      %run_scoped3A = tpu.sem_alloc : memref<!tpu.dma_semaphore, #tpu.memory_space<semaphore_mem>>
      %dma_start3A = arith.constant 0 : i32
      %dma_start3A_11 = tpu.memref_slice %arg5[%mul3A_0, %dma_start3A] : memref<1280x128xi32, #tpu.memory_space<hbm>> -> memref<80x128xi32, #tpu.memory_space<hbm>>
      %dma_start3A_12 = arith.constant 0 : i32
      %dma_start3A_13 = tpu.memref_slice %arg5[%mul3A_0, %dma_start3A_12] : memref<1280x128xi32, #tpu.memory_space<hbm>> -> memref<80x128xi32, #tpu.memory_space<hbm>>
      tpu.enqueue_dma source(%dma_start3A_13 : memref<80x128xi32, #tpu.memory_space<hbm>>) target(%arg9 : memref<80x128xi32, #tpu.memory_space<vmem>>) target_semaphore(%run_scoped3A : memref<!tpu.dma_semaphore, #tpu.memory_space<semaphore_mem>>)
      %dma_wait3A = arith.constant 0 : i32
      %dma_wait3A_14 = tpu.memref_slice %arg5[%mul3A_0, %dma_wait3A] : memref<1280x128xi32, #tpu.memory_space<hbm>> -> memref<80x128xi32, #tpu.memory_space<hbm>>
      %dma_wait3A_15 = arith.constant 0 : i32
      %dma_wait3A_16 = tpu.memref_slice %arg5[%mul3A_0, %dma_wait3A_15] : memref<1280x128xi32, #tpu.memory_space<hbm>> -> memref<80x128xi32, #tpu.memory_space<hbm>>
      tpu.wait_dma2 semaphore(%run_scoped3A : memref<!tpu.dma_semaphore, #tpu.memory_space<semaphore_mem>>) src(%dma_wait3A_16 : memref<80x128xi32, #tpu.memory_space<hbm>>) dst(%arg9 : memref<80x128xi32, #tpu.memory_space<vmem>>)
      tpu.yield
    }) : () -> ()
    %eq3A = arith.constant 0 : i32
    %eq3A_1 = arith.cmpi eq, %arg0, %eq3A : i32
    %convert_element_type3A = arith.extui %eq3A_1 : i1 to i32
    %cond3A = arith.constant 0 : i32
    %cond3A_2 = arith.cmpi ne, %convert_element_type3A, %cond3A : i32
    scf.if %cond3A_2 {
      %dma_start3A = arith.constant 0 : i32
      %dma_start3A_11 = arith.constant 0 : i32
      %dma_start3A_12 = arith.constant 0 : i32
      %dma_start3A_13 = arith.constant 0 : i32
      %dma_start3A_14 = tpu.memref_slice %arg10[%dma_start3A_11, %dma_start3A_12, %dma_start3A_13] : memref<2x128x64xf32, #tpu.memory_space<vmem>> -> memref<1x128x64xf32, #tpu.memory_space<vmem>>
      %dma_start3A_15 = tpu.memref_squeeze %dma_start3A_14 : memref<1x128x64xf32, #tpu.memory_space<vmem>> -> memref<128x64xf32, #tpu.memory_space<vmem>>
      %dma_start3A_16 = arith.constant 0 : i32
      %dma_start3A_17 = tpu.memref_slice %arg8[%dma_start3A, %dma_start3A_16] : memref<80x128xi32, #tpu.memory_space<vmem>> -> memref<1x128xi32, #tpu.memory_space<vmem>>
      %dma_start3A_18 = tpu.memref_squeeze %dma_start3A_17 : memref<1x128xi32, #tpu.memory_space<vmem>> -> memref<128xi32, #tpu.memory_space<vmem>>
      %dma_start3A_19 = arith.constant 0 : i32
      %dma_start3A_20 = arith.constant 0 : i32
      %dma_start3A_21 = tpu.memref_slice %arg2[%dma_start3A_19, %dma_start3A_20] : memref<10000x64xf32, #tpu.memory_space<hbm>> -> memref<10000x64xf32, #tpu.memory_space<hbm>>
      tpu.enqueue_indirect_dma source(%dma_start3A_21 : memref<10000x64xf32, #tpu.memory_space<hbm>>) target(%dma_start3A_15 : memref<128x64xf32, #tpu.memory_space<vmem>>) offsets(%dma_start3A_18 : memref<128xi32, #tpu.memory_space<vmem>>) semaphore(%arg12 : memref<!tpu.dma_semaphore, #tpu.memory_space<semaphore_mem>>)
      %dma_start3A_22 = arith.constant 1 : i32
      %dma_start3A_23 = arith.constant 1 : i32
      %dma_start3A_24 = arith.constant 0 : i32
      %dma_start3A_25 = arith.constant 0 : i32
      %dma_start3A_26 = tpu.memref_slice %arg10[%dma_start3A_23, %dma_start3A_24, %dma_start3A_25] : memref<2x128x64xf32, #tpu.memory_space<vmem>> -> memref<1x128x64xf32, #tpu.memory_space<vmem>>
      %dma_start3A_27 = tpu.memref_squeeze %dma_start3A_26 : memref<1x128x64xf32, #tpu.memory_space<vmem>> -> memref<128x64xf32, #tpu.memory_space<vmem>>
      %dma_start3A_28 = arith.constant 0 : i32
      %dma_start3A_29 = tpu.memref_slice %arg8[%dma_start3A_22, %dma_start3A_28] : memref<80x128xi32, #tpu.memory_space<vmem>> -> memref<1x128xi32, #tpu.memory_space<vmem>>
      %dma_start3A_30 = tpu.memref_squeeze %dma_start3A_29 : memref<1x128xi32, #tpu.memory_space<vmem>> -> memref<128xi32, #tpu.memory_space<vmem>>
      %dma_start3A_31 = arith.constant 0 : i32
      %dma_start3A_32 = arith.constant 0 : i32
      %dma_start3A_33 = tpu.memref_slice %arg2[%dma_start3A_31, %dma_start3A_32] : memref<10000x64xf32, #tpu.memory_space<hbm>> -> memref<10000x64xf32, #tpu.memory_space<hbm>>
      tpu.enqueue_indirect_dma source(%dma_start3A_33 : memref<10000x64xf32, #tpu.memory_space<hbm>>) target(%dma_start3A_27 : memref<128x64xf32, #tpu.memory_space<vmem>>) offsets(%dma_start3A_30 : memref<128xi32, #tpu.memory_space<vmem>>) semaphore(%arg13 : memref<!tpu.dma_semaphore, #tpu.memory_space<semaphore_mem>>)
      %mul3A_34 = arith.constant 632 : i32
      %mul3A_35 = arith.muli %arg1, %mul3A_34 : i32
      "tpu.region"() ({
        %run_scoped3A = tpu.sem_alloc : memref<!tpu.dma_semaphore, #tpu.memory_space<semaphore_mem>>
        %dma_start3A_42 = arith.constant 0 : i32
        %dma_start3A_43 = tpu.memref_slice %arg11[%mul3A_35, %dma_start3A_42] : memref<10112x64xf32, #tpu.memory_space<vmem_shared>> -> memref<632x64xf32, #tpu.memory_space<vmem_shared>>
        tpu.enqueue_dma source(%arg6 : memref<632x64xf32, #tpu.memory_space<hbm>>) target(%dma_start3A_43 : memref<632x64xf32, #tpu.memory_space<vmem_shared>>) target_semaphore(%run_scoped3A : memref<!tpu.dma_semaphore, #tpu.memory_space<semaphore_mem>>)
        %dma_wait3A = arith.constant 0 : i32
        %dma_wait3A_44 = tpu.memref_slice %arg11[%mul3A_35, %dma_wait3A] : memref<10112x64xf32, #tpu.memory_space<vmem_shared>> -> memref<632x64xf32, #tpu.memory_space<vmem_shared>>
        tpu.wait_dma2 semaphore(%run_scoped3A : memref<!tpu.dma_semaphore, #tpu.memory_space<semaphore_mem>>) src(%arg6 : memref<632x64xf32, #tpu.memory_space<hbm>>) dst(%dma_wait3A_44 : memref<632x64xf32, #tpu.memory_space<vmem_shared>>)
        tpu.yield
      }) : () -> ()
      %barrier3A = arith.constant 0 : index
      tpu.barrier barrier_id(%barrier3A)
      %scan3A = arith.constant 0 : i32
      %scan3A_36 = arith.constant 0 : i32
      %scan3A_37 = arith.constant 40 : i32
      %scan3A_38 = arith.addi %scan3A_36, %scan3A_37 : i32
      %scan3A_39 = arith.constant 1 : i32
      scf.for %scan3A_42 = %scan3A_36 to %scan3A_38 step %scan3A_39  : i32 {
        %mul3A_43 = arith.constant 2 : i32
        %mul3A_44 = arith.muli %scan3A_42, %mul3A_43 : i32
        %add3A = arith.constant 0 : i32
        %add3A_45 = arith.addi %mul3A_44, %add3A : i32
        %dma_wait3A = arith.constant 0 : i32
        %dma_wait3A_46 = arith.constant 0 : i32
        %dma_wait3A_47 = arith.constant 0 : i32
        %dma_wait3A_48 = tpu.memref_slice %arg10[%dma_wait3A, %dma_wait3A_46, %dma_wait3A_47] : memref<2x128x64xf32, #tpu.memory_space<vmem>> -> memref<1x128x64xf32, #tpu.memory_space<vmem>>
        %dma_wait3A_49 = tpu.memref_squeeze %dma_wait3A_48 : memref<1x128x64xf32, #tpu.memory_space<vmem>> -> memref<128x64xf32, #tpu.memory_space<vmem>>
        %dma_wait3A_50 = arith.constant 0 : i32
        %dma_wait3A_51 = tpu.memref_slice %arg8[%add3A_45, %dma_wait3A_50] : memref<80x128xi32, #tpu.memory_space<vmem>> -> memref<1x128xi32, #tpu.memory_space<vmem>>
        %dma_wait3A_52 = tpu.memref_squeeze %dma_wait3A_51 : memref<1x128xi32, #tpu.memory_space<vmem>> -> memref<128xi32, #tpu.memory_space<vmem>>
        %dma_wait3A_53 = arith.constant 0 : i32
        %dma_wait3A_54 = arith.constant 0 : i32
        %dma_wait3A_55 = tpu.memref_slice %arg2[%dma_wait3A_53, %dma_wait3A_54] : memref<10000x64xf32, #tpu.memory_space<hbm>> -> memref<10000x64xf32, #tpu.memory_space<hbm>>
        tpu.wait_indirect_dma semaphore(%arg12 : memref<!tpu.dma_semaphore, #tpu.memory_space<semaphore_mem>>) src(%dma_wait3A_55 : memref<10000x64xf32, #tpu.memory_space<hbm>>) dst(%dma_wait3A_49 : memref<128x64xf32, #tpu.memory_space<vmem>>)
        %run_scoped3A = arith.constant 0 : i32
        "tpu.region"() ({
          %run_scoped3A_83 = tpu.sem_alloc : memref<!tpu.dma_semaphore, #tpu.memory_space<semaphore_mem>>
          %dma_start3A_84 = arith.constant 0 : i32
          %dma_start3A_85 = arith.constant 0 : i32
          %dma_start3A_86 = tpu.memref_slice %arg10[%run_scoped3A, %dma_start3A_84, %dma_start3A_85] : memref<2x128x64xf32, #tpu.memory_space<vmem>> -> memref<1x128x64xf32, #tpu.memory_space<vmem>>
          %dma_start3A_87 = tpu.memref_squeeze %dma_start3A_86 : memref<1x128x64xf32, #tpu.memory_space<vmem>> -> memref<128x64xf32, #tpu.memory_space<vmem>>
          %dma_start3A_88 = arith.constant 0 : i32
          %dma_start3A_89 = tpu.memref_slice %arg9[%add3A_45, %dma_start3A_88] : memref<80x128xi32, #tpu.memory_space<vmem>> -> memref<1x128xi32, #tpu.memory_space<vmem>>
          %dma_start3A_90 = tpu.memref_squeeze %dma_start3A_89 : memref<1x128xi32, #tpu.memory_space<vmem>> -> memref<128xi32, #tpu.memory_space<vmem>>
          %dma_start3A_91 = arith.constant 0 : i32
          %dma_start3A_92 = arith.constant 0 : i32
          %dma_start3A_93 = tpu.memref_slice %arg11[%dma_start3A_91, %dma_start3A_92] : memref<10112x64xf32, #tpu.memory_space<vmem_shared>> -> memref<10112x64xf32, #tpu.memory_space<vmem_shared>>
          tpu.enqueue_indirect_dma source(%dma_start3A_87 : memref<128x64xf32, #tpu.memory_space<vmem>>) target(%dma_start3A_93 : memref<10112x64xf32, #tpu.memory_space<vmem_shared>>) offsets(%dma_start3A_90 : memref<128xi32, #tpu.memory_space<vmem>>) semaphore(%run_scoped3A_83 : memref<!tpu.dma_semaphore, #tpu.memory_space<semaphore_mem>>) {add = true}
          %dma_wait3A_94 = arith.constant 0 : i32
          %dma_wait3A_95 = arith.constant 0 : i32
          %dma_wait3A_96 = tpu.memref_slice %arg10[%run_scoped3A, %dma_wait3A_94, %dma_wait3A_95] : memref<2x128x64xf32, #tpu.memory_space<vmem>> -> memref<1x128x64xf32, #tpu.memory_space<vmem>>
          %dma_wait3A_97 = tpu.memref_squeeze %dma_wait3A_96 : memref<1x128x64xf32, #tpu.memory_space<vmem>> -> memref<128x64xf32, #tpu.memory_space<vmem>>
          %dma_wait3A_98 = arith.constant 0 : i32
          %dma_wait3A_99 = tpu.memref_slice %arg9[%add3A_45, %dma_wait3A_98] : memref<80x128xi32, #tpu.memory_space<vmem>> -> memref<1x128xi32, #tpu.memory_space<vmem>>
          %dma_wait3A_100 = tpu.memref_squeeze %dma_wait3A_99 : memref<1x128xi32, #tpu.memory_space<vmem>> -> memref<128xi32, #tpu.memory_space<vmem>>
          %dma_wait3A_101 = arith.constant 0 : i32
          %dma_wait3A_102 = arith.constant 0 : i32
          %dma_wait3A_103 = tpu.memref_slice %arg11[%dma_wait3A_101, %dma_wait3A_102] : memref<10112x64xf32, #tpu.memory_space<vmem_shared>> -> memref<10112x64xf32, #tpu.memory_space<vmem_shared>>
          tpu.wait_indirect_dma semaphore(%run_scoped3A_83 : memref<!tpu.dma_semaphore, #tpu.memory_space<semaphore_mem>>) src(%dma_wait3A_97 : memref<128x64xf32, #tpu.memory_space<vmem>>) dst(%dma_wait3A_103 : memref<10112x64xf32, #tpu.memory_space<vmem_shared>>)
          tpu.yield
        }) : () -> ()
        %add3A_56 = arith.constant 2 : i32
        %add3A_57 = arith.addi %add3A_45, %add3A_56 : i32
        %lt3A = arith.constant 80 : i32
        %lt3A_58 = arith.cmpi slt, %add3A_57, %lt3A : i32
        %convert_element_type3A_59 = arith.extui %lt3A_58 : i1 to i32
        %cond3A_60 = arith.constant 0 : i32
        %cond3A_61 = arith.cmpi ne, %convert_element_type3A_59, %cond3A_60 : i32
        scf.if %cond3A_61 {
          %add3A_83 = arith.constant 2 : i32
          %add3A_84 = arith.addi %add3A_45, %add3A_83 : i32
          %dma_start3A_85 = arith.constant 0 : i32
          %dma_start3A_86 = arith.constant 0 : i32
          %dma_start3A_87 = arith.constant 0 : i32
          %dma_start3A_88 = tpu.memref_slice %arg10[%dma_start3A_85, %dma_start3A_86, %dma_start3A_87] : memref<2x128x64xf32, #tpu.memory_space<vmem>> -> memref<1x128x64xf32, #tpu.memory_space<vmem>>
          %dma_start3A_89 = tpu.memref_squeeze %dma_start3A_88 : memref<1x128x64xf32, #tpu.memory_space<vmem>> -> memref<128x64xf32, #tpu.memory_space<vmem>>
          %dma_start3A_90 = arith.constant 0 : i32
          %dma_start3A_91 = tpu.memref_slice %arg8[%add3A_84, %dma_start3A_90] : memref<80x128xi32, #tpu.memory_space<vmem>> -> memref<1x128xi32, #tpu.memory_space<vmem>>
          %dma_start3A_92 = tpu.memref_squeeze %dma_start3A_91 : memref<1x128xi32, #tpu.memory_space<vmem>> -> memref<128xi32, #tpu.memory_space<vmem>>
          %dma_start3A_93 = arith.constant 0 : i32
          %dma_start3A_94 = arith.constant 0 : i32
          %dma_start3A_95 = tpu.memref_slice %arg2[%dma_start3A_93, %dma_start3A_94] : memref<10000x64xf32, #tpu.memory_space<hbm>> -> memref<10000x64xf32, #tpu.memory_space<hbm>>
          tpu.enqueue_indirect_dma source(%dma_start3A_95 : memref<10000x64xf32, #tpu.memory_space<hbm>>) target(%dma_start3A_89 : memref<128x64xf32, #tpu.memory_space<vmem>>) offsets(%dma_start3A_92 : memref<128xi32, #tpu.memory_space<vmem>>) semaphore(%arg12 : memref<!tpu.dma_semaphore, #tpu.memory_space<semaphore_mem>>)
        } else {
        }
        %add3A_62 = arith.constant 1 : i32
        %add3A_63 = arith.addi %mul3A_44, %add3A_62 : i32
        %dma_wait3A_64 = arith.constant 1 : i32
        %dma_wait3A_65 = arith.constant 0 : i32
        %dma_wait3A_66 = arith.constant 0 : i32
        %dma_wait3A_67 = tpu.memref_slice %arg10[%dma_wait3A_64, %dma_wait3A_65, %dma_wait3A_66] : memref<2x128x64xf32, #tpu.memory_space<vmem>> -> memref<1x128x64xf32, #tpu.memory_space<vmem>>
        %dma_wait3A_68 = tpu.memref_squeeze %dma_wait3A_67 : memref<1x128x64xf32, #tpu.memory_space<vmem>> -> memref<128x64xf32, #tpu.memory_space<vmem>>
        %dma_wait3A_69 = arith.constant 0 : i32
        %dma_wait3A_70 = tpu.memref_slice %arg8[%add3A_63, %dma_wait3A_69] : memref<80x128xi32, #tpu.memory_space<vmem>> -> memref<1x128xi32, #tpu.memory_space<vmem>>
        %dma_wait3A_71 = tpu.memref_squeeze %dma_wait3A_70 : memref<1x128xi32, #tpu.memory_space<vmem>> -> memref<128xi32, #tpu.memory_space<vmem>>
        %dma_wait3A_72 = arith.constant 0 : i32
        %dma_wait3A_73 = arith.constant 0 : i32
        %dma_wait3A_74 = tpu.memref_slice %arg2[%dma_wait3A_72, %dma_wait3A_73] : memref<10000x64xf32, #tpu.memory_space<hbm>> -> memref<10000x64xf32, #tpu.memory_space<hbm>>
        tpu.wait_indirect_dma semaphore(%arg13 : memref<!tpu.dma_semaphore, #tpu.memory_space<semaphore_mem>>) src(%dma_wait3A_74 : memref<10000x64xf32, #tpu.memory_space<hbm>>) dst(%dma_wait3A_68 : memref<128x64xf32, #tpu.memory_space<vmem>>)
        %run_scoped3A_75 = arith.constant 1 : i32
        "tpu.region"() ({
          %run_scoped3A_83 = tpu.sem_alloc : memref<!tpu.dma_semaphore, #tpu.memory_space<semaphore_mem>>
          %dma_start3A_84 = arith.constant 0 : i32
          %dma_start3A_85 = arith.constant 0 : i32
          %dma_start3A_86 = tpu.memref_slice %arg10[%run_scoped3A_75, %dma_start3A_84, %dma_start3A_85] : memref<2x128x64xf32, #tpu.memory_space<vmem>> -> memref<1x128x64xf32, #tpu.memory_space<vmem>>
          %dma_start3A_87 = tpu.memref_squeeze %dma_start3A_86 : memref<1x128x64xf32, #tpu.memory_space<vmem>> -> memref<128x64xf32, #tpu.memory_space<vmem>>
          %dma_start3A_88 = arith.constant 0 : i32
          %dma_start3A_89 = tpu.memref_slice %arg9[%add3A_63, %dma_start3A_88] : memref<80x128xi32, #tpu.memory_space<vmem>> -> memref<1x128xi32, #tpu.memory_space<vmem>>
          %dma_start3A_90 = tpu.memref_squeeze %dma_start3A_89 : memref<1x128xi32, #tpu.memory_space<vmem>> -> memref<128xi32, #tpu.memory_space<vmem>>
          %dma_start3A_91 = arith.constant 0 : i32
          %dma_start3A_92 = arith.constant 0 : i32
          %dma_start3A_93 = tpu.memref_slice %arg11[%dma_start3A_91, %dma_start3A_92] : memref<10112x64xf32, #tpu.memory_space<vmem_shared>> -> memref<10112x64xf32, #tpu.memory_space<vmem_shared>>
          tpu.enqueue_indirect_dma source(%dma_start3A_87 : memref<128x64xf32, #tpu.memory_space<vmem>>) target(%dma_start3A_93 : memref<10112x64xf32, #tpu.memory_space<vmem_shared>>) offsets(%dma_start3A_90 : memref<128xi32, #tpu.memory_space<vmem>>) semaphore(%run_scoped3A_83 : memref<!tpu.dma_semaphore, #tpu.memory_space<semaphore_mem>>) {add = true}
          %dma_wait3A_94 = arith.constant 0 : i32
          %dma_wait3A_95 = arith.constant 0 : i32
          %dma_wait3A_96 = tpu.memref_slice %arg10[%run_scoped3A_75, %dma_wait3A_94, %dma_wait3A_95] : memref<2x128x64xf32, #tpu.memory_space<vmem>> -> memref<1x128x64xf32, #tpu.memory_space<vmem>>
          %dma_wait3A_97 = tpu.memref_squeeze %dma_wait3A_96 : memref<1x128x64xf32, #tpu.memory_space<vmem>> -> memref<128x64xf32, #tpu.memory_space<vmem>>
          %dma_wait3A_98 = arith.constant 0 : i32
          %dma_wait3A_99 = tpu.memref_slice %arg9[%add3A_63, %dma_wait3A_98] : memref<80x128xi32, #tpu.memory_space<vmem>> -> memref<1x128xi32, #tpu.memory_space<vmem>>
          %dma_wait3A_100 = tpu.memref_squeeze %dma_wait3A_99 : memref<1x128xi32, #tpu.memory_space<vmem>> -> memref<128xi32, #tpu.memory_space<vmem>>
          %dma_wait3A_101 = arith.constant 0 : i32
          %dma_wait3A_102 = arith.constant 0 : i32
          %dma_wait3A_103 = tpu.memref_slice %arg11[%dma_wait3A_101, %dma_wait3A_102] : memref<10112x64xf32, #tpu.memory_space<vmem_shared>> -> memref<10112x64xf32, #tpu.memory_space<vmem_shared>>
          tpu.wait_indirect_dma semaphore(%run_scoped3A_83 : memref<!tpu.dma_semaphore, #tpu.memory_space<semaphore_mem>>) src(%dma_wait3A_97 : memref<128x64xf32, #tpu.memory_space<vmem>>) dst(%dma_wait3A_103 : memref<10112x64xf32, #tpu.memory_space<vmem_shared>>)
          tpu.yield
        }) : () -> ()
        %add3A_76 = arith.constant 2 : i32
        %add3A_77 = arith.addi %add3A_63, %add3A_76 : i32
        %lt3A_78 = arith.constant 80 : i32
        %lt3A_79 = arith.cmpi slt, %add3A_77, %lt3A_78 : i32
        %convert_element_type3A_80 = arith.extui %lt3A_79 : i1 to i32
        %cond3A_81 = arith.constant 0 : i32
        %cond3A_82 = arith.cmpi ne, %convert_element_type3A_80, %cond3A_81 : i32
        scf.if %cond3A_82 {
          %add3A_83 = arith.constant 2 : i32
          %add3A_84 = arith.addi %add3A_63, %add3A_83 : i32
          %dma_start3A_85 = arith.constant 1 : i32
          %dma_start3A_86 = arith.constant 0 : i32
          %dma_start3A_87 = arith.constant 0 : i32
          %dma_start3A_88 = tpu.memref_slice %arg10[%dma_start3A_85, %dma_start3A_86, %dma_start3A_87] : memref<2x128x64xf32, #tpu.memory_space<vmem>> -> memref<1x128x64xf32, #tpu.memory_space<vmem>>
          %dma_start3A_89 = tpu.memref_squeeze %dma_start3A_88 : memref<1x128x64xf32, #tpu.memory_space<vmem>> -> memref<128x64xf32, #tpu.memory_space<vmem>>
          %dma_start3A_90 = arith.constant 0 : i32
          %dma_start3A_91 = tpu.memref_slice %arg8[%add3A_84, %dma_start3A_90] : memref<80x128xi32, #tpu.memory_space<vmem>> -> memref<1x128xi32, #tpu.memory_space<vmem>>
          %dma_start3A_92 = tpu.memref_squeeze %dma_start3A_91 : memref<1x128xi32, #tpu.memory_space<vmem>> -> memref<128xi32, #tpu.memory_space<vmem>>
          %dma_start3A_93 = arith.constant 0 : i32
          %dma_start3A_94 = arith.constant 0 : i32
          %dma_start3A_95 = tpu.memref_slice %arg2[%dma_start3A_93, %dma_start3A_94] : memref<10000x64xf32, #tpu.memory_space<hbm>> -> memref<10000x64xf32, #tpu.memory_space<hbm>>
          tpu.enqueue_indirect_dma source(%dma_start3A_95 : memref<10000x64xf32, #tpu.memory_space<hbm>>) target(%dma_start3A_89 : memref<128x64xf32, #tpu.memory_space<vmem>>) offsets(%dma_start3A_92 : memref<128xi32, #tpu.memory_space<vmem>>) semaphore(%arg13 : memref<!tpu.dma_semaphore, #tpu.memory_space<semaphore_mem>>)
        } else {
        }
      }
      %scan3A_40 = arith.constant 40 : i32
      %barrier3A_41 = arith.constant 0 : index
      tpu.barrier barrier_id(%barrier3A_41)
    } else {
    }
    %ne3A = arith.constant 0 : i32
    %ne3A_3 = arith.cmpi ne, %arg0, %ne3A : i32
    %convert_element_type3A_4 = arith.extui %ne3A_3 : i1 to i32
    %cond3A_5 = arith.constant 0 : i32
    %cond3A_6 = arith.cmpi ne, %convert_element_type3A_4, %cond3A_5 : i32
    scf.if %cond3A_6 {
      %dma_start3A = arith.constant 0 : i32
      %dma_start3A_11 = arith.constant 0 : i32
      %dma_start3A_12 = arith.constant 0 : i32
      %dma_start3A_13 = arith.constant 0 : i32
      %dma_start3A_14 = tpu.memref_slice %arg10[%dma_start3A_11, %dma_start3A_12, %dma_start3A_13] : memref<2x128x64xf32, #tpu.memory_space<vmem>> -> memref<1x128x64xf32, #tpu.memory_space<vmem>>
      %dma_start3A_15 = tpu.memref_squeeze %dma_start3A_14 : memref<1x128x64xf32, #tpu.memory_space<vmem>> -> memref<128x64xf32, #tpu.memory_space<vmem>>
      %dma_start3A_16 = arith.constant 0 : i32
      %dma_start3A_17 = tpu.memref_slice %arg8[%dma_start3A, %dma_start3A_16] : memref<80x128xi32, #tpu.memory_space<vmem>> -> memref<1x128xi32, #tpu.memory_space<vmem>>
      %dma_start3A_18 = tpu.memref_squeeze %dma_start3A_17 : memref<1x128xi32, #tpu.memory_space<vmem>> -> memref<128xi32, #tpu.memory_space<vmem>>
      %dma_start3A_19 = arith.constant 0 : i32
      %dma_start3A_20 = arith.constant 0 : i32
      %dma_start3A_21 = tpu.memref_slice %arg3[%dma_start3A_19, %dma_start3A_20] : memref<10000x64xf32, #tpu.memory_space<hbm>> -> memref<10000x64xf32, #tpu.memory_space<hbm>>
      tpu.enqueue_indirect_dma source(%dma_start3A_21 : memref<10000x64xf32, #tpu.memory_space<hbm>>) target(%dma_start3A_15 : memref<128x64xf32, #tpu.memory_space<vmem>>) offsets(%dma_start3A_18 : memref<128xi32, #tpu.memory_space<vmem>>) semaphore(%arg12 : memref<!tpu.dma_semaphore, #tpu.memory_space<semaphore_mem>>)
      %dma_start3A_22 = arith.constant 1 : i32
      %dma_start3A_23 = arith.constant 1 : i32
      %dma_start3A_24 = arith.constant 0 : i32
      %dma_start3A_25 = arith.constant 0 : i32
      %dma_start3A_26 = tpu.memref_slice %arg10[%dma_start3A_23, %dma_start3A_24, %dma_start3A_25] : memref<2x128x64xf32, #tpu.memory_space<vmem>> -> memref<1x128x64xf32, #tpu.memory_space<vmem>>
      %dma_start3A_27 = tpu.memref_squeeze %dma_start3A_26 : memref<1x128x64xf32, #tpu.memory_space<vmem>> -> memref<128x64xf32, #tpu.memory_space<vmem>>
      %dma_start3A_28 = arith.constant 0 : i32
      %dma_start3A_29 = tpu.memref_slice %arg8[%dma_start3A_22, %dma_start3A_28] : memref<80x128xi32, #tpu.memory_space<vmem>> -> memref<1x128xi32, #tpu.memory_space<vmem>>
      %dma_start3A_30 = tpu.memref_squeeze %dma_start3A_29 : memref<1x128xi32, #tpu.memory_space<vmem>> -> memref<128xi32, #tpu.memory_space<vmem>>
      %dma_start3A_31 = arith.constant 0 : i32
      %dma_start3A_32 = arith.constant 0 : i32
      %dma_start3A_33 = tpu.memref_slice %arg3[%dma_start3A_31, %dma_start3A_32] : memref<10000x64xf32, #tpu.memory_space<hbm>> -> memref<10000x64xf32, #tpu.memory_space<hbm>>
      tpu.enqueue_indirect_dma source(%dma_start3A_33 : memref<10000x64xf32, #tpu.memory_space<hbm>>) target(%dma_start3A_27 : memref<128x64xf32, #tpu.memory_space<vmem>>) offsets(%dma_start3A_30 : memref<128xi32, #tpu.memory_space<vmem>>) semaphore(%arg13 : memref<!tpu.dma_semaphore, #tpu.memory_space<semaphore_mem>>)
      %mul3A_34 = arith.constant 632 : i32
      %mul3A_35 = arith.muli %arg1, %mul3A_34 : i32
      "tpu.region"() ({
        %run_scoped3A = tpu.sem_alloc : memref<!tpu.dma_semaphore, #tpu.memory_space<semaphore_mem>>
        %dma_start3A_42 = arith.constant 0 : i32
        %dma_start3A_43 = tpu.memref_slice %arg11[%mul3A_35, %dma_start3A_42] : memref<10112x64xf32, #tpu.memory_space<vmem_shared>> -> memref<632x64xf32, #tpu.memory_space<vmem_shared>>
        tpu.enqueue_dma source(%arg6 : memref<632x64xf32, #tpu.memory_space<hbm>>) target(%dma_start3A_43 : memref<632x64xf32, #tpu.memory_space<vmem_shared>>) target_semaphore(%run_scoped3A : memref<!tpu.dma_semaphore, #tpu.memory_space<semaphore_mem>>)
        %dma_wait3A = arith.constant 0 : i32
        %dma_wait3A_44 = tpu.memref_slice %arg11[%mul3A_35, %dma_wait3A] : memref<10112x64xf32, #tpu.memory_space<vmem_shared>> -> memref<632x64xf32, #tpu.memory_space<vmem_shared>>
        tpu.wait_dma2 semaphore(%run_scoped3A : memref<!tpu.dma_semaphore, #tpu.memory_space<semaphore_mem>>) src(%arg6 : memref<632x64xf32, #tpu.memory_space<hbm>>) dst(%dma_wait3A_44 : memref<632x64xf32, #tpu.memory_space<vmem_shared>>)
        tpu.yield
      }) : () -> ()
      %barrier3A = arith.constant 0 : index
      tpu.barrier barrier_id(%barrier3A)
      %scan3A = arith.constant 0 : i32
      %scan3A_36 = arith.constant 0 : i32
      %scan3A_37 = arith.constant 40 : i32
      %scan3A_38 = arith.addi %scan3A_36, %scan3A_37 : i32
      %scan3A_39 = arith.constant 1 : i32
      scf.for %scan3A_42 = %scan3A_36 to %scan3A_38 step %scan3A_39  : i32 {
        %mul3A_43 = arith.constant 2 : i32
        %mul3A_44 = arith.muli %scan3A_42, %mul3A_43 : i32
        %add3A = arith.constant 0 : i32
        %add3A_45 = arith.addi %mul3A_44, %add3A : i32
        %dma_wait3A = arith.constant 0 : i32
        %dma_wait3A_46 = arith.constant 0 : i32
        %dma_wait3A_47 = arith.constant 0 : i32
        %dma_wait3A_48 = tpu.memref_slice %arg10[%dma_wait3A, %dma_wait3A_46, %dma_wait3A_47] : memref<2x128x64xf32, #tpu.memory_space<vmem>> -> memref<1x128x64xf32, #tpu.memory_space<vmem>>
        %dma_wait3A_49 = tpu.memref_squeeze %dma_wait3A_48 : memref<1x128x64xf32, #tpu.memory_space<vmem>> -> memref<128x64xf32, #tpu.memory_space<vmem>>
        %dma_wait3A_50 = arith.constant 0 : i32
        %dma_wait3A_51 = tpu.memref_slice %arg8[%add3A_45, %dma_wait3A_50] : memref<80x128xi32, #tpu.memory_space<vmem>> -> memref<1x128xi32, #tpu.memory_space<vmem>>
        %dma_wait3A_52 = tpu.memref_squeeze %dma_wait3A_51 : memref<1x128xi32, #tpu.memory_space<vmem>> -> memref<128xi32, #tpu.memory_space<vmem>>
        %dma_wait3A_53 = arith.constant 0 : i32
        %dma_wait3A_54 = arith.constant 0 : i32
        %dma_wait3A_55 = tpu.memref_slice %arg3[%dma_wait3A_53, %dma_wait3A_54] : memref<10000x64xf32, #tpu.memory_space<hbm>> -> memref<10000x64xf32, #tpu.memory_space<hbm>>
        tpu.wait_indirect_dma semaphore(%arg12 : memref<!tpu.dma_semaphore, #tpu.memory_space<semaphore_mem>>) src(%dma_wait3A_55 : memref<10000x64xf32, #tpu.memory_space<hbm>>) dst(%dma_wait3A_49 : memref<128x64xf32, #tpu.memory_space<vmem>>)
        %run_scoped3A = arith.constant 0 : i32
        "tpu.region"() ({
          %run_scoped3A_83 = tpu.sem_alloc : memref<!tpu.dma_semaphore, #tpu.memory_space<semaphore_mem>>
          %dma_start3A_84 = arith.constant 0 : i32
          %dma_start3A_85 = arith.constant 0 : i32
          %dma_start3A_86 = tpu.memref_slice %arg10[%run_scoped3A, %dma_start3A_84, %dma_start3A_85] : memref<2x128x64xf32, #tpu.memory_space<vmem>> -> memref<1x128x64xf32, #tpu.memory_space<vmem>>
          %dma_start3A_87 = tpu.memref_squeeze %dma_start3A_86 : memref<1x128x64xf32, #tpu.memory_space<vmem>> -> memref<128x64xf32, #tpu.memory_space<vmem>>
          %dma_start3A_88 = arith.constant 0 : i32
          %dma_start3A_89 = tpu.memref_slice %arg9[%add3A_45, %dma_start3A_88] : memref<80x128xi32, #tpu.memory_space<vmem>> -> memref<1x128xi32, #tpu.memory_space<vmem>>
          %dma_start3A_90 = tpu.memref_squeeze %dma_start3A_89 : memref<1x128xi32, #tpu.memory_space<vmem>> -> memref<128xi32, #tpu.memory_space<vmem>>
          %dma_start3A_91 = arith.constant 0 : i32
          %dma_start3A_92 = arith.constant 0 : i32
          %dma_start3A_93 = tpu.memref_slice %arg11[%dma_start3A_91, %dma_start3A_92] : memref<10112x64xf32, #tpu.memory_space<vmem_shared>> -> memref<10112x64xf32, #tpu.memory_space<vmem_shared>>
          tpu.enqueue_indirect_dma source(%dma_start3A_87 : memref<128x64xf32, #tpu.memory_space<vmem>>) target(%dma_start3A_93 : memref<10112x64xf32, #tpu.memory_space<vmem_shared>>) offsets(%dma_start3A_90 : memref<128xi32, #tpu.memory_space<vmem>>) semaphore(%run_scoped3A_83 : memref<!tpu.dma_semaphore, #tpu.memory_space<semaphore_mem>>) {add = true}
          %dma_wait3A_94 = arith.constant 0 : i32
          %dma_wait3A_95 = arith.constant 0 : i32
          %dma_wait3A_96 = tpu.memref_slice %arg10[%run_scoped3A, %dma_wait3A_94, %dma_wait3A_95] : memref<2x128x64xf32, #tpu.memory_space<vmem>> -> memref<1x128x64xf32, #tpu.memory_space<vmem>>
          %dma_wait3A_97 = tpu.memref_squeeze %dma_wait3A_96 : memref<1x128x64xf32, #tpu.memory_space<vmem>> -> memref<128x64xf32, #tpu.memory_space<vmem>>
          %dma_wait3A_98 = arith.constant 0 : i32
          %dma_wait3A_99 = tpu.memref_slice %arg9[%add3A_45, %dma_wait3A_98] : memref<80x128xi32, #tpu.memory_space<vmem>> -> memref<1x128xi32, #tpu.memory_space<vmem>>
          %dma_wait3A_100 = tpu.memref_squeeze %dma_wait3A_99 : memref<1x128xi32, #tpu.memory_space<vmem>> -> memref<128xi32, #tpu.memory_space<vmem>>
          %dma_wait3A_101 = arith.constant 0 : i32
          %dma_wait3A_102 = arith.constant 0 : i32
          %dma_wait3A_103 = tpu.memref_slice %arg11[%dma_wait3A_101, %dma_wait3A_102] : memref<10112x64xf32, #tpu.memory_space<vmem_shared>> -> memref<10112x64xf32, #tpu.memory_space<vmem_shared>>
          tpu.wait_indirect_dma semaphore(%run_scoped3A_83 : memref<!tpu.dma_semaphore, #tpu.memory_space<semaphore_mem>>) src(%dma_wait3A_97 : memref<128x64xf32, #tpu.memory_space<vmem>>) dst(%dma_wait3A_103 : memref<10112x64xf32, #tpu.memory_space<vmem_shared>>)
          tpu.yield
        }) : () -> ()
        %add3A_56 = arith.constant 2 : i32
        %add3A_57 = arith.addi %add3A_45, %add3A_56 : i32
        %lt3A = arith.constant 80 : i32
        %lt3A_58 = arith.cmpi slt, %add3A_57, %lt3A : i32
        %convert_element_type3A_59 = arith.extui %lt3A_58 : i1 to i32
        %cond3A_60 = arith.constant 0 : i32
        %cond3A_61 = arith.cmpi ne, %convert_element_type3A_59, %cond3A_60 : i32
        scf.if %cond3A_61 {
          %add3A_83 = arith.constant 2 : i32
          %add3A_84 = arith.addi %add3A_45, %add3A_83 : i32
          %dma_start3A_85 = arith.constant 0 : i32
          %dma_start3A_86 = arith.constant 0 : i32
          %dma_start3A_87 = arith.constant 0 : i32
          %dma_start3A_88 = tpu.memref_slice %arg10[%dma_start3A_85, %dma_start3A_86, %dma_start3A_87] : memref<2x128x64xf32, #tpu.memory_space<vmem>> -> memref<1x128x64xf32, #tpu.memory_space<vmem>>
          %dma_start3A_89 = tpu.memref_squeeze %dma_start3A_88 : memref<1x128x64xf32, #tpu.memory_space<vmem>> -> memref<128x64xf32, #tpu.memory_space<vmem>>
          %dma_start3A_90 = arith.constant 0 : i32
          %dma_start3A_91 = tpu.memref_slice %arg8[%add3A_84, %dma_start3A_90] : memref<80x128xi32, #tpu.memory_space<vmem>> -> memref<1x128xi32, #tpu.memory_space<vmem>>
          %dma_start3A_92 = tpu.memref_squeeze %dma_start3A_91 : memref<1x128xi32, #tpu.memory_space<vmem>> -> memref<128xi32, #tpu.memory_space<vmem>>
          %dma_start3A_93 = arith.constant 0 : i32
          %dma_start3A_94 = arith.constant 0 : i32
          %dma_start3A_95 = tpu.memref_slice %arg3[%dma_start3A_93, %dma_start3A_94] : memref<10000x64xf32, #tpu.memory_space<hbm>> -> memref<10000x64xf32, #tpu.memory_space<hbm>>
          tpu.enqueue_indirect_dma source(%dma_start3A_95 : memref<10000x64xf32, #tpu.memory_space<hbm>>) target(%dma_start3A_89 : memref<128x64xf32, #tpu.memory_space<vmem>>) offsets(%dma_start3A_92 : memref<128xi32, #tpu.memory_space<vmem>>) semaphore(%arg12 : memref<!tpu.dma_semaphore, #tpu.memory_space<semaphore_mem>>)
        } else {
        }
        %add3A_62 = arith.constant 1 : i32
        %add3A_63 = arith.addi %mul3A_44, %add3A_62 : i32
        %dma_wait3A_64 = arith.constant 1 : i32
        %dma_wait3A_65 = arith.constant 0 : i32
        %dma_wait3A_66 = arith.constant 0 : i32
        %dma_wait3A_67 = tpu.memref_slice %arg10[%dma_wait3A_64, %dma_wait3A_65, %dma_wait3A_66] : memref<2x128x64xf32, #tpu.memory_space<vmem>> -> memref<1x128x64xf32, #tpu.memory_space<vmem>>
        %dma_wait3A_68 = tpu.memref_squeeze %dma_wait3A_67 : memref<1x128x64xf32, #tpu.memory_space<vmem>> -> memref<128x64xf32, #tpu.memory_space<vmem>>
        %dma_wait3A_69 = arith.constant 0 : i32
        %dma_wait3A_70 = tpu.memref_slice %arg8[%add3A_63, %dma_wait3A_69] : memref<80x128xi32, #tpu.memory_space<vmem>> -> memref<1x128xi32, #tpu.memory_space<vmem>>
        %dma_wait3A_71 = tpu.memref_squeeze %dma_wait3A_70 : memref<1x128xi32, #tpu.memory_space<vmem>> -> memref<128xi32, #tpu.memory_space<vmem>>
        %dma_wait3A_72 = arith.constant 0 : i32
        %dma_wait3A_73 = arith.constant 0 : i32
        %dma_wait3A_74 = tpu.memref_slice %arg3[%dma_wait3A_72, %dma_wait3A_73] : memref<10000x64xf32, #tpu.memory_space<hbm>> -> memref<10000x64xf32, #tpu.memory_space<hbm>>
        tpu.wait_indirect_dma semaphore(%arg13 : memref<!tpu.dma_semaphore, #tpu.memory_space<semaphore_mem>>) src(%dma_wait3A_74 : memref<10000x64xf32, #tpu.memory_space<hbm>>) dst(%dma_wait3A_68 : memref<128x64xf32, #tpu.memory_space<vmem>>)
        %run_scoped3A_75 = arith.constant 1 : i32
        "tpu.region"() ({
          %run_scoped3A_83 = tpu.sem_alloc : memref<!tpu.dma_semaphore, #tpu.memory_space<semaphore_mem>>
          %dma_start3A_84 = arith.constant 0 : i32
          %dma_start3A_85 = arith.constant 0 : i32
          %dma_start3A_86 = tpu.memref_slice %arg10[%run_scoped3A_75, %dma_start3A_84, %dma_start3A_85] : memref<2x128x64xf32, #tpu.memory_space<vmem>> -> memref<1x128x64xf32, #tpu.memory_space<vmem>>
          %dma_start3A_87 = tpu.memref_squeeze %dma_start3A_86 : memref<1x128x64xf32, #tpu.memory_space<vmem>> -> memref<128x64xf32, #tpu.memory_space<vmem>>
          %dma_start3A_88 = arith.constant 0 : i32
          %dma_start3A_89 = tpu.memref_slice %arg9[%add3A_63, %dma_start3A_88] : memref<80x128xi32, #tpu.memory_space<vmem>> -> memref<1x128xi32, #tpu.memory_space<vmem>>
          %dma_start3A_90 = tpu.memref_squeeze %dma_start3A_89 : memref<1x128xi32, #tpu.memory_space<vmem>> -> memref<128xi32, #tpu.memory_space<vmem>>
          %dma_start3A_91 = arith.constant 0 : i32
          %dma_start3A_92 = arith.constant 0 : i32
          %dma_start3A_93 = tpu.memref_slice %arg11[%dma_start3A_91, %dma_start3A_92] : memref<10112x64xf32, #tpu.memory_space<vmem_shared>> -> memref<10112x64xf32, #tpu.memory_space<vmem_shared>>
          tpu.enqueue_indirect_dma source(%dma_start3A_87 : memref<128x64xf32, #tpu.memory_space<vmem>>) target(%dma_start3A_93 : memref<10112x64xf32, #tpu.memory_space<vmem_shared>>) offsets(%dma_start3A_90 : memref<128xi32, #tpu.memory_space<vmem>>) semaphore(%run_scoped3A_83 : memref<!tpu.dma_semaphore, #tpu.memory_space<semaphore_mem>>) {add = true}
          %dma_wait3A_94 = arith.constant 0 : i32
          %dma_wait3A_95 = arith.constant 0 : i32
          %dma_wait3A_96 = tpu.memref_slice %arg10[%run_scoped3A_75, %dma_wait3A_94, %dma_wait3A_95] : memref<2x128x64xf32, #tpu.memory_space<vmem>> -> memref<1x128x64xf32, #tpu.memory_space<vmem>>
          %dma_wait3A_97 = tpu.memref_squeeze %dma_wait3A_96 : memref<1x128x64xf32, #tpu.memory_space<vmem>> -> memref<128x64xf32, #tpu.memory_space<vmem>>
          %dma_wait3A_98 = arith.constant 0 : i32
          %dma_wait3A_99 = tpu.memref_slice %arg9[%add3A_63, %dma_wait3A_98] : memref<80x128xi32, #tpu.memory_space<vmem>> -> memref<1x128xi32, #tpu.memory_space<vmem>>
          %dma_wait3A_100 = tpu.memref_squeeze %dma_wait3A_99 : memref<1x128xi32, #tpu.memory_space<vmem>> -> memref<128xi32, #tpu.memory_space<vmem>>
          %dma_wait3A_101 = arith.constant 0 : i32
          %dma_wait3A_102 = arith.constant 0 : i32
          %dma_wait3A_103 = tpu.memref_slice %arg11[%dma_wait3A_101, %dma_wait3A_102] : memref<10112x64xf32, #tpu.memory_space<vmem_shared>> -> memref<10112x64xf32, #tpu.memory_space<vmem_shared>>
          tpu.wait_indirect_dma semaphore(%run_scoped3A_83 : memref<!tpu.dma_semaphore, #tpu.memory_space<semaphore_mem>>) src(%dma_wait3A_97 : memref<128x64xf32, #tpu.memory_space<vmem>>) dst(%dma_wait3A_103 : memref<10112x64xf32, #tpu.memory_space<vmem_shared>>)
          tpu.yield
        }) : () -> ()
        %add3A_76 = arith.constant 2 : i32
        %add3A_77 = arith.addi %add3A_63, %add3A_76 : i32
        %lt3A_78 = arith.constant 80 : i32
        %lt3A_79 = arith.cmpi slt, %add3A_77, %lt3A_78 : i32
        %convert_element_type3A_80 = arith.extui %lt3A_79 : i1 to i32
        %cond3A_81 = arith.constant 0 : i32
        %cond3A_82 = arith.cmpi ne, %convert_element_type3A_80, %cond3A_81 : i32
        scf.if %cond3A_82 {
          %add3A_83 = arith.constant 2 : i32
          %add3A_84 = arith.addi %add3A_63, %add3A_83 : i32
          %dma_start3A_85 = arith.constant 1 : i32
          %dma_start3A_86 = arith.constant 0 : i32
          %dma_start3A_87 = arith.constant 0 : i32
          %dma_start3A_88 = tpu.memref_slice %arg10[%dma_start3A_85, %dma_start3A_86, %dma_start3A_87] : memref<2x128x64xf32, #tpu.memory_space<vmem>> -> memref<1x128x64xf32, #tpu.memory_space<vmem>>
          %dma_start3A_89 = tpu.memref_squeeze %dma_start3A_88 : memref<1x128x64xf32, #tpu.memory_space<vmem>> -> memref<128x64xf32, #tpu.memory_space<vmem>>
          %dma_start3A_90 = arith.constant 0 : i32
          %dma_start3A_91 = tpu.memref_slice %arg8[%add3A_84, %dma_start3A_90] : memref<80x128xi32, #tpu.memory_space<vmem>> -> memref<1x128xi32, #tpu.memory_space<vmem>>
          %dma_start3A_92 = tpu.memref_squeeze %dma_start3A_91 : memref<1x128xi32, #tpu.memory_space<vmem>> -> memref<128xi32, #tpu.memory_space<vmem>>
          %dma_start3A_93 = arith.constant 0 : i32
          %dma_start3A_94 = arith.constant 0 : i32
          %dma_start3A_95 = tpu.memref_slice %arg3[%dma_start3A_93, %dma_start3A_94] : memref<10000x64xf32, #tpu.memory_space<hbm>> -> memref<10000x64xf32, #tpu.memory_space<hbm>>
          tpu.enqueue_indirect_dma source(%dma_start3A_95 : memref<10000x64xf32, #tpu.memory_space<hbm>>) target(%dma_start3A_89 : memref<128x64xf32, #tpu.memory_space<vmem>>) offsets(%dma_start3A_92 : memref<128xi32, #tpu.memory_space<vmem>>) semaphore(%arg13 : memref<!tpu.dma_semaphore, #tpu.memory_space<semaphore_mem>>)
        } else {
        }
      }
      %scan3A_40 = arith.constant 40 : i32
      %barrier3A_41 = arith.constant 0 : index
      tpu.barrier barrier_id(%barrier3A_41)
    } else {
    }
    %mul3A_7 = arith.constant 632 : i32
    %mul3A_8 = arith.muli %arg1, %mul3A_7 : i32
    %mul3A_9 = arith.constant 632 : i32
    %mul3A_10 = arith.muli %arg1, %mul3A_9 : i32
    "tpu.region"() ({
      %run_scoped3A = tpu.sem_alloc : memref<!tpu.dma_semaphore, #tpu.memory_space<semaphore_mem>>
      %dma_start3A = arith.constant 0 : i32
      %dma_start3A_11 = tpu.memref_slice %arg7[%arg0, %mul3A_10, %dma_start3A] : memref<2x10112x64xf32, #tpu.memory_space<hbm>> -> memref<1x632x64xf32, #tpu.memory_space<hbm>>
      %dma_start3A_12 = tpu.memref_squeeze %dma_start3A_11 : memref<1x632x64xf32, #tpu.memory_space<hbm>> -> memref<632x64xf32, #tpu.memory_space<hbm>>
      %dma_start3A_13 = arith.constant 0 : i32
      %dma_start3A_14 = tpu.memref_slice %arg11[%mul3A_8, %dma_start3A_13] : memref<10112x64xf32, #tpu.memory_space<vmem_shared>> -> memref<632x64xf32, #tpu.memory_space<vmem_shared>>
      tpu.enqueue_dma source(%dma_start3A_14 : memref<632x64xf32, #tpu.memory_space<vmem_shared>>) target(%dma_start3A_12 : memref<632x64xf32, #tpu.memory_space<hbm>>) target_semaphore(%run_scoped3A : memref<!tpu.dma_semaphore, #tpu.memory_space<semaphore_mem>>)
      %dma_wait3A = arith.constant 0 : i32
      %dma_wait3A_15 = tpu.memref_slice %arg7[%arg0, %mul3A_10, %dma_wait3A] : memref<2x10112x64xf32, #tpu.memory_space<hbm>> -> memref<1x632x64xf32, #tpu.memory_space<hbm>>
      %dma_wait3A_16 = tpu.memref_squeeze %dma_wait3A_15 : memref<1x632x64xf32, #tpu.memory_space<hbm>> -> memref<632x64xf32, #tpu.memory_space<hbm>>
      %dma_wait3A_17 = arith.constant 0 : i32
      %dma_wait3A_18 = tpu.memref_slice %arg11[%mul3A_8, %dma_wait3A_17] : memref<10112x64xf32, #tpu.memory_space<vmem_shared>> -> memref<632x64xf32, #tpu.memory_space<vmem_shared>>
      tpu.wait_dma2 semaphore(%run_scoped3A : memref<!tpu.dma_semaphore, #tpu.memory_space<semaphore_mem>>) src(%dma_wait3A_18 : memref<632x64xf32, #tpu.memory_space<vmem_shared>>) dst(%dma_wait3A_16 : memref<632x64xf32, #tpu.memory_space<hbm>>)
      tpu.yield
    }) : () -> ()
    return
  }
}

#map = affine_map<(d0, d1) -> (0, 0)>
#map1 = affine_map<(d0, d1) -> (0, 0, 0)>
module attributes {stable_mosaic.version = 14 : i64} {
  func.func @prop(%arg0: i32, %arg1: i32, %arg2: memref<10000x16xf32, #tpu.memory_space<hbm>>, %arg3: memref<1280x128xi32, #tpu.memory_space<hbm>>, %arg4: memref<1280x128xi32, #tpu.memory_space<hbm>>, %arg5: memref<632x16xf32, #tpu.memory_space<hbm>>, %arg6: memref<2x10112x16xf32, #tpu.memory_space<hbm>>, %arg7: memref<64x128xi32, #tpu.memory_space<vmem>>, %arg8: memref<64x128xi32, #tpu.memory_space<vmem>>, %arg9: memref<2x128x16xf32, #tpu.memory_space<vmem>>, %arg10: memref<10112x16xf32, #tpu.memory_space<vmem_shared>>, %arg11: memref<!tpu.dma_semaphore, #tpu.memory_space<semaphore_mem>>, %arg12: memref<!tpu.dma_semaphore, #tpu.memory_space<semaphore_mem>>) attributes {dimension_semantics = [#tpu.dimension_semantics<core_parallel>, #tpu.dimension_semantics<subcore_parallel>], iteration_bounds = array<i64: 2, 16>, scalar_prefetch = 0 : i64, scratch_operands = 6 : i64, tpu.core_type = #tpu.core_type<sc_vector_subcore>, window_params = [{transform_indices = #map}, {transform_indices = #map}, {transform_indices = #map}, {transform_indices = #map}, {transform_indices = #map1}]} {
    %eq3A = arith.constant 0 : i32
    %eq3A_0 = arith.cmpi eq, %arg0, %eq3A : i32
    %mul3A = arith.constant 64 : i32
    %mul3A_1 = arith.muli %arg1, %mul3A : i32
    %mul3A_2 = arith.constant 16 : i32
    %mul3A_3 = arith.muli %arg1, %mul3A_2 : i32
    %add3A = arith.constant 1024 : i32
    %add3A_4 = arith.addi %add3A, %mul3A_3 : i32
    %select_n3A = arith.select %eq3A_0, %mul3A_1, %add3A_4 : i32
    %eq3A_5 = arith.constant 0 : i32
    %eq3A_6 = arith.cmpi eq, %arg0, %eq3A_5 : i32
    %jit3A = arith.constant 64 : i32
    %jit3A_7 = arith.constant 16 : i32
    %select_n3A_8 = arith.select %eq3A_6, %jit3A, %jit3A_7 : i32
    %eq3A_9 = arith.constant 0 : i32
    %eq3A_10 = arith.cmpi eq, %arg0, %eq3A_9 : i32
    %convert_element_type3A = arith.extui %eq3A_10 : i1 to i32
    %cond3A = arith.constant 0 : i32
    %cond3A_11 = arith.cmpi ne, %convert_element_type3A, %cond3A : i32
    scf.if %cond3A_11 {
      "tpu.region"() ({
        %run_scoped3A = tpu.sem_alloc : memref<!tpu.dma_semaphore, #tpu.memory_space<semaphore_mem>>
        %dma_start3A_74 = arith.constant 0 : i32
        %dma_start3A_75 = tpu.memref_slice %arg3[%select_n3A, %dma_start3A_74] : memref<1280x128xi32, #tpu.memory_space<hbm>> -> memref<64x128xi32, #tpu.memory_space<hbm>>
        %dma_start3A_76 = arith.constant 0 : i32
        %dma_start3A_77 = tpu.memref_slice %arg3[%select_n3A, %dma_start3A_76] : memref<1280x128xi32, #tpu.memory_space<hbm>> -> memref<64x128xi32, #tpu.memory_space<hbm>>
        tpu.enqueue_dma source(%dma_start3A_77 : memref<64x128xi32, #tpu.memory_space<hbm>>) target(%arg7 : memref<64x128xi32, #tpu.memory_space<vmem>>) target_semaphore(%run_scoped3A : memref<!tpu.dma_semaphore, #tpu.memory_space<semaphore_mem>>)
        %dma_wait3A = arith.constant 0 : i32
        %dma_wait3A_78 = tpu.memref_slice %arg3[%select_n3A, %dma_wait3A] : memref<1280x128xi32, #tpu.memory_space<hbm>> -> memref<64x128xi32, #tpu.memory_space<hbm>>
        %dma_wait3A_79 = arith.constant 0 : i32
        %dma_wait3A_80 = tpu.memref_slice %arg3[%select_n3A, %dma_wait3A_79] : memref<1280x128xi32, #tpu.memory_space<hbm>> -> memref<64x128xi32, #tpu.memory_space<hbm>>
        tpu.wait_dma2 semaphore(%run_scoped3A : memref<!tpu.dma_semaphore, #tpu.memory_space<semaphore_mem>>) src(%dma_wait3A_80 : memref<64x128xi32, #tpu.memory_space<hbm>>) dst(%arg7 : memref<64x128xi32, #tpu.memory_space<vmem>>)
        tpu.yield
      }) : () -> ()
      "tpu.region"() ({
        %run_scoped3A = tpu.sem_alloc : memref<!tpu.dma_semaphore, #tpu.memory_space<semaphore_mem>>
        %dma_start3A_74 = arith.constant 0 : i32
        %dma_start3A_75 = tpu.memref_slice %arg4[%select_n3A, %dma_start3A_74] : memref<1280x128xi32, #tpu.memory_space<hbm>> -> memref<64x128xi32, #tpu.memory_space<hbm>>
        %dma_start3A_76 = arith.constant 0 : i32
        %dma_start3A_77 = tpu.memref_slice %arg4[%select_n3A, %dma_start3A_76] : memref<1280x128xi32, #tpu.memory_space<hbm>> -> memref<64x128xi32, #tpu.memory_space<hbm>>
        tpu.enqueue_dma source(%dma_start3A_77 : memref<64x128xi32, #tpu.memory_space<hbm>>) target(%arg8 : memref<64x128xi32, #tpu.memory_space<vmem>>) target_semaphore(%run_scoped3A : memref<!tpu.dma_semaphore, #tpu.memory_space<semaphore_mem>>)
        %dma_wait3A = arith.constant 0 : i32
        %dma_wait3A_78 = tpu.memref_slice %arg4[%select_n3A, %dma_wait3A] : memref<1280x128xi32, #tpu.memory_space<hbm>> -> memref<64x128xi32, #tpu.memory_space<hbm>>
        %dma_wait3A_79 = arith.constant 0 : i32
        %dma_wait3A_80 = tpu.memref_slice %arg4[%select_n3A, %dma_wait3A_79] : memref<1280x128xi32, #tpu.memory_space<hbm>> -> memref<64x128xi32, #tpu.memory_space<hbm>>
        tpu.wait_dma2 semaphore(%run_scoped3A : memref<!tpu.dma_semaphore, #tpu.memory_space<semaphore_mem>>) src(%dma_wait3A_80 : memref<64x128xi32, #tpu.memory_space<hbm>>) dst(%arg8 : memref<64x128xi32, #tpu.memory_space<vmem>>)
        tpu.yield
      }) : () -> ()
    } else {
    }
    %ne3A = arith.constant 0 : i32
    %ne3A_12 = arith.cmpi ne, %arg0, %ne3A : i32
    %convert_element_type3A_13 = arith.extui %ne3A_12 : i1 to i32
    %cond3A_14 = arith.constant 0 : i32
    %cond3A_15 = arith.cmpi ne, %convert_element_type3A_13, %cond3A_14 : i32
    scf.if %cond3A_15 {
      "tpu.region"() ({
        %run_scoped3A = tpu.sem_alloc : memref<!tpu.dma_semaphore, #tpu.memory_space<semaphore_mem>>
        %dma_start3A_74 = arith.constant 0 : i32
        %dma_start3A_75 = arith.constant 0 : i32
        %dma_start3A_76 = tpu.memref_slice %arg7[%dma_start3A_74, %dma_start3A_75] : memref<64x128xi32, #tpu.memory_space<vmem>> -> memref<16x128xi32, #tpu.memory_space<vmem>>
        %dma_start3A_77 = arith.constant 0 : i32
        %dma_start3A_78 = tpu.memref_slice %arg3[%select_n3A, %dma_start3A_77] : memref<1280x128xi32, #tpu.memory_space<hbm>> -> memref<16x128xi32, #tpu.memory_space<hbm>>
        %dma_start3A_79 = arith.constant 0 : i32
        %dma_start3A_80 = arith.constant 0 : i32
        %dma_start3A_81 = tpu.memref_slice %arg7[%dma_start3A_79, %dma_start3A_80] : memref<64x128xi32, #tpu.memory_space<vmem>> -> memref<16x128xi32, #tpu.memory_space<vmem>>
        %dma_start3A_82 = arith.constant 0 : i32
        %dma_start3A_83 = tpu.memref_slice %arg3[%select_n3A, %dma_start3A_82] : memref<1280x128xi32, #tpu.memory_space<hbm>> -> memref<16x128xi32, #tpu.memory_space<hbm>>
        tpu.enqueue_dma source(%dma_start3A_83 : memref<16x128xi32, #tpu.memory_space<hbm>>) target(%dma_start3A_81 : memref<16x128xi32, #tpu.memory_space<vmem>>) target_semaphore(%run_scoped3A : memref<!tpu.dma_semaphore, #tpu.memory_space<semaphore_mem>>)
        %dma_wait3A = arith.constant 0 : i32
        %dma_wait3A_84 = arith.constant 0 : i32
        %dma_wait3A_85 = tpu.memref_slice %arg7[%dma_wait3A, %dma_wait3A_84] : memref<64x128xi32, #tpu.memory_space<vmem>> -> memref<16x128xi32, #tpu.memory_space<vmem>>
        %dma_wait3A_86 = arith.constant 0 : i32
        %dma_wait3A_87 = tpu.memref_slice %arg3[%select_n3A, %dma_wait3A_86] : memref<1280x128xi32, #tpu.memory_space<hbm>> -> memref<16x128xi32, #tpu.memory_space<hbm>>
        %dma_wait3A_88 = arith.constant 0 : i32
        %dma_wait3A_89 = arith.constant 0 : i32
        %dma_wait3A_90 = tpu.memref_slice %arg7[%dma_wait3A_88, %dma_wait3A_89] : memref<64x128xi32, #tpu.memory_space<vmem>> -> memref<16x128xi32, #tpu.memory_space<vmem>>
        %dma_wait3A_91 = arith.constant 0 : i32
        %dma_wait3A_92 = tpu.memref_slice %arg3[%select_n3A, %dma_wait3A_91] : memref<1280x128xi32, #tpu.memory_space<hbm>> -> memref<16x128xi32, #tpu.memory_space<hbm>>
        tpu.wait_dma2 semaphore(%run_scoped3A : memref<!tpu.dma_semaphore, #tpu.memory_space<semaphore_mem>>) src(%dma_wait3A_92 : memref<16x128xi32, #tpu.memory_space<hbm>>) dst(%dma_wait3A_90 : memref<16x128xi32, #tpu.memory_space<vmem>>)
        tpu.yield
      }) : () -> ()
      "tpu.region"() ({
        %run_scoped3A = tpu.sem_alloc : memref<!tpu.dma_semaphore, #tpu.memory_space<semaphore_mem>>
        %dma_start3A_74 = arith.constant 0 : i32
        %dma_start3A_75 = arith.constant 0 : i32
        %dma_start3A_76 = tpu.memref_slice %arg8[%dma_start3A_74, %dma_start3A_75] : memref<64x128xi32, #tpu.memory_space<vmem>> -> memref<16x128xi32, #tpu.memory_space<vmem>>
        %dma_start3A_77 = arith.constant 0 : i32
        %dma_start3A_78 = tpu.memref_slice %arg4[%select_n3A, %dma_start3A_77] : memref<1280x128xi32, #tpu.memory_space<hbm>> -> memref<16x128xi32, #tpu.memory_space<hbm>>
        %dma_start3A_79 = arith.constant 0 : i32
        %dma_start3A_80 = arith.constant 0 : i32
        %dma_start3A_81 = tpu.memref_slice %arg8[%dma_start3A_79, %dma_start3A_80] : memref<64x128xi32, #tpu.memory_space<vmem>> -> memref<16x128xi32, #tpu.memory_space<vmem>>
        %dma_start3A_82 = arith.constant 0 : i32
        %dma_start3A_83 = tpu.memref_slice %arg4[%select_n3A, %dma_start3A_82] : memref<1280x128xi32, #tpu.memory_space<hbm>> -> memref<16x128xi32, #tpu.memory_space<hbm>>
        tpu.enqueue_dma source(%dma_start3A_83 : memref<16x128xi32, #tpu.memory_space<hbm>>) target(%dma_start3A_81 : memref<16x128xi32, #tpu.memory_space<vmem>>) target_semaphore(%run_scoped3A : memref<!tpu.dma_semaphore, #tpu.memory_space<semaphore_mem>>)
        %dma_wait3A = arith.constant 0 : i32
        %dma_wait3A_84 = arith.constant 0 : i32
        %dma_wait3A_85 = tpu.memref_slice %arg8[%dma_wait3A, %dma_wait3A_84] : memref<64x128xi32, #tpu.memory_space<vmem>> -> memref<16x128xi32, #tpu.memory_space<vmem>>
        %dma_wait3A_86 = arith.constant 0 : i32
        %dma_wait3A_87 = tpu.memref_slice %arg4[%select_n3A, %dma_wait3A_86] : memref<1280x128xi32, #tpu.memory_space<hbm>> -> memref<16x128xi32, #tpu.memory_space<hbm>>
        %dma_wait3A_88 = arith.constant 0 : i32
        %dma_wait3A_89 = arith.constant 0 : i32
        %dma_wait3A_90 = tpu.memref_slice %arg8[%dma_wait3A_88, %dma_wait3A_89] : memref<64x128xi32, #tpu.memory_space<vmem>> -> memref<16x128xi32, #tpu.memory_space<vmem>>
        %dma_wait3A_91 = arith.constant 0 : i32
        %dma_wait3A_92 = tpu.memref_slice %arg4[%select_n3A, %dma_wait3A_91] : memref<1280x128xi32, #tpu.memory_space<hbm>> -> memref<16x128xi32, #tpu.memory_space<hbm>>
        tpu.wait_dma2 semaphore(%run_scoped3A : memref<!tpu.dma_semaphore, #tpu.memory_space<semaphore_mem>>) src(%dma_wait3A_92 : memref<16x128xi32, #tpu.memory_space<hbm>>) dst(%dma_wait3A_90 : memref<16x128xi32, #tpu.memory_space<vmem>>)
        tpu.yield
      }) : () -> ()
    } else {
    }
    %dma_start3A = arith.constant 0 : i32
    %dma_start3A_16 = arith.constant 0 : i32
    %dma_start3A_17 = arith.constant 0 : i32
    %dma_start3A_18 = arith.constant 0 : i32
    %dma_start3A_19 = tpu.memref_slice %arg9[%dma_start3A_16, %dma_start3A_17, %dma_start3A_18] : memref<2x128x16xf32, #tpu.memory_space<vmem>> -> memref<1x128x16xf32, #tpu.memory_space<vmem>>
    %dma_start3A_20 = tpu.memref_squeeze %dma_start3A_19 : memref<1x128x16xf32, #tpu.memory_space<vmem>> -> memref<128x16xf32, #tpu.memory_space<vmem>>
    %dma_start3A_21 = arith.constant 0 : i32
    %dma_start3A_22 = tpu.memref_slice %arg7[%dma_start3A, %dma_start3A_21] : memref<64x128xi32, #tpu.memory_space<vmem>> -> memref<1x128xi32, #tpu.memory_space<vmem>>
    %dma_start3A_23 = tpu.memref_squeeze %dma_start3A_22 : memref<1x128xi32, #tpu.memory_space<vmem>> -> memref<128xi32, #tpu.memory_space<vmem>>
    %dma_start3A_24 = arith.constant 0 : i32
    %dma_start3A_25 = arith.constant 0 : i32
    %dma_start3A_26 = tpu.memref_slice %arg2[%dma_start3A_24, %dma_start3A_25] : memref<10000x16xf32, #tpu.memory_space<hbm>> -> memref<10000x16xf32, #tpu.memory_space<hbm>>
    tpu.enqueue_indirect_dma source(%dma_start3A_26 : memref<10000x16xf32, #tpu.memory_space<hbm>>) target(%dma_start3A_20 : memref<128x16xf32, #tpu.memory_space<vmem>>) offsets(%dma_start3A_23 : memref<128xi32, #tpu.memory_space<vmem>>) semaphore(%arg11 : memref<!tpu.dma_semaphore, #tpu.memory_space<semaphore_mem>>)
    %dma_start3A_27 = arith.constant 1 : i32
    %dma_start3A_28 = arith.constant 1 : i32
    %dma_start3A_29 = arith.constant 0 : i32
    %dma_start3A_30 = arith.constant 0 : i32
    %dma_start3A_31 = tpu.memref_slice %arg9[%dma_start3A_28, %dma_start3A_29, %dma_start3A_30] : memref<2x128x16xf32, #tpu.memory_space<vmem>> -> memref<1x128x16xf32, #tpu.memory_space<vmem>>
    %dma_start3A_32 = tpu.memref_squeeze %dma_start3A_31 : memref<1x128x16xf32, #tpu.memory_space<vmem>> -> memref<128x16xf32, #tpu.memory_space<vmem>>
    %dma_start3A_33 = arith.constant 0 : i32
    %dma_start3A_34 = tpu.memref_slice %arg7[%dma_start3A_27, %dma_start3A_33] : memref<64x128xi32, #tpu.memory_space<vmem>> -> memref<1x128xi32, #tpu.memory_space<vmem>>
    %dma_start3A_35 = tpu.memref_squeeze %dma_start3A_34 : memref<1x128xi32, #tpu.memory_space<vmem>> -> memref<128xi32, #tpu.memory_space<vmem>>
    %dma_start3A_36 = arith.constant 0 : i32
    %dma_start3A_37 = arith.constant 0 : i32
    %dma_start3A_38 = tpu.memref_slice %arg2[%dma_start3A_36, %dma_start3A_37] : memref<10000x16xf32, #tpu.memory_space<hbm>> -> memref<10000x16xf32, #tpu.memory_space<hbm>>
    tpu.enqueue_indirect_dma source(%dma_start3A_38 : memref<10000x16xf32, #tpu.memory_space<hbm>>) target(%dma_start3A_32 : memref<128x16xf32, #tpu.memory_space<vmem>>) offsets(%dma_start3A_35 : memref<128xi32, #tpu.memory_space<vmem>>) semaphore(%arg12 : memref<!tpu.dma_semaphore, #tpu.memory_space<semaphore_mem>>)
    %mul3A_39 = arith.constant 632 : i32
    %mul3A_40 = arith.muli %arg1, %mul3A_39 : i32
    "tpu.region"() ({
      %run_scoped3A = tpu.sem_alloc : memref<!tpu.dma_semaphore, #tpu.memory_space<semaphore_mem>>
      %dma_start3A_74 = arith.constant 0 : i32
      %dma_start3A_75 = tpu.memref_slice %arg10[%mul3A_40, %dma_start3A_74] : memref<10112x16xf32, #tpu.memory_space<vmem_shared>> -> memref<632x16xf32, #tpu.memory_space<vmem_shared>>
      tpu.enqueue_dma source(%arg5 : memref<632x16xf32, #tpu.memory_space<hbm>>) target(%dma_start3A_75 : memref<632x16xf32, #tpu.memory_space<vmem_shared>>) target_semaphore(%run_scoped3A : memref<!tpu.dma_semaphore, #tpu.memory_space<semaphore_mem>>)
      %dma_wait3A = arith.constant 0 : i32
      %dma_wait3A_76 = tpu.memref_slice %arg10[%mul3A_40, %dma_wait3A] : memref<10112x16xf32, #tpu.memory_space<vmem_shared>> -> memref<632x16xf32, #tpu.memory_space<vmem_shared>>
      tpu.wait_dma2 semaphore(%run_scoped3A : memref<!tpu.dma_semaphore, #tpu.memory_space<semaphore_mem>>) src(%arg5 : memref<632x16xf32, #tpu.memory_space<hbm>>) dst(%dma_wait3A_76 : memref<632x16xf32, #tpu.memory_space<vmem_shared>>)
      tpu.yield
    }) : () -> ()
    %barrier3A = arith.constant 0 : index
    tpu.barrier barrier_id(%barrier3A)
    %jit3A_41 = arith.constant 2 : i32
    %div3A = arith.divsi %select_n3A_8, %jit3A_41 : i32
    %sign3A = arith.constant 0 : i32
    %sign3A_42 = arith.cmpi sgt, %select_n3A_8, %sign3A : i32
    %sign3A_43 = arith.extui %sign3A_42 : i1 to i32
    %sign3A_44 = arith.constant 0 : i32
    %sign3A_45 = arith.cmpi slt, %select_n3A_8, %sign3A_44 : i32
    %sign3A_46 = arith.extui %sign3A_45 : i1 to i32
    %sign3A_47 = arith.subi %sign3A_43, %sign3A_46 : i32
    %sign3A_48 = arith.constant 0 : i32
    %sign3A_49 = arith.cmpi sgt, %jit3A_41, %sign3A_48 : i32
    %sign3A_50 = arith.extui %sign3A_49 : i1 to i32
    %sign3A_51 = arith.constant 0 : i32
    %sign3A_52 = arith.cmpi slt, %jit3A_41, %sign3A_51 : i32
    %sign3A_53 = arith.extui %sign3A_52 : i1 to i32
    %sign3A_54 = arith.subi %sign3A_50, %sign3A_53 : i32
    %ne3A_55 = arith.cmpi ne, %sign3A_47, %sign3A_54 : i32
    %rem3A = arith.remsi %select_n3A_8, %jit3A_41 : i32
    %ne3A_56 = arith.constant 0 : i32
    %ne3A_57 = arith.cmpi ne, %rem3A, %ne3A_56 : i32
    %and3A = arith.andi %ne3A_55, %ne3A_57 : i1
    %sub3A = arith.constant 1 : i32
    %sub3A_58 = arith.subi %div3A, %sub3A : i32
    %select_n3A_59 = arith.select %and3A, %sub3A_58, %div3A : i32
    %while3A = arith.constant 0 : i32
    %while3A_60 = arith.constant 0 : i32
    %while3A_61 = arith.subi %select_n3A_59, %while3A_60 : i32
    %while3A_62 = arith.addi %while3A_60, %while3A_61 : i32
    %while3A_63 = arith.constant 1 : i32
    %while3A_64 = arith.divsi %while3A_61, %while3A_63 : i32
    %while3A_65 = arith.muli %while3A_64, %while3A_63 : i32
    %while3A_66 = arith.addi %while3A_60, %while3A_65 : i32
    %while3A_67 = arith.constant 1 : i32
    scf.for %while3A_74 = %while3A_60 to %while3A_66 step %while3A_67  : i32 {
      %mul3A_75 = arith.constant 2 : i32
      %mul3A_76 = arith.muli %while3A_74, %mul3A_75 : i32
      %add3A_77 = arith.constant 0 : i32
      %add3A_78 = arith.addi %mul3A_76, %add3A_77 : i32
      %dma_wait3A = arith.constant 0 : i32
      %dma_wait3A_79 = arith.constant 0 : i32
      %dma_wait3A_80 = arith.constant 0 : i32
      %dma_wait3A_81 = tpu.memref_slice %arg9[%dma_wait3A, %dma_wait3A_79, %dma_wait3A_80] : memref<2x128x16xf32, #tpu.memory_space<vmem>> -> memref<1x128x16xf32, #tpu.memory_space<vmem>>
      %dma_wait3A_82 = tpu.memref_squeeze %dma_wait3A_81 : memref<1x128x16xf32, #tpu.memory_space<vmem>> -> memref<128x16xf32, #tpu.memory_space<vmem>>
      %dma_wait3A_83 = arith.constant 0 : i32
      %dma_wait3A_84 = tpu.memref_slice %arg7[%add3A_78, %dma_wait3A_83] : memref<64x128xi32, #tpu.memory_space<vmem>> -> memref<1x128xi32, #tpu.memory_space<vmem>>
      %dma_wait3A_85 = tpu.memref_squeeze %dma_wait3A_84 : memref<1x128xi32, #tpu.memory_space<vmem>> -> memref<128xi32, #tpu.memory_space<vmem>>
      %dma_wait3A_86 = arith.constant 0 : i32
      %dma_wait3A_87 = arith.constant 0 : i32
      %dma_wait3A_88 = tpu.memref_slice %arg2[%dma_wait3A_86, %dma_wait3A_87] : memref<10000x16xf32, #tpu.memory_space<hbm>> -> memref<10000x16xf32, #tpu.memory_space<hbm>>
      tpu.wait_indirect_dma semaphore(%arg11 : memref<!tpu.dma_semaphore, #tpu.memory_space<semaphore_mem>>) src(%dma_wait3A_88 : memref<10000x16xf32, #tpu.memory_space<hbm>>) dst(%dma_wait3A_82 : memref<128x16xf32, #tpu.memory_space<vmem>>)
      %run_scoped3A = arith.constant 0 : i32
      "tpu.region"() ({
        %run_scoped3A_114 = tpu.sem_alloc : memref<!tpu.dma_semaphore, #tpu.memory_space<semaphore_mem>>
        %dma_start3A_115 = arith.constant 0 : i32
        %dma_start3A_116 = arith.constant 0 : i32
        %dma_start3A_117 = tpu.memref_slice %arg9[%run_scoped3A, %dma_start3A_115, %dma_start3A_116] : memref<2x128x16xf32, #tpu.memory_space<vmem>> -> memref<1x128x16xf32, #tpu.memory_space<vmem>>
        %dma_start3A_118 = tpu.memref_squeeze %dma_start3A_117 : memref<1x128x16xf32, #tpu.memory_space<vmem>> -> memref<128x16xf32, #tpu.memory_space<vmem>>
        %dma_start3A_119 = arith.constant 0 : i32
        %dma_start3A_120 = tpu.memref_slice %arg8[%add3A_78, %dma_start3A_119] : memref<64x128xi32, #tpu.memory_space<vmem>> -> memref<1x128xi32, #tpu.memory_space<vmem>>
        %dma_start3A_121 = tpu.memref_squeeze %dma_start3A_120 : memref<1x128xi32, #tpu.memory_space<vmem>> -> memref<128xi32, #tpu.memory_space<vmem>>
        %dma_start3A_122 = arith.constant 0 : i32
        %dma_start3A_123 = arith.constant 0 : i32
        %dma_start3A_124 = tpu.memref_slice %arg10[%dma_start3A_122, %dma_start3A_123] : memref<10112x16xf32, #tpu.memory_space<vmem_shared>> -> memref<10112x16xf32, #tpu.memory_space<vmem_shared>>
        tpu.enqueue_indirect_dma source(%dma_start3A_118 : memref<128x16xf32, #tpu.memory_space<vmem>>) target(%dma_start3A_124 : memref<10112x16xf32, #tpu.memory_space<vmem_shared>>) offsets(%dma_start3A_121 : memref<128xi32, #tpu.memory_space<vmem>>) semaphore(%run_scoped3A_114 : memref<!tpu.dma_semaphore, #tpu.memory_space<semaphore_mem>>) {add = true}
        %dma_wait3A_125 = arith.constant 0 : i32
        %dma_wait3A_126 = arith.constant 0 : i32
        %dma_wait3A_127 = tpu.memref_slice %arg9[%run_scoped3A, %dma_wait3A_125, %dma_wait3A_126] : memref<2x128x16xf32, #tpu.memory_space<vmem>> -> memref<1x128x16xf32, #tpu.memory_space<vmem>>
        %dma_wait3A_128 = tpu.memref_squeeze %dma_wait3A_127 : memref<1x128x16xf32, #tpu.memory_space<vmem>> -> memref<128x16xf32, #tpu.memory_space<vmem>>
        %dma_wait3A_129 = arith.constant 0 : i32
        %dma_wait3A_130 = tpu.memref_slice %arg8[%add3A_78, %dma_wait3A_129] : memref<64x128xi32, #tpu.memory_space<vmem>> -> memref<1x128xi32, #tpu.memory_space<vmem>>
        %dma_wait3A_131 = tpu.memref_squeeze %dma_wait3A_130 : memref<1x128xi32, #tpu.memory_space<vmem>> -> memref<128xi32, #tpu.memory_space<vmem>>
        %dma_wait3A_132 = arith.constant 0 : i32
        %dma_wait3A_133 = arith.constant 0 : i32
        %dma_wait3A_134 = tpu.memref_slice %arg10[%dma_wait3A_132, %dma_wait3A_133] : memref<10112x16xf32, #tpu.memory_space<vmem_shared>> -> memref<10112x16xf32, #tpu.memory_space<vmem_shared>>
        tpu.wait_indirect_dma semaphore(%run_scoped3A_114 : memref<!tpu.dma_semaphore, #tpu.memory_space<semaphore_mem>>) src(%dma_wait3A_128 : memref<128x16xf32, #tpu.memory_space<vmem>>) dst(%dma_wait3A_134 : memref<10112x16xf32, #tpu.memory_space<vmem_shared>>)
        tpu.yield
      }) : () -> ()
      %add3A_89 = arith.constant 2 : i32
      %add3A_90 = arith.addi %add3A_78, %add3A_89 : i32
      %lt3A = arith.cmpi slt, %add3A_90, %select_n3A_8 : i32
      %convert_element_type3A_91 = arith.extui %lt3A : i1 to i32
      %cond3A_92 = arith.constant 0 : i32
      %cond3A_93 = arith.cmpi ne, %convert_element_type3A_91, %cond3A_92 : i32
      scf.if %cond3A_93 {
        %add3A_114 = arith.constant 2 : i32
        %add3A_115 = arith.addi %add3A_78, %add3A_114 : i32
        %dma_start3A_116 = arith.constant 0 : i32
        %dma_start3A_117 = arith.constant 0 : i32
        %dma_start3A_118 = arith.constant 0 : i32
        %dma_start3A_119 = tpu.memref_slice %arg9[%dma_start3A_116, %dma_start3A_117, %dma_start3A_118] : memref<2x128x16xf32, #tpu.memory_space<vmem>> -> memref<1x128x16xf32, #tpu.memory_space<vmem>>
        %dma_start3A_120 = tpu.memref_squeeze %dma_start3A_119 : memref<1x128x16xf32, #tpu.memory_space<vmem>> -> memref<128x16xf32, #tpu.memory_space<vmem>>
        %dma_start3A_121 = arith.constant 0 : i32
        %dma_start3A_122 = tpu.memref_slice %arg7[%add3A_115, %dma_start3A_121] : memref<64x128xi32, #tpu.memory_space<vmem>> -> memref<1x128xi32, #tpu.memory_space<vmem>>
        %dma_start3A_123 = tpu.memref_squeeze %dma_start3A_122 : memref<1x128xi32, #tpu.memory_space<vmem>> -> memref<128xi32, #tpu.memory_space<vmem>>
        %dma_start3A_124 = arith.constant 0 : i32
        %dma_start3A_125 = arith.constant 0 : i32
        %dma_start3A_126 = tpu.memref_slice %arg2[%dma_start3A_124, %dma_start3A_125] : memref<10000x16xf32, #tpu.memory_space<hbm>> -> memref<10000x16xf32, #tpu.memory_space<hbm>>
        tpu.enqueue_indirect_dma source(%dma_start3A_126 : memref<10000x16xf32, #tpu.memory_space<hbm>>) target(%dma_start3A_120 : memref<128x16xf32, #tpu.memory_space<vmem>>) offsets(%dma_start3A_123 : memref<128xi32, #tpu.memory_space<vmem>>) semaphore(%arg11 : memref<!tpu.dma_semaphore, #tpu.memory_space<semaphore_mem>>)
      } else {
      }
      %add3A_94 = arith.constant 1 : i32
      %add3A_95 = arith.addi %mul3A_76, %add3A_94 : i32
      %dma_wait3A_96 = arith.constant 1 : i32
      %dma_wait3A_97 = arith.constant 0 : i32
      %dma_wait3A_98 = arith.constant 0 : i32
      %dma_wait3A_99 = tpu.memref_slice %arg9[%dma_wait3A_96, %dma_wait3A_97, %dma_wait3A_98] : memref<2x128x16xf32, #tpu.memory_space<vmem>> -> memref<1x128x16xf32, #tpu.memory_space<vmem>>
      %dma_wait3A_100 = tpu.memref_squeeze %dma_wait3A_99 : memref<1x128x16xf32, #tpu.memory_space<vmem>> -> memref<128x16xf32, #tpu.memory_space<vmem>>
      %dma_wait3A_101 = arith.constant 0 : i32
      %dma_wait3A_102 = tpu.memref_slice %arg7[%add3A_95, %dma_wait3A_101] : memref<64x128xi32, #tpu.memory_space<vmem>> -> memref<1x128xi32, #tpu.memory_space<vmem>>
      %dma_wait3A_103 = tpu.memref_squeeze %dma_wait3A_102 : memref<1x128xi32, #tpu.memory_space<vmem>> -> memref<128xi32, #tpu.memory_space<vmem>>
      %dma_wait3A_104 = arith.constant 0 : i32
      %dma_wait3A_105 = arith.constant 0 : i32
      %dma_wait3A_106 = tpu.memref_slice %arg2[%dma_wait3A_104, %dma_wait3A_105] : memref<10000x16xf32, #tpu.memory_space<hbm>> -> memref<10000x16xf32, #tpu.memory_space<hbm>>
      tpu.wait_indirect_dma semaphore(%arg12 : memref<!tpu.dma_semaphore, #tpu.memory_space<semaphore_mem>>) src(%dma_wait3A_106 : memref<10000x16xf32, #tpu.memory_space<hbm>>) dst(%dma_wait3A_100 : memref<128x16xf32, #tpu.memory_space<vmem>>)
      %run_scoped3A_107 = arith.constant 1 : i32
      "tpu.region"() ({
        %run_scoped3A_114 = tpu.sem_alloc : memref<!tpu.dma_semaphore, #tpu.memory_space<semaphore_mem>>
        %dma_start3A_115 = arith.constant 0 : i32
        %dma_start3A_116 = arith.constant 0 : i32
        %dma_start3A_117 = tpu.memref_slice %arg9[%run_scoped3A_107, %dma_start3A_115, %dma_start3A_116] : memref<2x128x16xf32, #tpu.memory_space<vmem>> -> memref<1x128x16xf32, #tpu.memory_space<vmem>>
        %dma_start3A_118 = tpu.memref_squeeze %dma_start3A_117 : memref<1x128x16xf32, #tpu.memory_space<vmem>> -> memref<128x16xf32, #tpu.memory_space<vmem>>
        %dma_start3A_119 = arith.constant 0 : i32
        %dma_start3A_120 = tpu.memref_slice %arg8[%add3A_95, %dma_start3A_119] : memref<64x128xi32, #tpu.memory_space<vmem>> -> memref<1x128xi32, #tpu.memory_space<vmem>>
        %dma_start3A_121 = tpu.memref_squeeze %dma_start3A_120 : memref<1x128xi32, #tpu.memory_space<vmem>> -> memref<128xi32, #tpu.memory_space<vmem>>
        %dma_start3A_122 = arith.constant 0 : i32
        %dma_start3A_123 = arith.constant 0 : i32
        %dma_start3A_124 = tpu.memref_slice %arg10[%dma_start3A_122, %dma_start3A_123] : memref<10112x16xf32, #tpu.memory_space<vmem_shared>> -> memref<10112x16xf32, #tpu.memory_space<vmem_shared>>
        tpu.enqueue_indirect_dma source(%dma_start3A_118 : memref<128x16xf32, #tpu.memory_space<vmem>>) target(%dma_start3A_124 : memref<10112x16xf32, #tpu.memory_space<vmem_shared>>) offsets(%dma_start3A_121 : memref<128xi32, #tpu.memory_space<vmem>>) semaphore(%run_scoped3A_114 : memref<!tpu.dma_semaphore, #tpu.memory_space<semaphore_mem>>) {add = true}
        %dma_wait3A_125 = arith.constant 0 : i32
        %dma_wait3A_126 = arith.constant 0 : i32
        %dma_wait3A_127 = tpu.memref_slice %arg9[%run_scoped3A_107, %dma_wait3A_125, %dma_wait3A_126] : memref<2x128x16xf32, #tpu.memory_space<vmem>> -> memref<1x128x16xf32, #tpu.memory_space<vmem>>
        %dma_wait3A_128 = tpu.memref_squeeze %dma_wait3A_127 : memref<1x128x16xf32, #tpu.memory_space<vmem>> -> memref<128x16xf32, #tpu.memory_space<vmem>>
        %dma_wait3A_129 = arith.constant 0 : i32
        %dma_wait3A_130 = tpu.memref_slice %arg8[%add3A_95, %dma_wait3A_129] : memref<64x128xi32, #tpu.memory_space<vmem>> -> memref<1x128xi32, #tpu.memory_space<vmem>>
        %dma_wait3A_131 = tpu.memref_squeeze %dma_wait3A_130 : memref<1x128xi32, #tpu.memory_space<vmem>> -> memref<128xi32, #tpu.memory_space<vmem>>
        %dma_wait3A_132 = arith.constant 0 : i32
        %dma_wait3A_133 = arith.constant 0 : i32
        %dma_wait3A_134 = tpu.memref_slice %arg10[%dma_wait3A_132, %dma_wait3A_133] : memref<10112x16xf32, #tpu.memory_space<vmem_shared>> -> memref<10112x16xf32, #tpu.memory_space<vmem_shared>>
        tpu.wait_indirect_dma semaphore(%run_scoped3A_114 : memref<!tpu.dma_semaphore, #tpu.memory_space<semaphore_mem>>) src(%dma_wait3A_128 : memref<128x16xf32, #tpu.memory_space<vmem>>) dst(%dma_wait3A_134 : memref<10112x16xf32, #tpu.memory_space<vmem_shared>>)
        tpu.yield
      }) : () -> ()
      %add3A_108 = arith.constant 2 : i32
      %add3A_109 = arith.addi %add3A_95, %add3A_108 : i32
      %lt3A_110 = arith.cmpi slt, %add3A_109, %select_n3A_8 : i32
      %convert_element_type3A_111 = arith.extui %lt3A_110 : i1 to i32
      %cond3A_112 = arith.constant 0 : i32
      %cond3A_113 = arith.cmpi ne, %convert_element_type3A_111, %cond3A_112 : i32
      scf.if %cond3A_113 {
        %add3A_114 = arith.constant 2 : i32
        %add3A_115 = arith.addi %add3A_95, %add3A_114 : i32
        %dma_start3A_116 = arith.constant 1 : i32
        %dma_start3A_117 = arith.constant 0 : i32
        %dma_start3A_118 = arith.constant 0 : i32
        %dma_start3A_119 = tpu.memref_slice %arg9[%dma_start3A_116, %dma_start3A_117, %dma_start3A_118] : memref<2x128x16xf32, #tpu.memory_space<vmem>> -> memref<1x128x16xf32, #tpu.memory_space<vmem>>
        %dma_start3A_120 = tpu.memref_squeeze %dma_start3A_119 : memref<1x128x16xf32, #tpu.memory_space<vmem>> -> memref<128x16xf32, #tpu.memory_space<vmem>>
        %dma_start3A_121 = arith.constant 0 : i32
        %dma_start3A_122 = tpu.memref_slice %arg7[%add3A_115, %dma_start3A_121] : memref<64x128xi32, #tpu.memory_space<vmem>> -> memref<1x128xi32, #tpu.memory_space<vmem>>
        %dma_start3A_123 = tpu.memref_squeeze %dma_start3A_122 : memref<1x128xi32, #tpu.memory_space<vmem>> -> memref<128xi32, #tpu.memory_space<vmem>>
        %dma_start3A_124 = arith.constant 0 : i32
        %dma_start3A_125 = arith.constant 0 : i32
        %dma_start3A_126 = tpu.memref_slice %arg2[%dma_start3A_124, %dma_start3A_125] : memref<10000x16xf32, #tpu.memory_space<hbm>> -> memref<10000x16xf32, #tpu.memory_space<hbm>>
        tpu.enqueue_indirect_dma source(%dma_start3A_126 : memref<10000x16xf32, #tpu.memory_space<hbm>>) target(%dma_start3A_120 : memref<128x16xf32, #tpu.memory_space<vmem>>) offsets(%dma_start3A_123 : memref<128xi32, #tpu.memory_space<vmem>>) semaphore(%arg12 : memref<!tpu.dma_semaphore, #tpu.memory_space<semaphore_mem>>)
      } else {
      }
    }
    %while3A_68 = arith.constant 1 : i32
    scf.for %while3A_74 = %while3A_66 to %while3A_62 step %while3A_68  : i32 {
      %mul3A_75 = arith.constant 2 : i32
      %mul3A_76 = arith.muli %while3A_74, %mul3A_75 : i32
      %add3A_77 = arith.constant 0 : i32
      %add3A_78 = arith.addi %mul3A_76, %add3A_77 : i32
      %dma_wait3A = arith.constant 0 : i32
      %dma_wait3A_79 = arith.constant 0 : i32
      %dma_wait3A_80 = arith.constant 0 : i32
      %dma_wait3A_81 = tpu.memref_slice %arg9[%dma_wait3A, %dma_wait3A_79, %dma_wait3A_80] : memref<2x128x16xf32, #tpu.memory_space<vmem>> -> memref<1x128x16xf32, #tpu.memory_space<vmem>>
      %dma_wait3A_82 = tpu.memref_squeeze %dma_wait3A_81 : memref<1x128x16xf32, #tpu.memory_space<vmem>> -> memref<128x16xf32, #tpu.memory_space<vmem>>
      %dma_wait3A_83 = arith.constant 0 : i32
      %dma_wait3A_84 = tpu.memref_slice %arg7[%add3A_78, %dma_wait3A_83] : memref<64x128xi32, #tpu.memory_space<vmem>> -> memref<1x128xi32, #tpu.memory_space<vmem>>
      %dma_wait3A_85 = tpu.memref_squeeze %dma_wait3A_84 : memref<1x128xi32, #tpu.memory_space<vmem>> -> memref<128xi32, #tpu.memory_space<vmem>>
      %dma_wait3A_86 = arith.constant 0 : i32
      %dma_wait3A_87 = arith.constant 0 : i32
      %dma_wait3A_88 = tpu.memref_slice %arg2[%dma_wait3A_86, %dma_wait3A_87] : memref<10000x16xf32, #tpu.memory_space<hbm>> -> memref<10000x16xf32, #tpu.memory_space<hbm>>
      tpu.wait_indirect_dma semaphore(%arg11 : memref<!tpu.dma_semaphore, #tpu.memory_space<semaphore_mem>>) src(%dma_wait3A_88 : memref<10000x16xf32, #tpu.memory_space<hbm>>) dst(%dma_wait3A_82 : memref<128x16xf32, #tpu.memory_space<vmem>>)
      %run_scoped3A = arith.constant 0 : i32
      "tpu.region"() ({
        %run_scoped3A_114 = tpu.sem_alloc : memref<!tpu.dma_semaphore, #tpu.memory_space<semaphore_mem>>
        %dma_start3A_115 = arith.constant 0 : i32
        %dma_start3A_116 = arith.constant 0 : i32
        %dma_start3A_117 = tpu.memref_slice %arg9[%run_scoped3A, %dma_start3A_115, %dma_start3A_116] : memref<2x128x16xf32, #tpu.memory_space<vmem>> -> memref<1x128x16xf32, #tpu.memory_space<vmem>>
        %dma_start3A_118 = tpu.memref_squeeze %dma_start3A_117 : memref<1x128x16xf32, #tpu.memory_space<vmem>> -> memref<128x16xf32, #tpu.memory_space<vmem>>
        %dma_start3A_119 = arith.constant 0 : i32
        %dma_start3A_120 = tpu.memref_slice %arg8[%add3A_78, %dma_start3A_119] : memref<64x128xi32, #tpu.memory_space<vmem>> -> memref<1x128xi32, #tpu.memory_space<vmem>>
        %dma_start3A_121 = tpu.memref_squeeze %dma_start3A_120 : memref<1x128xi32, #tpu.memory_space<vmem>> -> memref<128xi32, #tpu.memory_space<vmem>>
        %dma_start3A_122 = arith.constant 0 : i32
        %dma_start3A_123 = arith.constant 0 : i32
        %dma_start3A_124 = tpu.memref_slice %arg10[%dma_start3A_122, %dma_start3A_123] : memref<10112x16xf32, #tpu.memory_space<vmem_shared>> -> memref<10112x16xf32, #tpu.memory_space<vmem_shared>>
        tpu.enqueue_indirect_dma source(%dma_start3A_118 : memref<128x16xf32, #tpu.memory_space<vmem>>) target(%dma_start3A_124 : memref<10112x16xf32, #tpu.memory_space<vmem_shared>>) offsets(%dma_start3A_121 : memref<128xi32, #tpu.memory_space<vmem>>) semaphore(%run_scoped3A_114 : memref<!tpu.dma_semaphore, #tpu.memory_space<semaphore_mem>>) {add = true}
        %dma_wait3A_125 = arith.constant 0 : i32
        %dma_wait3A_126 = arith.constant 0 : i32
        %dma_wait3A_127 = tpu.memref_slice %arg9[%run_scoped3A, %dma_wait3A_125, %dma_wait3A_126] : memref<2x128x16xf32, #tpu.memory_space<vmem>> -> memref<1x128x16xf32, #tpu.memory_space<vmem>>
        %dma_wait3A_128 = tpu.memref_squeeze %dma_wait3A_127 : memref<1x128x16xf32, #tpu.memory_space<vmem>> -> memref<128x16xf32, #tpu.memory_space<vmem>>
        %dma_wait3A_129 = arith.constant 0 : i32
        %dma_wait3A_130 = tpu.memref_slice %arg8[%add3A_78, %dma_wait3A_129] : memref<64x128xi32, #tpu.memory_space<vmem>> -> memref<1x128xi32, #tpu.memory_space<vmem>>
        %dma_wait3A_131 = tpu.memref_squeeze %dma_wait3A_130 : memref<1x128xi32, #tpu.memory_space<vmem>> -> memref<128xi32, #tpu.memory_space<vmem>>
        %dma_wait3A_132 = arith.constant 0 : i32
        %dma_wait3A_133 = arith.constant 0 : i32
        %dma_wait3A_134 = tpu.memref_slice %arg10[%dma_wait3A_132, %dma_wait3A_133] : memref<10112x16xf32, #tpu.memory_space<vmem_shared>> -> memref<10112x16xf32, #tpu.memory_space<vmem_shared>>
        tpu.wait_indirect_dma semaphore(%run_scoped3A_114 : memref<!tpu.dma_semaphore, #tpu.memory_space<semaphore_mem>>) src(%dma_wait3A_128 : memref<128x16xf32, #tpu.memory_space<vmem>>) dst(%dma_wait3A_134 : memref<10112x16xf32, #tpu.memory_space<vmem_shared>>)
        tpu.yield
      }) : () -> ()
      %add3A_89 = arith.constant 2 : i32
      %add3A_90 = arith.addi %add3A_78, %add3A_89 : i32
      %lt3A = arith.cmpi slt, %add3A_90, %select_n3A_8 : i32
      %convert_element_type3A_91 = arith.extui %lt3A : i1 to i32
      %cond3A_92 = arith.constant 0 : i32
      %cond3A_93 = arith.cmpi ne, %convert_element_type3A_91, %cond3A_92 : i32
      scf.if %cond3A_93 {
        %add3A_114 = arith.constant 2 : i32
        %add3A_115 = arith.addi %add3A_78, %add3A_114 : i32
        %dma_start3A_116 = arith.constant 0 : i32
        %dma_start3A_117 = arith.constant 0 : i32
        %dma_start3A_118 = arith.constant 0 : i32
        %dma_start3A_119 = tpu.memref_slice %arg9[%dma_start3A_116, %dma_start3A_117, %dma_start3A_118] : memref<2x128x16xf32, #tpu.memory_space<vmem>> -> memref<1x128x16xf32, #tpu.memory_space<vmem>>
        %dma_start3A_120 = tpu.memref_squeeze %dma_start3A_119 : memref<1x128x16xf32, #tpu.memory_space<vmem>> -> memref<128x16xf32, #tpu.memory_space<vmem>>
        %dma_start3A_121 = arith.constant 0 : i32
        %dma_start3A_122 = tpu.memref_slice %arg7[%add3A_115, %dma_start3A_121] : memref<64x128xi32, #tpu.memory_space<vmem>> -> memref<1x128xi32, #tpu.memory_space<vmem>>
        %dma_start3A_123 = tpu.memref_squeeze %dma_start3A_122 : memref<1x128xi32, #tpu.memory_space<vmem>> -> memref<128xi32, #tpu.memory_space<vmem>>
        %dma_start3A_124 = arith.constant 0 : i32
        %dma_start3A_125 = arith.constant 0 : i32
        %dma_start3A_126 = tpu.memref_slice %arg2[%dma_start3A_124, %dma_start3A_125] : memref<10000x16xf32, #tpu.memory_space<hbm>> -> memref<10000x16xf32, #tpu.memory_space<hbm>>
        tpu.enqueue_indirect_dma source(%dma_start3A_126 : memref<10000x16xf32, #tpu.memory_space<hbm>>) target(%dma_start3A_120 : memref<128x16xf32, #tpu.memory_space<vmem>>) offsets(%dma_start3A_123 : memref<128xi32, #tpu.memory_space<vmem>>) semaphore(%arg11 : memref<!tpu.dma_semaphore, #tpu.memory_space<semaphore_mem>>)
      } else {
      }
      %add3A_94 = arith.constant 1 : i32
      %add3A_95 = arith.addi %mul3A_76, %add3A_94 : i32
      %dma_wait3A_96 = arith.constant 1 : i32
      %dma_wait3A_97 = arith.constant 0 : i32
      %dma_wait3A_98 = arith.constant 0 : i32
      %dma_wait3A_99 = tpu.memref_slice %arg9[%dma_wait3A_96, %dma_wait3A_97, %dma_wait3A_98] : memref<2x128x16xf32, #tpu.memory_space<vmem>> -> memref<1x128x16xf32, #tpu.memory_space<vmem>>
      %dma_wait3A_100 = tpu.memref_squeeze %dma_wait3A_99 : memref<1x128x16xf32, #tpu.memory_space<vmem>> -> memref<128x16xf32, #tpu.memory_space<vmem>>
      %dma_wait3A_101 = arith.constant 0 : i32
      %dma_wait3A_102 = tpu.memref_slice %arg7[%add3A_95, %dma_wait3A_101] : memref<64x128xi32, #tpu.memory_space<vmem>> -> memref<1x128xi32, #tpu.memory_space<vmem>>
      %dma_wait3A_103 = tpu.memref_squeeze %dma_wait3A_102 : memref<1x128xi32, #tpu.memory_space<vmem>> -> memref<128xi32, #tpu.memory_space<vmem>>
      %dma_wait3A_104 = arith.constant 0 : i32
      %dma_wait3A_105 = arith.constant 0 : i32
      %dma_wait3A_106 = tpu.memref_slice %arg2[%dma_wait3A_104, %dma_wait3A_105] : memref<10000x16xf32, #tpu.memory_space<hbm>> -> memref<10000x16xf32, #tpu.memory_space<hbm>>
      tpu.wait_indirect_dma semaphore(%arg12 : memref<!tpu.dma_semaphore, #tpu.memory_space<semaphore_mem>>) src(%dma_wait3A_106 : memref<10000x16xf32, #tpu.memory_space<hbm>>) dst(%dma_wait3A_100 : memref<128x16xf32, #tpu.memory_space<vmem>>)
      %run_scoped3A_107 = arith.constant 1 : i32
      "tpu.region"() ({
        %run_scoped3A_114 = tpu.sem_alloc : memref<!tpu.dma_semaphore, #tpu.memory_space<semaphore_mem>>
        %dma_start3A_115 = arith.constant 0 : i32
        %dma_start3A_116 = arith.constant 0 : i32
        %dma_start3A_117 = tpu.memref_slice %arg9[%run_scoped3A_107, %dma_start3A_115, %dma_start3A_116] : memref<2x128x16xf32, #tpu.memory_space<vmem>> -> memref<1x128x16xf32, #tpu.memory_space<vmem>>
        %dma_start3A_118 = tpu.memref_squeeze %dma_start3A_117 : memref<1x128x16xf32, #tpu.memory_space<vmem>> -> memref<128x16xf32, #tpu.memory_space<vmem>>
        %dma_start3A_119 = arith.constant 0 : i32
        %dma_start3A_120 = tpu.memref_slice %arg8[%add3A_95, %dma_start3A_119] : memref<64x128xi32, #tpu.memory_space<vmem>> -> memref<1x128xi32, #tpu.memory_space<vmem>>
        %dma_start3A_121 = tpu.memref_squeeze %dma_start3A_120 : memref<1x128xi32, #tpu.memory_space<vmem>> -> memref<128xi32, #tpu.memory_space<vmem>>
        %dma_start3A_122 = arith.constant 0 : i32
        %dma_start3A_123 = arith.constant 0 : i32
        %dma_start3A_124 = tpu.memref_slice %arg10[%dma_start3A_122, %dma_start3A_123] : memref<10112x16xf32, #tpu.memory_space<vmem_shared>> -> memref<10112x16xf32, #tpu.memory_space<vmem_shared>>
        tpu.enqueue_indirect_dma source(%dma_start3A_118 : memref<128x16xf32, #tpu.memory_space<vmem>>) target(%dma_start3A_124 : memref<10112x16xf32, #tpu.memory_space<vmem_shared>>) offsets(%dma_start3A_121 : memref<128xi32, #tpu.memory_space<vmem>>) semaphore(%run_scoped3A_114 : memref<!tpu.dma_semaphore, #tpu.memory_space<semaphore_mem>>) {add = true}
        %dma_wait3A_125 = arith.constant 0 : i32
        %dma_wait3A_126 = arith.constant 0 : i32
        %dma_wait3A_127 = tpu.memref_slice %arg9[%run_scoped3A_107, %dma_wait3A_125, %dma_wait3A_126] : memref<2x128x16xf32, #tpu.memory_space<vmem>> -> memref<1x128x16xf32, #tpu.memory_space<vmem>>
        %dma_wait3A_128 = tpu.memref_squeeze %dma_wait3A_127 : memref<1x128x16xf32, #tpu.memory_space<vmem>> -> memref<128x16xf32, #tpu.memory_space<vmem>>
        %dma_wait3A_129 = arith.constant 0 : i32
        %dma_wait3A_130 = tpu.memref_slice %arg8[%add3A_95, %dma_wait3A_129] : memref<64x128xi32, #tpu.memory_space<vmem>> -> memref<1x128xi32, #tpu.memory_space<vmem>>
        %dma_wait3A_131 = tpu.memref_squeeze %dma_wait3A_130 : memref<1x128xi32, #tpu.memory_space<vmem>> -> memref<128xi32, #tpu.memory_space<vmem>>
        %dma_wait3A_132 = arith.constant 0 : i32
        %dma_wait3A_133 = arith.constant 0 : i32
        %dma_wait3A_134 = tpu.memref_slice %arg10[%dma_wait3A_132, %dma_wait3A_133] : memref<10112x16xf32, #tpu.memory_space<vmem_shared>> -> memref<10112x16xf32, #tpu.memory_space<vmem_shared>>
        tpu.wait_indirect_dma semaphore(%run_scoped3A_114 : memref<!tpu.dma_semaphore, #tpu.memory_space<semaphore_mem>>) src(%dma_wait3A_128 : memref<128x16xf32, #tpu.memory_space<vmem>>) dst(%dma_wait3A_134 : memref<10112x16xf32, #tpu.memory_space<vmem_shared>>)
        tpu.yield
      }) : () -> ()
      %add3A_108 = arith.constant 2 : i32
      %add3A_109 = arith.addi %add3A_95, %add3A_108 : i32
      %lt3A_110 = arith.cmpi slt, %add3A_109, %select_n3A_8 : i32
      %convert_element_type3A_111 = arith.extui %lt3A_110 : i1 to i32
      %cond3A_112 = arith.constant 0 : i32
      %cond3A_113 = arith.cmpi ne, %convert_element_type3A_111, %cond3A_112 : i32
      scf.if %cond3A_113 {
        %add3A_114 = arith.constant 2 : i32
        %add3A_115 = arith.addi %add3A_95, %add3A_114 : i32
        %dma_start3A_116 = arith.constant 1 : i32
        %dma_start3A_117 = arith.constant 0 : i32
        %dma_start3A_118 = arith.constant 0 : i32
        %dma_start3A_119 = tpu.memref_slice %arg9[%dma_start3A_116, %dma_start3A_117, %dma_start3A_118] : memref<2x128x16xf32, #tpu.memory_space<vmem>> -> memref<1x128x16xf32, #tpu.memory_space<vmem>>
        %dma_start3A_120 = tpu.memref_squeeze %dma_start3A_119 : memref<1x128x16xf32, #tpu.memory_space<vmem>> -> memref<128x16xf32, #tpu.memory_space<vmem>>
        %dma_start3A_121 = arith.constant 0 : i32
        %dma_start3A_122 = tpu.memref_slice %arg7[%add3A_115, %dma_start3A_121] : memref<64x128xi32, #tpu.memory_space<vmem>> -> memref<1x128xi32, #tpu.memory_space<vmem>>
        %dma_start3A_123 = tpu.memref_squeeze %dma_start3A_122 : memref<1x128xi32, #tpu.memory_space<vmem>> -> memref<128xi32, #tpu.memory_space<vmem>>
        %dma_start3A_124 = arith.constant 0 : i32
        %dma_start3A_125 = arith.constant 0 : i32
        %dma_start3A_126 = tpu.memref_slice %arg2[%dma_start3A_124, %dma_start3A_125] : memref<10000x16xf32, #tpu.memory_space<hbm>> -> memref<10000x16xf32, #tpu.memory_space<hbm>>
        tpu.enqueue_indirect_dma source(%dma_start3A_126 : memref<10000x16xf32, #tpu.memory_space<hbm>>) target(%dma_start3A_120 : memref<128x16xf32, #tpu.memory_space<vmem>>) offsets(%dma_start3A_123 : memref<128xi32, #tpu.memory_space<vmem>>) semaphore(%arg12 : memref<!tpu.dma_semaphore, #tpu.memory_space<semaphore_mem>>)
      } else {
      }
    }
    %barrier3A_69 = arith.constant 0 : index
    tpu.barrier barrier_id(%barrier3A_69)
    %mul3A_70 = arith.constant 632 : i32
    %mul3A_71 = arith.muli %arg1, %mul3A_70 : i32
    %mul3A_72 = arith.constant 632 : i32
    %mul3A_73 = arith.muli %arg1, %mul3A_72 : i32
    "tpu.region"() ({
      %run_scoped3A = tpu.sem_alloc : memref<!tpu.dma_semaphore, #tpu.memory_space<semaphore_mem>>
      %dma_start3A_74 = arith.constant 0 : i32
      %dma_start3A_75 = tpu.memref_slice %arg6[%arg0, %mul3A_73, %dma_start3A_74] : memref<2x10112x16xf32, #tpu.memory_space<hbm>> -> memref<1x632x16xf32, #tpu.memory_space<hbm>>
      %dma_start3A_76 = tpu.memref_squeeze %dma_start3A_75 : memref<1x632x16xf32, #tpu.memory_space<hbm>> -> memref<632x16xf32, #tpu.memory_space<hbm>>
      %dma_start3A_77 = arith.constant 0 : i32
      %dma_start3A_78 = tpu.memref_slice %arg10[%mul3A_71, %dma_start3A_77] : memref<10112x16xf32, #tpu.memory_space<vmem_shared>> -> memref<632x16xf32, #tpu.memory_space<vmem_shared>>
      tpu.enqueue_dma source(%dma_start3A_78 : memref<632x16xf32, #tpu.memory_space<vmem_shared>>) target(%dma_start3A_76 : memref<632x16xf32, #tpu.memory_space<hbm>>) target_semaphore(%run_scoped3A : memref<!tpu.dma_semaphore, #tpu.memory_space<semaphore_mem>>)
      %dma_wait3A = arith.constant 0 : i32
      %dma_wait3A_79 = tpu.memref_slice %arg6[%arg0, %mul3A_73, %dma_wait3A] : memref<2x10112x16xf32, #tpu.memory_space<hbm>> -> memref<1x632x16xf32, #tpu.memory_space<hbm>>
      %dma_wait3A_80 = tpu.memref_squeeze %dma_wait3A_79 : memref<1x632x16xf32, #tpu.memory_space<hbm>> -> memref<632x16xf32, #tpu.memory_space<hbm>>
      %dma_wait3A_81 = arith.constant 0 : i32
      %dma_wait3A_82 = tpu.memref_slice %arg10[%mul3A_71, %dma_wait3A_81] : memref<10112x16xf32, #tpu.memory_space<vmem_shared>> -> memref<632x16xf32, #tpu.memory_space<vmem_shared>>
      tpu.wait_dma2 semaphore(%run_scoped3A : memref<!tpu.dma_semaphore, #tpu.memory_space<semaphore_mem>>) src(%dma_wait3A_82 : memref<632x16xf32, #tpu.memory_space<vmem_shared>>) dst(%dma_wait3A_80 : memref<632x16xf32, #tpu.memory_space<hbm>>)
      tpu.yield
    }) : () -> ()
    return
  }
}

module attributes {stable_mosaic.version = 14 : i64} {
  func.func @_tc1(%arg0: i32, %arg1: memref<1000x256xf32, #tpu.memory_space<vmem>>, %arg2: memref<1000x16xf32, #tpu.memory_space<vmem>>, %arg3: memref<1000x16xf32, #tpu.memory_space<vmem>>, %arg4: memref<256x128xf32, #tpu.memory_space<vmem>>, %arg5: memref<1000x64xf32, #tpu.memory_space<vmem>>, %arg6: memref<1000x64xf32, #tpu.memory_space<vmem>>) attributes {dimension_semantics = [#tpu.dimension_semantics<arbitrary>], iteration_bounds = array<i64: 10>, scalar_prefetch = 0 : i64, scratch_operands = 0 : i64, tpu.core_type = #tpu.core_type<tc>, window_params = [{transform_indices = @transform_0, window_bounds = array<i64: 1000, 256>}, {transform_indices = @transform_1, window_bounds = array<i64: 1000, 16>}, {transform_indices = @transform_2, window_bounds = array<i64: 1000, 16>}, {pipeline_mode = #tpu.pipeline_mode<synchronous>, transform_indices = @transform_3, window_bounds = array<i64: 256, 128>}, {transform_indices = @transform_4, window_bounds = array<i64: 1000, 64>}, {transform_indices = @transform_5, window_bounds = array<i64: 1000, 64>}]} {
    %get3A = arith.constant 0 : index
    %get3A_0 = arith.constant 0 : index
    %get3A_1 = vector.load %arg2[%get3A, %get3A_0] : memref<1000x16xf32, #tpu.memory_space<vmem>>, vector<1000x1xf32>
    %get3A_2 = arith.constant 0 : index
    %get3A_3 = arith.constant 0 : index
    %get3A_4 = vector.load %arg3[%get3A_2, %get3A_3] : memref<1000x16xf32, #tpu.memory_space<vmem>>, vector<1000x1xf32>
    %add3A = arith.addf %get3A_1, %get3A_4 : vector<1000x1xf32>
    %add3A_5 = arith.constant 1.000000e+00 : f32
    %add3A_6 = vector.broadcast %add3A_5 : f32 to vector<1000x1xf32>
    %add3A_7 = arith.addf %add3A, %add3A_6 : vector<1000x1xf32>
    %rsqrt3A = math.rsqrt %add3A_7 : vector<1000x1xf32>
    %get3A_8 = arith.constant 0 : index
    %get3A_9 = arith.constant 0 : index
    %get3A_10 = vector.load %arg1[%get3A_8, %get3A_9] : memref<1000x256xf32, #tpu.memory_space<vmem>>, vector<1000x256xf32>
    %get3A_11 = arith.constant 0 : index
    %get3A_12 = arith.constant 0 : index
    %get3A_13 = vector.load %arg4[%get3A_11, %get3A_12] : memref<256x128xf32, #tpu.memory_space<vmem>>, vector<256x128xf32>
    %dot_general3A = arith.constant dense<0.000000e+00> : vector<1000x128xf32>
    %dot_general3A_14 = tpu.matmul %get3A_10, %get3A_13, %dot_general3A {dimension_numbers = #tpu.dot_dimension_numbers<[1], [0], [0], [1], [0, 0, 1, 1], [], []>, transpose_lhs_hint = false} : vector<1000x256xf32>, vector<256x128xf32>, vector<1000x128xf32> -> vector<1000x128xf32>
    %mul3A = vector.broadcast %rsqrt3A : vector<1000x1xf32> to vector<1000x128xf32>
    %mul3A_15 = arith.mulf %dot_general3A_14, %mul3A : vector<1000x128xf32>
    %slice3A = vector.extract_strided_slice %mul3A_15 {offsets = [0, 0], sizes = [1000, 64], strides = [1, 1]} : vector<1000x128xf32> to vector<1000x64xf32>
    %swap3A = arith.constant 0 : index
    %swap3A_16 = arith.constant 0 : index
    %swap3A_17 = vector.load %arg5[%swap3A, %swap3A_16] : memref<1000x64xf32, #tpu.memory_space<vmem>>, vector<1000x64xf32>
    tpu.vector_store %arg5[%swap3A, %swap3A_16], %slice3A {strides = array<i32>} : memref<1000x64xf32, #tpu.memory_space<vmem>>, vector<1000x64xf32>,
    %slice3A_18 = vector.extract_strided_slice %mul3A_15 {offsets = [0, 64], sizes = [1000, 64], strides = [1, 1]} : vector<1000x128xf32> to vector<1000x64xf32>
    %swap3A_19 = arith.constant 0 : index
    %swap3A_20 = arith.constant 0 : index
    %swap3A_21 = vector.load %arg6[%swap3A_19, %swap3A_20] : memref<1000x64xf32, #tpu.memory_space<vmem>>, vector<1000x64xf32>
    tpu.vector_store %arg6[%swap3A_19, %swap3A_20], %slice3A_18 {strides = array<i32>} : memref<1000x64xf32, #tpu.memory_space<vmem>>, vector<1000x64xf32>,
    return
  }
  func.func @transform_0(%arg0: i32) -> (i32, i32) {
    %c0_i32 = arith.constant 0 : i32
    %c0_i32_0 = arith.constant 0 : i32
    return %arg0, %c0_i32 : i32, i32
  }
  func.func @transform_1(%arg0: i32) -> (i32, i32) {
    %c0_i32 = arith.constant 0 : i32
    %c0_i32_0 = arith.constant 0 : i32
    return %arg0, %c0_i32 : i32, i32
  }
  func.func @transform_2(%arg0: i32) -> (i32, i32) {
    %c0_i32 = arith.constant 0 : i32
    %c0_i32_0 = arith.constant 0 : i32
    return %arg0, %c0_i32 : i32, i32
  }
  func.func @transform_3(%arg0: i32) -> (i32, i32) {
    %c0_i32 = arith.constant 0 : i32
    %c0_i32_0 = arith.constant 0 : i32
    %c0_i32_1 = arith.constant 0 : i32
    return %c0_i32, %c0_i32_0 : i32, i32
  }
  func.func @transform_4(%arg0: i32) -> (i32, i32) {
    %c0_i32 = arith.constant 0 : i32
    %c0_i32_0 = arith.constant 0 : i32
    return %arg0, %c0_i32 : i32, i32
  }
  func.func @transform_5(%arg0: i32) -> (i32, i32) {
    %c0_i32 = arith.constant 0 : i32
    %c0_i32_0 = arith.constant 0 : i32
    return %arg0, %c0_i32 : i32, i32
  }
}

module attributes {stable_mosaic.version = 14 : i64} {
  func.func @_tc2(%arg0: i32, %arg1: memref<1000x64xf32, #tpu.memory_space<vmem>>, %arg2: memref<1000x64xf32, #tpu.memory_space<vmem>>, %arg3: memref<1000x64xf32, #tpu.memory_space<vmem>>, %arg4: memref<1000x64xf32, #tpu.memory_space<vmem>>, %arg5: memref<1000x16xf32, #tpu.memory_space<vmem>>, %arg6: memref<1000x16xf32, #tpu.memory_space<vmem>>, %arg7: memref<128x16xf32, #tpu.memory_space<vmem>>, %arg8: memref<1x128xf32, #tpu.memory_space<vmem>>, %arg9: memref<1000x16xf32, #tpu.memory_space<vmem>>) attributes {dimension_semantics = [#tpu.dimension_semantics<arbitrary>], iteration_bounds = array<i64: 10>, scalar_prefetch = 0 : i64, scratch_operands = 0 : i64, tpu.core_type = #tpu.core_type<tc>, window_params = [{transform_indices = @transform_0, window_bounds = array<i64: 1000, 64>}, {transform_indices = @transform_1, window_bounds = array<i64: 1000, 64>}, {transform_indices = @transform_2, window_bounds = array<i64: 1000, 64>}, {transform_indices = @transform_3, window_bounds = array<i64: 1000, 64>}, {transform_indices = @transform_4, window_bounds = array<i64: 1000, 16>}, {transform_indices = @transform_5, window_bounds = array<i64: 1000, 16>}, {pipeline_mode = #tpu.pipeline_mode<synchronous>, transform_indices = @transform_6, window_bounds = array<i64: 128, 16>}, {pipeline_mode = #tpu.pipeline_mode<synchronous>, transform_indices = @transform_7, window_bounds = array<i64: 1, 128>}, {transform_indices = @transform_8, window_bounds = array<i64: 1000, 16>}]} {
    %get3A = arith.constant 0 : index
    %get3A_0 = arith.constant 0 : index
    %get3A_1 = vector.load %arg5[%get3A, %get3A_0] : memref<1000x16xf32, #tpu.memory_space<vmem>>, vector<1000x1xf32>
    %get3A_2 = arith.constant 0 : index
    %get3A_3 = arith.constant 0 : index
    %get3A_4 = vector.load %arg6[%get3A_2, %get3A_3] : memref<1000x16xf32, #tpu.memory_space<vmem>>, vector<1000x1xf32>
    %add3A = arith.addf %get3A_1, %get3A_4 : vector<1000x1xf32>
    %add3A_5 = arith.constant 1.000000e+00 : f32
    %add3A_6 = vector.broadcast %add3A_5 : f32 to vector<1000x1xf32>
    %add3A_7 = arith.addf %add3A, %add3A_6 : vector<1000x1xf32>
    %rsqrt3A = math.rsqrt %add3A_7 : vector<1000x1xf32>
    %get3A_8 = arith.constant 0 : index
    %get3A_9 = arith.constant 0 : index
    %get3A_10 = vector.load %arg1[%get3A_8, %get3A_9] : memref<1000x64xf32, #tpu.memory_space<vmem>>, vector<1000x64xf32>
    %get3A_11 = arith.constant 0 : index
    %get3A_12 = arith.constant 0 : index
    %get3A_13 = vector.load %arg3[%get3A_11, %get3A_12] : memref<1000x64xf32, #tpu.memory_space<vmem>>, vector<1000x64xf32>
    %add3A_14 = arith.addf %get3A_10, %get3A_13 : vector<1000x64xf32>
    %mul3A = vector.broadcast %rsqrt3A : vector<1000x1xf32> to vector<1000x64xf32>
    %mul3A_15 = arith.mulf %mul3A, %add3A_14 : vector<1000x64xf32>
    %get3A_16 = arith.constant 0 : index
    %get3A_17 = arith.constant 0 : index
    %get3A_18 = vector.load %arg8[%get3A_16, %get3A_17] : memref<1x128xf32, #tpu.memory_space<vmem>>, vector<1x64xf32>
    %add3A_19 = vector.broadcast %get3A_18 : vector<1x64xf32> to vector<1000x64xf32>
    %add3A_20 = arith.addf %mul3A_15, %add3A_19 : vector<1000x64xf32>
    %get3A_21 = arith.constant 0 : index
    %get3A_22 = arith.constant 0 : index
    %get3A_23 = vector.load %arg2[%get3A_21, %get3A_22] : memref<1000x64xf32, #tpu.memory_space<vmem>>, vector<1000x64xf32>
    %get3A_24 = arith.constant 0 : index
    %get3A_25 = arith.constant 0 : index
    %get3A_26 = vector.load %arg4[%get3A_24, %get3A_25] : memref<1000x64xf32, #tpu.memory_space<vmem>>, vector<1000x64xf32>
    %add3A_27 = arith.addf %get3A_23, %get3A_26 : vector<1000x64xf32>
    %mul3A_28 = vector.broadcast %rsqrt3A : vector<1000x1xf32> to vector<1000x64xf32>
    %mul3A_29 = arith.mulf %mul3A_28, %add3A_27 : vector<1000x64xf32>
    %get3A_30 = arith.constant 0 : index
    %get3A_31 = arith.constant 64 : index
    %get3A_32 = vector.load %arg8[%get3A_30, %get3A_31] : memref<1x128xf32, #tpu.memory_space<vmem>>, vector<1x64xf32>
    %add3A_33 = vector.broadcast %get3A_32 : vector<1x64xf32> to vector<1000x64xf32>
    %add3A_34 = arith.addf %mul3A_29, %add3A_33 : vector<1000x64xf32>
    %concatenate3A = tpu.concatenate %add3A_20, %add3A_34 in 1 : vector<1000x64xf32>, vector<1000x64xf32> -> vector<1000x128xf32>
    %max3A = arith.constant 0.000000e+00 : f32
    %max3A_35 = vector.broadcast %max3A : f32 to vector<1000x128xf32>
    %max3A_36 = arith.maximumf %concatenate3A, %max3A_35 : vector<1000x128xf32>
    %get3A_37 = arith.constant 0 : index
    %get3A_38 = arith.constant 0 : index
    %get3A_39 = vector.load %arg7[%get3A_37, %get3A_38] : memref<128x16xf32, #tpu.memory_space<vmem>>, vector<128x16xf32>
    %dot_general3A = arith.constant dense<0.000000e+00> : vector<1000x16xf32>
    %dot_general3A_40 = tpu.matmul %max3A_36, %get3A_39, %dot_general3A {dimension_numbers = #tpu.dot_dimension_numbers<[1], [0], [0], [1], [0, 0, 1, 1], [], []>, transpose_lhs_hint = false} : vector<1000x128xf32>, vector<128x16xf32>, vector<1000x16xf32> -> vector<1000x16xf32>
    %mul3A_41 = vector.broadcast %rsqrt3A : vector<1000x1xf32> to vector<1000x16xf32>
    %mul3A_42 = arith.mulf %dot_general3A_40, %mul3A_41 : vector<1000x16xf32>
    %swap3A = arith.constant 0 : index
    %swap3A_43 = arith.constant 0 : index
    %swap3A_44 = vector.load %arg9[%swap3A, %swap3A_43] : memref<1000x16xf32, #tpu.memory_space<vmem>>, vector<1000x16xf32>
    tpu.vector_store %arg9[%swap3A, %swap3A_43], %mul3A_42 {strides = array<i32>} : memref<1000x16xf32, #tpu.memory_space<vmem>>, vector<1000x16xf32>,
    return
  }
  func.func @transform_0(%arg0: i32) -> (i32, i32) {
    %c0_i32 = arith.constant 0 : i32
    %c0_i32_0 = arith.constant 0 : i32
    return %arg0, %c0_i32 : i32, i32
  }
  func.func @transform_1(%arg0: i32) -> (i32, i32) {
    %c0_i32 = arith.constant 0 : i32
    %c0_i32_0 = arith.constant 0 : i32
    return %arg0, %c0_i32 : i32, i32
  }
  func.func @transform_2(%arg0: i32) -> (i32, i32) {
    %c0_i32 = arith.constant 0 : i32
    %c0_i32_0 = arith.constant 0 : i32
    return %arg0, %c0_i32 : i32, i32
  }
  func.func @transform_3(%arg0: i32) -> (i32, i32) {
    %c0_i32 = arith.constant 0 : i32
    %c0_i32_0 = arith.constant 0 : i32
    return %arg0, %c0_i32 : i32, i32
  }
  func.func @transform_4(%arg0: i32) -> (i32, i32) {
    %c0_i32 = arith.constant 0 : i32
    %c0_i32_0 = arith.constant 0 : i32
    return %arg0, %c0_i32 : i32, i32
  }
  func.func @transform_5(%arg0: i32) -> (i32, i32) {
    %c0_i32 = arith.constant 0 : i32
    %c0_i32_0 = arith.constant 0 : i32
    return %arg0, %c0_i32 : i32, i32
  }
  func.func @transform_6(%arg0: i32) -> (i32, i32) {
    %c0_i32 = arith.constant 0 : i32
    %c0_i32_0 = arith.constant 0 : i32
    %c0_i32_1 = arith.constant 0 : i32
    return %c0_i32, %c0_i32_0 : i32, i32
  }
  func.func @transform_7(%arg0: i32) -> (i32, i32) {
    %c0_i32 = arith.constant 0 : i32
    %c0_i32_0 = arith.constant 0 : i32
    %c0_i32_1 = arith.constant 0 : i32
    return %c0_i32, %c0_i32_0 : i32, i32
  }
  func.func @transform_8(%arg0: i32) -> (i32, i32) {
    %c0_i32 = arith.constant 0 : i32
    %c0_i32_0 = arith.constant 0 : i32
    return %arg0, %c0_i32 : i32, i32
  }
}

module attributes {stable_mosaic.version = 14 : i64} {
  func.func @_tc3(%arg0: i32, %arg1: memref<1000x16xf32, #tpu.memory_space<vmem>>, %arg2: memref<1000x16xf32, #tpu.memory_space<vmem>>, %arg3: memref<1000x16xf32, #tpu.memory_space<vmem>>, %arg4: memref<1000x16xf32, #tpu.memory_space<vmem>>, %arg5: memref<1000x16xf32, #tpu.memory_space<vmem>>, %arg6: memref<1x16xf32, #tpu.memory_space<vmem>>, %arg7: memref<1000x12xf32, #tpu.memory_space<vmem>>) attributes {dimension_semantics = [#tpu.dimension_semantics<arbitrary>], iteration_bounds = array<i64: 10>, scalar_prefetch = 0 : i64, scratch_operands = 0 : i64, tpu.core_type = #tpu.core_type<tc>, window_params = [{transform_indices = @transform_0, window_bounds = array<i64: 1000, 16>}, {transform_indices = @transform_1, window_bounds = array<i64: 1000, 16>}, {transform_indices = @transform_2, window_bounds = array<i64: 1000, 16>}, {transform_indices = @transform_3, window_bounds = array<i64: 1000, 16>}, {transform_indices = @transform_4, window_bounds = array<i64: 1000, 16>}, {pipeline_mode = #tpu.pipeline_mode<synchronous>, transform_indices = @transform_5, window_bounds = array<i64: 1, 16>}, {transform_indices = @transform_6, window_bounds = array<i64: 1000, 12>}]} {
    %get3A = arith.constant 0 : index
    %get3A_0 = arith.constant 0 : index
    %get3A_1 = vector.load %arg4[%get3A, %get3A_0] : memref<1000x16xf32, #tpu.memory_space<vmem>>, vector<1000x1xf32>
    %get3A_2 = arith.constant 0 : index
    %get3A_3 = arith.constant 0 : index
    %get3A_4 = vector.load %arg5[%get3A_2, %get3A_3] : memref<1000x16xf32, #tpu.memory_space<vmem>>, vector<1000x1xf32>
    %add3A = arith.addf %get3A_1, %get3A_4 : vector<1000x1xf32>
    %add3A_5 = arith.constant 1.000000e+00 : f32
    %add3A_6 = vector.broadcast %add3A_5 : f32 to vector<1000x1xf32>
    %add3A_7 = arith.addf %add3A, %add3A_6 : vector<1000x1xf32>
    %rsqrt3A = math.rsqrt %add3A_7 : vector<1000x1xf32>
    %get3A_8 = arith.constant 0 : index
    %get3A_9 = arith.constant 0 : index
    %get3A_10 = vector.load %arg1[%get3A_8, %get3A_9] : memref<1000x16xf32, #tpu.memory_space<vmem>>, vector<1000x16xf32>
    %get3A_11 = arith.constant 0 : index
    %get3A_12 = arith.constant 0 : index
    %get3A_13 = vector.load %arg2[%get3A_11, %get3A_12] : memref<1000x16xf32, #tpu.memory_space<vmem>>, vector<1000x16xf32>
    %add3A_14 = arith.addf %get3A_10, %get3A_13 : vector<1000x16xf32>
    %get3A_15 = arith.constant 0 : index
    %get3A_16 = arith.constant 0 : index
    %get3A_17 = vector.load %arg3[%get3A_15, %get3A_16] : memref<1000x16xf32, #tpu.memory_space<vmem>>, vector<1000x16xf32>
    %add3A_18 = arith.addf %add3A_14, %get3A_17 : vector<1000x16xf32>
    %mul3A = vector.broadcast %rsqrt3A : vector<1000x1xf32> to vector<1000x16xf32>
    %mul3A_19 = arith.mulf %mul3A, %add3A_18 : vector<1000x16xf32>
    %get3A_20 = arith.constant 0 : index
    %get3A_21 = arith.constant 0 : index
    %get3A_22 = vector.load %arg6[%get3A_20, %get3A_21] : memref<1x16xf32, #tpu.memory_space<vmem>>, vector<1x16xf32>
    %add3A_23 = vector.broadcast %get3A_22 : vector<1x16xf32> to vector<1000x16xf32>
    %add3A_24 = arith.addf %mul3A_19, %add3A_23 : vector<1000x16xf32>
    %iota3A = tpu.iota {dimensions = array<i32: 1>} : vector<1000x16xi32>
    %lt3A = arith.constant 12 : i32
    %lt3A_25 = vector.broadcast %lt3A : i32 to vector<1000x16xi32>
    %lt3A_26 = arith.cmpi slt, %iota3A, %lt3A_25 : vector<1000x16xi32>
    %jit3A = arith.constant 0xFF800000 : f32
    %broadcast_in_dim3A = vector.broadcast %jit3A : f32 to vector<1000x16xf32>
    %select_n3A = arith.select %lt3A_26, %add3A_24, %broadcast_in_dim3A : vector<1000x16xi1>, vector<1000x16xf32>
    %reduce_max3A = arith.constant dense<0xFF800000> : vector<1000xf32>
    %reduce_max3A_27 = vector.multi_reduction <maximumf>, %select_n3A, %reduce_max3A [1] : vector<1000x16xf32> to vector<1000xf32>
    %broadcast_in_dim3A_28 = vector.shape_cast %reduce_max3A_27 : vector<1000xf32> to vector<1000x1xf32>
    %sub3A = vector.broadcast %broadcast_in_dim3A_28 : vector<1000x1xf32> to vector<1000x16xf32>
    %sub3A_29 = arith.subf %select_n3A, %sub3A : vector<1000x16xf32>
    %exp3A = math.exp %sub3A_29 : vector<1000x16xf32>
    %jit3A_30 = arith.constant 0.000000e+00 : f32
    %broadcast_in_dim3A_31 = vector.broadcast %jit3A_30 : f32 to vector<1000x16xf32>
    %select_n3A_32 = arith.select %lt3A_26, %exp3A, %broadcast_in_dim3A_31 : vector<1000x16xi1>, vector<1000x16xf32>
    %reduce_sum3A = arith.constant dense<0.000000e+00> : vector<1000xf32>
    %reduce_sum3A_33 = vector.multi_reduction <add>, %select_n3A_32, %reduce_sum3A [1] : vector<1000x16xf32> to vector<1000xf32>
    %broadcast_in_dim3A_34 = vector.shape_cast %reduce_sum3A_33 : vector<1000xf32> to vector<1000x1xf32>
    %log3A = math.log %broadcast_in_dim3A_34 : vector<1000x1xf32>
    %sub3A_35 = vector.broadcast %broadcast_in_dim3A_28 : vector<1000x1xf32> to vector<1000x16xf32>
    %sub3A_36 = arith.subf %select_n3A, %sub3A_35 : vector<1000x16xf32>
    %sub3A_37 = vector.broadcast %log3A : vector<1000x1xf32> to vector<1000x16xf32>
    %sub3A_38 = arith.subf %sub3A_36, %sub3A_37 : vector<1000x16xf32>
    %slice3A = vector.extract_strided_slice %sub3A_38 {offsets = [0, 0], sizes = [1000, 12], strides = [1, 1]} : vector<1000x16xf32> to vector<1000x12xf32>
    %swap3A = arith.constant 0 : index
    %swap3A_39 = arith.constant 0 : index
    %swap3A_40 = vector.load %arg7[%swap3A, %swap3A_39] : memref<1000x12xf32, #tpu.memory_space<vmem>>, vector<1000x12xf32>
    tpu.vector_store %arg7[%swap3A, %swap3A_39], %slice3A {strides = array<i32>} : memref<1000x12xf32, #tpu.memory_space<vmem>>, vector<1000x12xf32>,
    return
  }
  func.func @transform_0(%arg0: i32) -> (i32, i32) {
    %c0_i32 = arith.constant 0 : i32
    %c0_i32_0 = arith.constant 0 : i32
    return %arg0, %c0_i32 : i32, i32
  }
  func.func @transform_1(%arg0: i32) -> (i32, i32) {
    %c0_i32 = arith.constant 0 : i32
    %c0_i32_0 = arith.constant 0 : i32
    return %arg0, %c0_i32 : i32, i32
  }
  func.func @transform_2(%arg0: i32) -> (i32, i32) {
    %c0_i32 = arith.constant 0 : i32
    %c0_i32_0 = arith.constant 0 : i32
    return %arg0, %c0_i32 : i32, i32
  }
  func.func @transform_3(%arg0: i32) -> (i32, i32) {
    %c0_i32 = arith.constant 0 : i32
    %c0_i32_0 = arith.constant 0 : i32
    return %arg0, %c0_i32 : i32, i32
  }
  func.func @transform_4(%arg0: i32) -> (i32, i32) {
    %c0_i32 = arith.constant 0 : i32
    %c0_i32_0 = arith.constant 0 : i32
    return %arg0, %c0_i32 : i32, i32
  }
  func.func @transform_5(%arg0: i32) -> (i32, i32) {
    %c0_i32 = arith.constant 0 : i32
    %c0_i32_0 = arith.constant 0 : i32
    %c0_i32_1 = arith.constant 0 : i32
    return %c0_i32, %c0_i32_0 : i32, i32
  }
  func.func @transform_6(%arg0: i32) -> (i32, i32) {
    %c0_i32 = arith.constant 0 : i32
    %c0_i32_0 = arith.constant 0 : i32
    return %arg0, %c0_i32 : i32, i32
  }
}

</mosaic_0001>

<sc_bundles>
// kernel: kernel.11.cloned.1.call-start
scs
__scs_entry_jumppad:
0x0: {  	(pc) =	sbr.rel $0x88, $3  }
0x1: {  	(tag) =	ssettag $0x0;
	lr =	simm.s32 $0x1  }
0x2: {  	[smem:$0x3F9B] =	sst lr;
	_ =	strace $0xD0000000  }
0x3: {  	_ = 	snop  }
0x4: {  	_ = 	snop  }
0x5: {  	_ = 	snop  }
0x6: {  	_ = 	snop  }
0x7: {  	_ = 	snop  }
__scs_overlays_trampoline_lowered:
0x8: {  	[smem:$0x3FAA] =	sst s0  }
0x9: {  	[smem:$0x3FAB] =	sst s1  }
0xa: {  	[smem:$0x3FAC] =	sst s2  }
0xb: {  	[smem:$0x3FAD] =	sst s3  }
0xc: {  	[smem:$0x3FAE] =	sst s4  }
0xd: {  	[smem:$0x3FAF] =	sst s5  }
0xe: {  	[smem:$0x3FB0] =	sst s6  }
0xf: {  	[smem:$0x3FB1] =	sst s7  }
0x10: {  	[smem:$0x3FB2] =	sst s8  }
0x11: {  	[smem:$0x3FB3] =	sst s9;
	s0 =	simm.s32 @!p0 $0x0  }
0x12: {  	s1 =	sld [smem:$0x3F99];
	s0 =	simm.s32 @p0 $0x1  }
0x13: {  	[smem:$0x3FB4] =	sst s0;
	s0 =	simm.s32 @!p1 $0x0  }
0x14: {  	s2 =	sld [smem:$0x3F98];
	s0 =	simm.s32 @p1 $0x1  }
0x15: {  	[smem:$0x3FB5] =	sst s0;
	s0 =	simm.s32 @!p2 $0x0  }
0x16: {  	s3 =	sld [smem:$0x3FDB];
	s0 =	simm.s32 @p2 $0x1  }
0x17: {  	s4 =	simm.s32 $0x1BF5;
	[smem:$0x3FB7] =	sst s0  }
0x18: {  	s0 =	sld [smem:$0x3F9A];
	_ =	swait.ge [sflag:s4], $0x0  }
0x19: {  	s7 =	sld [smem:$0x3F9B]  }
0x1a: {  	s8 =	sadd.s32 $0xFFFFE003, lr  }
0x1b: {  	s9 =	sadd.s32 $0xFFFFFEF7, lr;
	s5 =	simm.s32 $0xFFFFFFFF;
	p2 =	slt.u32 s8, $0xFFFFF086  }
0x1c: {  	p1 =	slt.u32 s9, $0xF7A;
	s5 =	simm.s32 @!p2 $0x0  }
0x1d: {  	s5 =	simm.s32 @p1 $0x1;
	p0 =	seq.s32 s7, s2  }
0x1e: {  	s7 =	smul.u32 @!p0 $0xF7A, s2;
	p2 =	seq.s32 @!p0 s5, $0x0  }
0x1f: {  	s9 =	smul.u32 $0xF7A, s1;
	s8 =	simm.s32 @!p0 $0x1BF5;
	p2 =	por !p2, p0  }
0x20: {  	[sflag:s8] =	ssyncset.s32 @!p0 $0xFFFFF086;
	s6 =	sadd.s32 @!p0 s3, s7;
	s7 =	simm.s32 @!p0 $0x108  }
0x21: {  	s3 =	sadd.s32 s3, s9;
	s6 =	sadd.s32 @!p0 $0x88, s6;
	s7 =	simm.s32 @p2 $0x1082  }
0x22: {  	[simem:s7], [sflag:s8] =	dma.local @!p0 [hbm:s6], $0xF7A  }
0x23: {  	s9 =	sor.u32 $0xD0000000, s2;
	s6 =	simm.s32 $0x108;
	_ =	swait.ge @!p0 [sflag:s8], $0x0  }
0x24: {  	s3 =	sadd.s32 $0x88, s3;
	s6 =	simm.s32 @!p1 $0x1082;
	[sflag:s4] =	ssyncset.s32 $0xFFFFF086  }
0x25: {  	[simem:s6], [sflag:s4] =	dma.local [hbm:s3], $0xF7A  }
0x26: {  	[smem:$0x3F9B] =	sst s1;
	(tag) =	ssettag s2;
	_ =	strace s9  }
0x27: {  	s1 =	sld [smem:$0x3FAB]  }
0x28: {  	s2 =	sld [smem:$0x3FAC]  }
0x29: {  	s4 =	sld [smem:$0x3FAE]  }
0x2a: {  	p0 =	seq.s32 s5, $0x0;
	s5 =	sld [smem:$0x3FAF]  }
0x2b: {  	s6 =	sld [smem:$0x3FB0]  }
0x2c: {  	s7 =	sld [smem:$0x3FB1]  }
0x2d: {  	s3 =	simm.s32 $0x108;
	s8 =	sld [smem:$0x3FB2]  }
0x2e: {  	s3 =	simm.s32 @!p0 $0x1082;
	s9 =	sld [smem:$0x3FB3]  }
0x2f: {  	lr =	sadd.s32 s0, s3;
	s0 =	sld [smem:$0x3FAA]  }
0x30: {  	s3 =	sld [smem:$0x3FAD]  }
0x31: {  	[smem:$0x3FB6] =	sst s10  }
0x32: {  	s10 =	sld [smem:$0x3FB4];
	_ =	sdelay $0x3  }
0x33: {  	p0 =	seq.s32 s10, $0x1;
	s10 =	sld [smem:$0x3FB6];
	_ =	sdelay $0x3  }
0x34: {  	[smem:$0x3FB6] =	sst s10  }
0x35: {  	s10 =	sld [smem:$0x3FB5];
	_ =	sdelay $0x3  }
0x36: {  	p1 =	seq.s32 s10, $0x1;
	s10 =	sld [smem:$0x3FB6];
	_ =	sdelay $0x3  }
0x37: {  	[smem:$0x3FB6] =	sst s10  }
0x38: {  	s10 =	sld [smem:$0x3FB7]  }
0x39: {  	_ = 	snop;
	(pc) =	sbr.ind lr, $3  }
0x3a: {  	_ = 	snop  }
0x3b: {  	_ = 	snop  }
0x3c: {  	p2 =	seq.s32 s10, $0x1;
	s10 =	sld [smem:$0x3FB6]  }
0x3d: {  	_ =	shalt  }
0x3e: {  	_ =	shalt  }
0x3f: {  	_ =	shalt  }
0x40: {  	_ =	shalt  }
0x41: {  	_ =	shalt  }
0x42: {  	_ =	shalt  }
0x43: {  	_ =	shalt  }
0x44: {  	_ =	shalt  }
0x45: {  	_ =	shalt  }
0x46: {  	_ =	shalt  }
0x47: {  	_ =	shalt  }
0x48: {  	_ =	shalt  }
0x49: {  	_ =	shalt  }
0x4a: {  	_ =	shalt  }
0x4b: {  	_ =	shalt  }
0x4c: {  	_ =	shalt  }
0x4d: {  	_ =	shalt  }
0x4e: {  	_ =	shalt  }
0x4f: {  	_ =	shalt  }
0x50: {  	_ =	shalt  }
0x51: {  	_ =	shalt  }
0x52: {  	_ =	shalt  }
0x53: {  	_ =	shalt  }
0x54: {  	_ =	shalt  }
0x55: {  	_ =	shalt  }
0x56: {  	_ =	shalt  }
0x57: {  	_ =	shalt  }
0x58: {  	_ =	shalt  }
0x59: {  	_ =	shalt  }
0x5a: {  	_ =	shalt  }
0x5b: {  	_ =	shalt  }
0x5c: {  	_ =	shalt  }
0x5d: {  	_ =	shalt  }
0x5e: {  	_ =	shalt  }
0x5f: {  	_ =	shalt  }
0x60: {  	_ =	shalt  }
0x61: {  	_ =	shalt  }
0x62: {  	_ =	shalt  }
0x63: {  	_ =	shalt  }
0x64: {  	_ =	shalt  }
0x65: {  	_ =	shalt  }
0x66: {  	_ =	shalt  }
0x67: {  	_ =	shalt  }
0x68: {  	_ =	shalt  }
0x69: {  	_ =	shalt  }
0x6a: {  	_ =	shalt  }
0x6b: {  	_ =	shalt  }
0x6c: {  	_ =	shalt  }
0x6d: {  	_ =	shalt  }
0x6e: {  	_ =	shalt  }
0x6f: {  	_ =	shalt  }
0x70: {  	_ =	shalt  }
0x71: {  	_ =	shalt  }
0x72: {  	_ =	shalt  }
0x73: {  	_ =	shalt  }
0x74: {  	_ =	shalt  }
0x75: {  	_ =	shalt  }
0x76: {  	_ =	shalt  }
0x77: {  	_ =	shalt  }
0x78: {  	_ =	shalt  }
0x79: {  	_ =	shalt  }
0x7a: {  	_ =	shalt  }
0x7b: {  	_ =	shalt  }
0x7c: {  	_ =	shalt  }
0x7d: {  	_ =	shalt  }
0x7e: {  	_ =	shalt  }
0x7f: {  	_ =	shalt  }
0x80: {  	_ =	shalt  }
0x81: {  	_ =	shalt  }
0x82: {  	_ =	shalt  }
0x83: {  	_ =	shalt  }
0x84: {  	_ =	shalt  }
0x85: {  	_ =	shalt  }
0x86: {  	_ =	shalt  }
0x87: {  	_ =	shalt  }
.Lfunc_end0:
.L_simem_size_0:
called_computation.1_lowered:
.L_overlay_start_0:
0x88: {  	s2 =	sld [smem:$0x3FD9]  }
0x89: {  	s3 =	sld [smem:$0x3FFE];
	_ =	sdelay $0x1  }
0x8a: {  	s1 =	srdreg.scid  }
0x8b: {  	s0 =	sand.u32 $0x1, s1  }
0x8c: {  	s17 =	sshll.u32 s0, $0xA;
	s2 =	sadd.s32 s3, s2  }
0x8d: {  	s2 =	sadd.s32 s2, s17  }
0x8e: {  	[smem:$0x3FC2] =	sst s2  }
0x8f: {  	_ = 	snop  }
0x90: {  	s2 =	sld [smem:$0x3FD0];
	(tm) =	ssettm $0x1  }
0x91: {  	s18 =	sld [smem:$0x3FFB];
	_ =	sdelay $0x3  }
0x92: {  	_ =	strace s18  }
0x93: {  	s3 =	sld [smem:$0x3FFC];
	_ =	sdelay $0x3  }
0x94: {  	_ =	strace s3  }
0x95: {  	s3 =	sld [smem:$0x3FFD];
	_ =	sdelay $0x3  }
0x96: {  	_ =	strace s3  }
0x97: {  	_ =	strace $0x8FFFFFFF  }
0x98: {  	s19 =	sld [smem:$0x3FDB];
	_ =	sdelay $0x1  }
0x99: {  	s4 =	simm.s32 $_scs_section_size  }
0x9a: {  	s5 =	simm.s32 $_size__tile_overlayer_lowered;
	s6 =	simm.s32 $_tile_overlayer_lowered  }
0x9b: {  	s22 =	simm.s32 $0x1BFF;
	s21 =	sshll.u32 s6, $0x1;
	s3 =	sadd.s32 s4, s19  }
0x9c: {  	s7 =	simm.s32 $0x0;
	s20 =	sshll.u32 s5, $0x1;
	s5 =	sadd.s32 s21, s3  }
0x9d: {  	[timem:s7], [sflag:s22] =	dma.local [hbm:s5], s20  }
0x9e: {  	_ =	swait.ge [sflag:s22], s20  }
0x9f: {  	s4 =	ssub.s32 $0x0, s20;
	[sflag:s22] =	ssyncset.done $0x0  }
0xa0: {  	[sflag:s22] =	ssyncadd.s32 s4;
	_ =	sdelay $0x1  }
0xa1: {  	s23 =	simm.s32 $0x1B8B  }
0xa2: {  	_ =	swait.ge [sflag:s23], $0x1  }
0xa3: {  	[sflag:s23] =	ssyncset.done $0x0  }
0xa4: {  	s25 =	simm.s32 $0x1B8E;
	s24 =	sld [smem:$0x3FFE];
	[sflag:s23] =	ssyncadd.s32 $0xFFFFFFFF  }
0xa5: {  	s26 =	simm.s32 $execute0_lowered;
	[smem:$0x3FD2] =	sst s25  }
0xa6: {  	s5 =	sshll.u32 s26, $0x1;
	_ =	strace $0x80000049;
	[dreg:$0x1] =	wrdreg $0xFFFFFFFF  }
0xa7: {  	s28 =	simm.s32 $_size_execute0_lowered;
	s3 =	sadd.s32 s3, s5;
	[dreg:$0x0] =	wrdreg $0x0  }
0xa8: {  	s5 =	sshll.u32 s28, $0x1;
	[dreg:$0x2] =	wrdreg s3  }
0xa9: {  	[dreg:$0x3] =	wrdreg s5  }
0xaa: {  	[dreg:$0x4] =	wrdreg $0xC0  }
0xab: {  	_ =	task [dreg:s7], $0x5FFFF  }
0xac: {  	[dreg:$0x1] =	wrdreg $0xFFFFFFFF  }
0xad: {  	[dreg:$0x0] =	wrdreg $0x60  }
0xae: {  	[dreg:$0x2] =	wrdreg s24  }
0xaf: {  	[dreg:$0x3] =	wrdreg s2  }
0xb0: {  	[dreg:$0x4] =	wrdreg $0x90000  }
0xb1: {  	[dreg:$0x5] =	wrdreg $0x9  }
0xb2: {  	_ =	task.clear_ibuf [dreg:s7], $0x6FFFF;
	_ =	strace $0x90000049  }
0xb3: {  	s29 =	simm.s32 $0x9;
	_ =	strace $0x8000004B  }
0xb4: {  	_ =	swait.ge [sflag:s29], $0x1  }
0xb5: {  	[sflag:s29] =	ssyncadd.s32 $0xFFFFFFFF  }
0xb6: {  	_ =	strace $0x9000004B  }
0xb7: {  	_ =	sfence  }
0xb8: {  	s30 =	sld [smem:$0x0];
	_ =	sdelay $0x2  }
0xb9: {  	s31 =	sshll.u32 s1, $0xD;
	s1 =	sshrl.u32 s1, $0x2  }
0xba: {  	s3 =	sand.u32 $0x4000, s31;
	s1 =	sadd.s32 s1, s30  }
0xbb: {  	s0 =	sor.u32 s3, s0;
	s1 =	sshll.u32 s1, $0x11  }
0xbc: {  	s0 =	sor.u32 s1, s0  }
0xbd: {  	s0 =	sadd.s32 $0x8F2B, s0  }
0xbe: {  	[sflag:s0] =	ssyncadd.remote.s32 $0x1  }
0xbf: {  	_ =	sfence.sel $0xFFFF  }
0xc0: {  	[dreg:$0x0] =	wrdreg $0xFFFFFFFF;
	(pc) =	sbr.abs _section_cstart, $3  }
0xc1: {  	[dreg:$0x1] =	wrdreg $0xFFFFFFFF  }
0xc2: {  	_ =	task.clear_ibuf [dreg:s7], $0x2FFFF;
	_ =	strace $0x9FFFFFFF  }
0xc3: {  	(tm) =	ssettm $0x7FFFFFFF  }
tec
execute0_lowered:
.L_overlay_start_1:
0x0: {  	(tag) =	ssettag $0x1  }
0x1: {  	s7 =	rddreg [dreg:$0x0]  }
0x2: {  	s1 =	rddreg [dreg:$0x1]  }
0x3: {  	s2 =	rddreg [dreg:$0x2]  }
0x4: {  	s0 =	rddreg [dreg:$0x3]  }
0x5: {  	s4 =	simm.s32 $0x0;
	s3 =	srdreg.scid;
	s18 =	simm.s32 $0x1  }
0x6: {  	s19 =	simm.s32 $0x2;
	s20 =	simm.s32 $0x4F00;
	s11 =	sand.u32 $0x1, s3  }
0x7: {  	s21 =	simm.s32 $0x4F80;
	s3 =	stileid.u32;
	s8 =	smul.u32 $0x9E000, s11  }
0x8: {  	s23 =	simm.s32 $0x0;
	[smem:$0x7FF] =	sst s4;
	s10 =	smul.u32 $0x9E00, s3  }
0x9: {  	s5 =	sadd.s32 $0xBCC00, s7;
	s6 =	sadd.s32 $0xA9200, s7;
	s9 =	smul.u32 $0x500, s3  }
0xa: {  	_ =	strace $0x8000004A;
	s12 =	ssub.s32 $0x2, s11;
	s13 =	smul.u32 $0x27800, s3  }
0xb: {  	p0 =	sne.s32 s11, $0x0;
	s11 =	simm.s32 $0x3;
	s16 =	sshll.u32 s3, $0x6  }
0xc: {  	s14 =	sshrl.u32 s12, $0x1;
	s16 =	sor.u32 $0x1C03, s16;
	s8 =	sadd.s32 s10, s8  }
0xd: {  	s9 =	sadd.s32 s9, s7;
	s12 =	ssub.s32 s12, s14;
	s13 =	sshrl.u32 s13, $0x2  }
.Ltmp0:
0xe: {  	s22 =	sadd.s32 s10, s2;
	s14 =	simm.s32 $0x5000;
	(pc) =	sbr.rel .LBB2_1-.Ltmp0, $4  }
0xf: {  	s8 =	sshrl.u32 s8, $0x3;
	s17 =	sadd.s32 s13, s2;
	s10 =	smax.u32 s12, $0x1  }
0x10: {  	s12 =	simm.s32 $0x2800;
	s13 =	simm.s32 $0x80;
	s22 =	sshrl.u32 s22, $0x3  }
0x11: {  	s15 =	sadd.s32 s8, s7;
	s7 =	sadd.s32 $0x7400, s9;
	s8 =	sadd.s32 $0x2400, s9  }
0x12: {  	s17 =	sshrl.u32 s17, $0x3;
	s9 =	sadd.s32 $0xD0600, s15;
	s15 =	simm.s32 $0x7000  }
.LBB2_7:
0x13: {  	[tilespmem:s15], [sflag:$0x2] =	stream.indirect.gather [hbm4b:s6+s13], $0x40, s25, s13, $0xb8;
	[tilespmem:$0x12E00] =	vst v63  }
.LBB2_8:
0x14: {  	_ =	swait.ge [sflag:s18], $0x2000  }
0x15: {  	[sflag:s18] =	ssyncset.done $0x0  }
0x16: {  	[sflag:s18] =	ssyncadd.s32 $0xFFFFE000  }
0x17: {  	[spmem:s2] =	stream.indirect.scatter.add.f32 [tilespmem:s14], [sflag:$0x3], $0x40, s20, s13, $0xb8;
	[tilespmem:$0x12E00] =	vst v63  }
0x18: {  	_ =	swait.ge [sflag:s11], $0x2000  }
0x19: {  	[sflag:s11] =	ssyncset.done $0x0  }
0x1a: {  	[sflag:s11] =	ssyncadd.s32 $0xFFFFE000  }
0x1b: {  	_ =	swait.ge [sflag:s19], $0x2000  }
0x1c: {  	[sflag:s19] =	ssyncset.done $0x0  }
0x1d: {  	[sflag:s19] =	ssyncadd.s32 $0xFFFFE000  }
0x1e: {  	[spmem:s2] =	stream.indirect.scatter.add.f32 [tilespmem:s15], [sflag:$0x3], $0x40, s21, s13, $0xb8;
	[tilespmem:$0x12E00] =	vst v63  }
0x1f: {  	_ =	swait.ge [sflag:s11], $0x2000  }
0x20: {  	s23 =	sadd.s32 $0x1, s23;
	[sflag:s11] =	ssyncset.done $0x0  }
0x21: {  	p1 =	sne.s32 s23, s10;
	[sflag:s11] =	ssyncadd.s32 $0xFFFFE000  }
.Ltmp1:
0x22: {  	[bflag:$0x0] =	sbarrier.arrive $0xFFFF;
	(pc) =	sbr.rel @!p1 .LBB2_9-.Ltmp1, $4  }
0x23: {  	[hbm:s9], [sflag:s16] =	dma.local [spmem:s22], $0x13C0  }
0x24: {  	_ =	swait.ge [sflag:s11], $0x13C0  }
0x25: {  	[sflag:s11] =	ssyncset.done $0x0  }
0x26: {  	[sflag:s11] =	ssyncadd.s32 $0xFFFFEC40  }
.LBB2_1:
0x27: {  	[tilespmem:s4], [sflag:$0x3] =	stream.linear.gather [hbm4b:s7+s4], $0x2800, $0x38;
	[tilespmem:$0x12E00] =	vst v63  }
0x28: {  	_ =	swait.ge [sflag:s11], $0x2800  }
0x29: {  	[sflag:s11] =	ssyncset.done $0x0  }
.Ltmp2:
0x2a: {  	[sflag:s11] =	ssyncadd.s32 $0xFFFFD800;
	(pc) =	sbr.rel @p0 .LBB2_5-.Ltmp2, $4  }
0x2b: {  	[tilespmem:s12], [sflag:$0x3] =	stream.linear.gather [hbm4b:s8+s4], $0x2800, $0x38;
	[tilespmem:$0x12E00] =	vst v63  }
0x2c: {  	_ =	swait.ge [sflag:s11], $0x2800  }
0x2d: {  	[sflag:s11] =	ssyncset.done $0x0  }
0x2e: {  	s24 =	simm.s32 $0x0;
	[sflag:s11] =	ssyncadd.s32 $0xFFFFD800  }
0x2f: {  	[tilespmem:s14], [sflag:$0x1] =	stream.indirect.gather [hbm4b:s5+s13], $0x40, s24, s13, $0xb8;
	[tilespmem:$0x12E00] =	vst v63  }
0x30: {  	_ = 	snop  }
0x31: {  	[tilespmem:s15], [sflag:$0x2] =	stream.indirect.gather [hbm4b:s5+s13], $0x40, s13, s13, $0xb8;
	[tilespmem:$0x12E00] =	vst v63  }
0x32: {  	[spmem:s17], [sflag:s16] =	dma.local [hbm:s1], $0x13C0  }
0x33: {  	_ =	swait.ge [sflag:s11], $0x13C0  }
0x34: {  	[sflag:s11] =	ssyncset.done $0x0  }
0x35: {  	[sflag:s11] =	ssyncadd.s32 $0xFFFFEC40  }
0x36: {  	[bflag:$0x0] =	sbarrier.arrive $0xFFFF  }
0x37: {  	_ =	swait.ge [sflag:s18], $0x2000  }
0x38: {  	[sflag:s18] =	ssyncset.done $0x0  }
0x39: {  	s29 =	simm.s32 $0x2800;
	[sflag:s18] =	ssyncadd.s32 $0xFFFFE000  }
0x3a: {  	[spmem:s2] =	stream.indirect.scatter.add.f32 [tilespmem:s14], [sflag:$0x3], $0x40, s29, s13, $0xb8;
	[tilespmem:$0x12E00] =	vst v63  }
0x3b: {  	_ =	swait.ge [sflag:s11], $0x2000  }
0x3c: {  	[sflag:s11] =	ssyncset.done $0x0  }
0x3d: {  	s30 =	simm.s32 $0x100;
	[sflag:s11] =	ssyncadd.s32 $0xFFFFE000  }
0x3e: {  	[tilespmem:s14], [sflag:$0x1] =	stream.indirect.gather [hbm4b:s5+s13], $0x40, s30, s13, $0xb8;
	[tilespmem:$0x12E00] =	vst v63  }
0x3f: {  	_ =	swait.ge [sflag:s19], $0x2000  }
0x40: {  	[sflag:s19] =	ssyncset.done $0x0  }
0x41: {  	s31 =	simm.s32 $0x2880;
	[sflag:s19] =	ssyncadd.s32 $0xFFFFE000  }
0x42: {  	[spmem:s2] =	stream.indirect.scatter.add.f32 [tilespmem:s15], [sflag:$0x3], $0x40, s31, s13, $0xb8;
	[tilespmem:$0x12E00] =	vst v63  }
0x43: {  	_ =	swait.ge [sflag:s11], $0x2000  }
0x44: {  	[sflag:s11] =	ssyncset.done $0x0  }
0x45: {  	s24 =	simm.s32 $0x400;
	s25 =	simm.s32 $0x180;
	[sflag:s11] =	ssyncadd.s32 $0xFFFFE000  }
.LBB2_3:
0x46: {  	[tilespmem:s15], [sflag:$0x2] =	stream.indirect.gather [hbm4b:s5+s13], $0x40, s25, s13, $0xb8;
	[tilespmem:$0x12E00] =	vst v63  }
0x47: {  	s25 =	smov.u32 s24  }
0x48: {  	p1 =	seq.s32 s24, $0x9800;
	s24 =	sadd.s32 $0x400, s24;
	_ =	swait.ge [sflag:s18], $0x2000  }
0x49: {  	s25 =	sshra.s32 s25, $0x2;
	[sflag:s18] =	ssyncset.done $0x0  }
0x4a: {  	s26 =	sadd.s32 $0x2800, s25;
	[sflag:s18] =	ssyncadd.s32 $0xFFFFE000  }
0x4b: {  	[spmem:s2] =	stream.indirect.scatter.add.f32 [tilespmem:s14], [sflag:$0x3], $0x40, s26, s13, $0xb8;
	[tilespmem:$0x12E00] =	vst v63  }
0x4c: {  	_ =	swait.ge [sflag:s11], $0x2000  }
0x4d: {  	[sflag:s11] =	ssyncset.done $0x0  }
0x4e: {  	s26 =	sadd.s32 $0x100, s25;
	[sflag:s11] =	ssyncadd.s32 $0xFFFFE000  }
0x4f: {  	[tilespmem:s14], [sflag:$0x1] =	stream.indirect.gather [hbm4b:s5+s13], $0x40, s26, s13, $0xb8;
	[tilespmem:$0x12E00] =	vst v63  }
0x50: {  	_ =	swait.ge [sflag:s19], $0x2000  }
0x51: {  	[sflag:s19] =	ssyncset.done $0x0  }
.Ltmp3:
0x52: {  	s26 =	sadd.s32 $0x2880, s25;
	[sflag:s19] =	ssyncadd.s32 $0xFFFFE000;
	(pc) =	sbr.rel @!p1 .LBB2_3-.Ltmp3, $4  }
0x53: {  	[spmem:s2] =	stream.indirect.scatter.add.f32 [tilespmem:s15], [sflag:$0x3], $0x40, s26, s13, $0xb8;
	[tilespmem:$0x12E00] =	vst v63  }
0x54: {  	_ =	swait.ge [sflag:s11], $0x2000  }
0x55: {  	[sflag:s11] =	ssyncset.done $0x0  }
0x56: {  	s25 =	sadd.s32 $0x180, s25;
	[sflag:s11] =	ssyncadd.s32 $0xFFFFE000  }
.Ltmp4:
0x57: {  	(pc) =	sbr.rel .LBB2_8-.Ltmp4, $2  }
0x58: {  	_ =	sdelay $0x2  }
0x59: {  	[tilespmem:s15], [sflag:$0x2] =	stream.indirect.gather [hbm4b:s5+s13], $0x40, s25, s13, $0xb8;
	[tilespmem:$0x12E00] =	vst v63  }
.LBB2_5:
0x5a: {  	[tilespmem:s14], [sflag:$0x1] =	stream.indirect.gather [hbm4b:s6+s13], $0x40, s24, s13, $0xb8;
	[tilespmem:$0x12E00] =	vst v63  }
0x5b: {  	_ = 	snop  }
0x5c: {  	[tilespmem:s15], [sflag:$0x2] =	stream.indirect.gather [hbm4b:s6+s13], $0x40, s13, s13, $0xb8;
	[tilespmem:$0x12E00] =	vst v63  }
0x5d: {  	[spmem:s17], [sflag:s16] =	dma.local [hbm:s1], $0x13C0  }
0x5e: {  	_ =	swait.ge [sflag:s11], $0x13C0  }
0x5f: {  	[sflag:s11] =	ssyncset.done $0x0  }
0x60: {  	[sflag:s11] =	ssyncadd.s32 $0xFFFFEC40  }
0x61: {  	[bflag:$0x0] =	sbarrier.arrive $0xFFFF  }
0x62: {  	_ =	swait.ge [sflag:s18], $0x2000  }
0x63: {  	[sflag:s18] =	ssyncset.done $0x0  }
0x64: {  	s29 =	simm.s32 $0x2800;
	[sflag:s18] =	ssyncadd.s32 $0xFFFFE000  }
0x65: {  	[spmem:s2] =	stream.indirect.scatter.add.f32 [tilespmem:s14], [sflag:$0x3], $0x40, s29, s13, $0xb8;
	[tilespmem:$0x12E00] =	vst v63  }
0x66: {  	_ =	swait.ge [sflag:s11], $0x2000  }
0x67: {  	[sflag:s11] =	ssyncset.done $0x0  }
0x68: {  	s30 =	simm.s32 $0x100;
	[sflag:s11] =	ssyncadd.s32 $0xFFFFE000  }
0x69: {  	[tilespmem:s14], [sflag:$0x1] =	stream.indirect.gather [hbm4b:s6+s13], $0x40, s30, s13, $0xb8;
	[tilespmem:$0x12E00] =	vst v63  }
0x6a: {  	_ =	swait.ge [sflag:s19], $0x2000  }
0x6b: {  	[sflag:s19] =	ssyncset.done $0x0  }
0x6c: {  	s31 =	simm.s32 $0x2880;
	[sflag:s19] =	ssyncadd.s32 $0xFFFFE000  }
0x6d: {  	[spmem:s2] =	stream.indirect.scatter.add.f32 [tilespmem:s15], [sflag:$0x3], $0x40, s31, s13, $0xb8;
	[tilespmem:$0x12E00] =	vst v63  }
0x6e: {  	_ =	swait.ge [sflag:s11], $0x2000  }
0x6f: {  	[sflag:s11] =	ssyncset.done $0x0  }
0x70: {  	s24 =	simm.s32 $0x400;
	s25 =	simm.s32 $0x180;
	[sflag:s11] =	ssyncadd.s32 $0xFFFFE000  }
.LBB2_6:
0x71: {  	[tilespmem:s15], [sflag:$0x2] =	stream.indirect.gather [hbm4b:s6+s13], $0x40, s25, s13, $0xb8;
	[tilespmem:$0x12E00] =	vst v63  }
0x72: {  	s25 =	smov.u32 s24  }
0x73: {  	p1 =	sne.s32 s24, $0x9800;
	s24 =	sadd.s32 $0x400, s24;
	_ =	swait.ge [sflag:s18], $0x2000  }
0x74: {  	s25 =	sshra.s32 s25, $0x2;
	[sflag:s18] =	ssyncset.done $0x0  }
0x75: {  	s26 =	sadd.s32 $0x2800, s25;
	[sflag:s18] =	ssyncadd.s32 $0xFFFFE000  }
0x76: {  	[spmem:s2] =	stream.indirect.scatter.add.f32 [tilespmem:s14], [sflag:$0x3], $0x40, s26, s13, $0xb8;
	[tilespmem:$0x12E00] =	vst v63  }
0x77: {  	_ =	swait.ge [sflag:s11], $0x2000  }
0x78: {  	[sflag:s11] =	ssyncset.done $0x0  }
0x79: {  	s26 =	sadd.s32 $0x100, s25;
	[sflag:s11] =	ssyncadd.s32 $0xFFFFE000  }
0x7a: {  	[tilespmem:s14], [sflag:$0x1] =	stream.indirect.gather [hbm4b:s6+s13], $0x40, s26, s13, $0xb8;
	[tilespmem:$0x12E00] =	vst v63  }
0x7b: {  	_ =	swait.ge [sflag:s19], $0x2000  }
0x7c: {  	[sflag:s19] =	ssyncset.done $0x0  }
.Ltmp5:
0x7d: {  	s26 =	sadd.s32 $0x2880, s25;
	[sflag:s19] =	ssyncadd.s32 $0xFFFFE000;
	(pc) =	sbr.rel @p1 .LBB2_6-.Ltmp5, $4  }
0x7e: {  	[spmem:s2] =	stream.indirect.scatter.add.f32 [tilespmem:s15], [sflag:$0x3], $0x40, s26, s13, $0xb8;
	[tilespmem:$0x12E00] =	vst v63  }
0x7f: {  	_ =	swait.ge [sflag:s11], $0x2000  }
0x80: {  	[sflag:s11] =	ssyncset.done $0x0  }
0x81: {  	s25 =	sadd.s32 $0x180, s25;
	[sflag:s11] =	ssyncadd.s32 $0xFFFFE000  }
.Ltmp6:
0x82: {  	_ = 	snop;
	(pc) =	sbr.rel .LBB2_7-.Ltmp6, $1  }
0x83: {  	_ =	sdelay $0x3  }
.LBB2_9:
0x84: {  	_ =	sfence.sel $0x180000  }
0x85: {  	[bflag:$0x0] =	sbarrier.arrive $0xFFFF  }
0x86: {  	p0 =	sne.s32 s3, $0x0;
	_ =	strace $0x9000004A  }
0x87: {  	s0 =	sadd.s32 @!p0 $0x100000, s0;
	[bflag:$0x2] =	sbarrier.arrive $0xFFFF  }
0x88: {  	[sflag:s0] =	ssyncadd.tile.s32 @!p0 $0x1;
	_ =	shalt  }
.Lfunc_end2:
_tile_overlayer_lowered:
.L_overlay_start_2:
0x89: {  	(tag) =	ssettag $0x2  }
0x8a: {  	s0 =	rddreg [dreg:$0x0];
	s2 =	stileid.u32  }
0x8b: {  	s1 =	rddreg [dreg:$0x1];
	p0 =	sne.s32 s2, $0x0  }
0x8c: {  	s3 =	rddreg [dreg:$0x2];
	[bflag:$0x3] =	sbarrier.arrive $0xFFFF;
	s2 =	simm.s32 @!p0 $0x1C03  }
0x8d: {  	[timem:s3], [sflag:s2] =	dma.local @!p0 [hbm:s0], s1  }
0x8e: {  	s0 =	simm.s32 @!p0 $0x3  }
0x8f: {  	_ =	swait.ge @!p0 [sflag:s0], s1  }
0x90: {  	s1 =	ssub.s32 @!p0 $0x0, s1;
	[sflag:s0] =	ssyncset.done @!p0 $0x0  }
0x91: {  	[sflag:s0] =	ssyncadd.s32 @!p0 s1  }
0x92: {  	[bflag:$0x3] =	sbarrier.arrive $0xFFFF  }
0x93: {  	_ =	shalt  }

// kernel: kernel.14.cloned.1.call-start
scs
__scs_entry_jumppad:
0x0: {  	(pc) =	sbr.rel $0x88, $3  }
0x1: {  	(tag) =	ssettag $0x0;
	lr =	simm.s32 $0x1  }
0x2: {  	[smem:$0x3F9B] =	sst lr;
	_ =	strace $0xD0000000  }
0x3: {  	_ = 	snop  }
0x4: {  	_ = 	snop  }
0x5: {  	_ = 	snop  }
0x6: {  	_ = 	snop  }
0x7: {  	_ = 	snop  }
__scs_overlays_trampoline_lowered:
0x8: {  	[smem:$0x3FAA] =	sst s0  }
0x9: {  	[smem:$0x3FAB] =	sst s1  }
0xa: {  	[smem:$0x3FAC] =	sst s2  }
0xb: {  	[smem:$0x3FAD] =	sst s3  }
0xc: {  	[smem:$0x3FAE] =	sst s4  }
0xd: {  	[smem:$0x3FAF] =	sst s5  }
0xe: {  	[smem:$0x3FB0] =	sst s6  }
0xf: {  	[smem:$0x3FB1] =	sst s7  }
0x10: {  	[smem:$0x3FB2] =	sst s8  }
0x11: {  	[smem:$0x3FB3] =	sst s9;
	s0 =	simm.s32 @!p0 $0x0  }
0x12: {  	s1 =	sld [smem:$0x3F99];
	s0 =	simm.s32 @p0 $0x1  }
0x13: {  	[smem:$0x3FB4] =	sst s0;
	s0 =	simm.s32 @!p1 $0x0  }
0x14: {  	s2 =	sld [smem:$0x3F98];
	s0 =	simm.s32 @p1 $0x1  }
0x15: {  	[smem:$0x3FB5] =	sst s0;
	s0 =	simm.s32 @!p2 $0x0  }
0x16: {  	s3 =	sld [smem:$0x3FDB];
	s0 =	simm.s32 @p2 $0x1  }
0x17: {  	s4 =	simm.s32 $0x1BF5;
	[smem:$0x3FB7] =	sst s0  }
0x18: {  	s0 =	sld [smem:$0x3F9A];
	_ =	swait.ge [sflag:s4], $0x0  }
0x19: {  	s7 =	sld [smem:$0x3F9B]  }
0x1a: {  	s8 =	sadd.s32 $0xFFFFE003, lr  }
0x1b: {  	s9 =	sadd.s32 $0xFFFFFEF7, lr;
	s5 =	simm.s32 $0xFFFFFFFF;
	p2 =	slt.u32 s8, $0xFFFFF086  }
0x1c: {  	p1 =	slt.u32 s9, $0xF7A;
	s5 =	simm.s32 @!p2 $0x0  }
0x1d: {  	s5 =	simm.s32 @p1 $0x1;
	p0 =	seq.s32 s7, s2  }
0x1e: {  	s7 =	smul.u32 @!p0 $0xF7A, s2;
	p2 =	seq.s32 @!p0 s5, $0x0  }
0x1f: {  	s9 =	smul.u32 $0xF7A, s1;
	s8 =	simm.s32 @!p0 $0x1BF5;
	p2 =	por !p2, p0  }
0x20: {  	[sflag:s8] =	ssyncset.s32 @!p0 $0xFFFFF086;
	s6 =	sadd.s32 @!p0 s3, s7;
	s7 =	simm.s32 @!p0 $0x108  }
0x21: {  	s3 =	sadd.s32 s3, s9;
	s6 =	sadd.s32 @!p0 $0x88, s6;
	s7 =	simm.s32 @p2 $0x1082  }
0x22: {  	[simem:s7], [sflag:s8] =	dma.local @!p0 [hbm:s6], $0xF7A  }
0x23: {  	s9 =	sor.u32 $0xD0000000, s2;
	s6 =	simm.s32 $0x108;
	_ =	swait.ge @!p0 [sflag:s8], $0x0  }
0x24: {  	s3 =	sadd.s32 $0x88, s3;
	s6 =	simm.s32 @!p1 $0x1082;
	[sflag:s4] =	ssyncset.s32 $0xFFFFF086  }
0x25: {  	[simem:s6], [sflag:s4] =	dma.local [hbm:s3], $0xF7A  }
0x26: {  	[smem:$0x3F9B] =	sst s1;
	(tag) =	ssettag s2;
	_ =	strace s9  }
0x27: {  	s1 =	sld [smem:$0x3FAB]  }
0x28: {  	s2 =	sld [smem:$0x3FAC]  }
0x29: {  	s4 =	sld [smem:$0x3FAE]  }
0x2a: {  	p0 =	seq.s32 s5, $0x0;
	s5 =	sld [smem:$0x3FAF]  }
0x2b: {  	s6 =	sld [smem:$0x3FB0]  }
0x2c: {  	s7 =	sld [smem:$0x3FB1]  }
0x2d: {  	s3 =	simm.s32 $0x108;
	s8 =	sld [smem:$0x3FB2]  }
0x2e: {  	s3 =	simm.s32 @!p0 $0x1082;
	s9 =	sld [smem:$0x3FB3]  }
0x2f: {  	lr =	sadd.s32 s0, s3;
	s0 =	sld [smem:$0x3FAA]  }
0x30: {  	s3 =	sld [smem:$0x3FAD]  }
0x31: {  	[smem:$0x3FB6] =	sst s10  }
0x32: {  	s10 =	sld [smem:$0x3FB4];
	_ =	sdelay $0x3  }
0x33: {  	p0 =	seq.s32 s10, $0x1;
	s10 =	sld [smem:$0x3FB6];
	_ =	sdelay $0x3  }
0x34: {  	[smem:$0x3FB6] =	sst s10  }
0x35: {  	s10 =	sld [smem:$0x3FB5];
	_ =	sdelay $0x3  }
0x36: {  	p1 =	seq.s32 s10, $0x1;
	s10 =	sld [smem:$0x3FB6];
	_ =	sdelay $0x3  }
0x37: {  	[smem:$0x3FB6] =	sst s10  }
0x38: {  	s10 =	sld [smem:$0x3FB7]  }
0x39: {  	_ = 	snop;
	(pc) =	sbr.ind lr, $3  }
0x3a: {  	_ = 	snop  }
0x3b: {  	_ = 	snop  }
0x3c: {  	p2 =	seq.s32 s10, $0x1;
	s10 =	sld [smem:$0x3FB6]  }
0x3d: {  	_ =	shalt  }
0x3e: {  	_ =	shalt  }
0x3f: {  	_ =	shalt  }
0x40: {  	_ =	shalt  }
0x41: {  	_ =	shalt  }
0x42: {  	_ =	shalt  }
0x43: {  	_ =	shalt  }
0x44: {  	_ =	shalt  }
0x45: {  	_ =	shalt  }
0x46: {  	_ =	shalt  }
0x47: {  	_ =	shalt  }
0x48: {  	_ =	shalt  }
0x49: {  	_ =	shalt  }
0x4a: {  	_ =	shalt  }
0x4b: {  	_ =	shalt  }
0x4c: {  	_ =	shalt  }
0x4d: {  	_ =	shalt  }
0x4e: {  	_ =	shalt  }
0x4f: {  	_ =	shalt  }
0x50: {  	_ =	shalt  }
0x51: {  	_ =	shalt  }
0x52: {  	_ =	shalt  }
0x53: {  	_ =	shalt  }
0x54: {  	_ =	shalt  }
0x55: {  	_ =	shalt  }
0x56: {  	_ =	shalt  }
0x57: {  	_ =	shalt  }
0x58: {  	_ =	shalt  }
0x59: {  	_ =	shalt  }
0x5a: {  	_ =	shalt  }
0x5b: {  	_ =	shalt  }
0x5c: {  	_ =	shalt  }
0x5d: {  	_ =	shalt  }
0x5e: {  	_ =	shalt  }
0x5f: {  	_ =	shalt  }
0x60: {  	_ =	shalt  }
0x61: {  	_ =	shalt  }
0x62: {  	_ =	shalt  }
0x63: {  	_ =	shalt  }
0x64: {  	_ =	shalt  }
0x65: {  	_ =	shalt  }
0x66: {  	_ =	shalt  }
0x67: {  	_ =	shalt  }
0x68: {  	_ =	shalt  }
0x69: {  	_ =	shalt  }
0x6a: {  	_ =	shalt  }
0x6b: {  	_ =	shalt  }
0x6c: {  	_ =	shalt  }
0x6d: {  	_ =	shalt  }
0x6e: {  	_ =	shalt  }
0x6f: {  	_ =	shalt  }
0x70: {  	_ =	shalt  }
0x71: {  	_ =	shalt  }
0x72: {  	_ =	shalt  }
0x73: {  	_ =	shalt  }
0x74: {  	_ =	shalt  }
0x75: {  	_ =	shalt  }
0x76: {  	_ =	shalt  }
0x77: {  	_ =	shalt  }
0x78: {  	_ =	shalt  }
0x79: {  	_ =	shalt  }
0x7a: {  	_ =	shalt  }
0x7b: {  	_ =	shalt  }
0x7c: {  	_ =	shalt  }
0x7d: {  	_ =	shalt  }
0x7e: {  	_ =	shalt  }
0x7f: {  	_ =	shalt  }
0x80: {  	_ =	shalt  }
0x81: {  	_ =	shalt  }
0x82: {  	_ =	shalt  }
0x83: {  	_ =	shalt  }
0x84: {  	_ =	shalt  }
0x85: {  	_ =	shalt  }
0x86: {  	_ =	shalt  }
0x87: {  	_ =	shalt  }
.Lfunc_end0:
.L_simem_size_0:
called_computation.2_lowered:
.L_overlay_start_0:
0x88: {  	s2 =	sld [smem:$0x3FD9]  }
0x89: {  	s3 =	sld [smem:$0x3FFE];
	_ =	sdelay $0x1  }
0x8a: {  	s1 =	srdreg.scid  }
0x8b: {  	s0 =	sand.u32 $0x1, s1  }
0x8c: {  	s17 =	sshll.u32 s0, $0xA;
	s2 =	sadd.s32 s3, s2  }
0x8d: {  	s2 =	sadd.s32 s2, s17  }
0x8e: {  	[smem:$0x3FC2] =	sst s2  }
0x8f: {  	_ = 	snop  }
0x90: {  	s2 =	sld [smem:$0x3FD0];
	(tm) =	ssettm $0x1  }
0x91: {  	s18 =	sld [smem:$0x3FFB];
	_ =	sdelay $0x3  }
0x92: {  	_ =	strace s18  }
0x93: {  	s3 =	sld [smem:$0x3FFC];
	_ =	sdelay $0x3  }
0x94: {  	_ =	strace s3  }
0x95: {  	s3 =	sld [smem:$0x3FFD];
	_ =	sdelay $0x3  }
0x96: {  	_ =	strace s3  }
0x97: {  	_ =	strace $0x8FFFFFFF  }
0x98: {  	s19 =	sld [smem:$0x3FDB];
	_ =	sdelay $0x1  }
0x99: {  	s4 =	simm.s32 $_scs_section_size  }
0x9a: {  	s5 =	simm.s32 $_size__tile_overlayer_lowered;
	s6 =	simm.s32 $_tile_overlayer_lowered  }
0x9b: {  	s22 =	simm.s32 $0x1BFF;
	s21 =	sshll.u32 s6, $0x1;
	s3 =	sadd.s32 s4, s19  }
0x9c: {  	s7 =	simm.s32 $0x0;
	s20 =	sshll.u32 s5, $0x1;
	s5 =	sadd.s32 s21, s3  }
0x9d: {  	[timem:s7], [sflag:s22] =	dma.local [hbm:s5], s20  }
0x9e: {  	_ =	swait.ge [sflag:s22], s20  }
0x9f: {  	s4 =	ssub.s32 $0x0, s20;
	[sflag:s22] =	ssyncset.done $0x0  }
0xa0: {  	[sflag:s22] =	ssyncadd.s32 s4;
	_ =	sdelay $0x1  }
0xa1: {  	s23 =	simm.s32 $0x1B8B  }
0xa2: {  	_ =	swait.ge [sflag:s23], $0x1  }
0xa3: {  	[sflag:s23] =	ssyncset.done $0x0  }
0xa4: {  	s25 =	simm.s32 $0x1B8E;
	s24 =	sld [smem:$0x3FFE];
	[sflag:s23] =	ssyncadd.s32 $0xFFFFFFFF  }
0xa5: {  	s26 =	simm.s32 $execute0_lowered;
	[smem:$0x3FD2] =	sst s25  }
0xa6: {  	s5 =	sshll.u32 s26, $0x1;
	_ =	strace $0x8000004C;
	[dreg:$0x1] =	wrdreg $0xFFFFFFFF  }
0xa7: {  	s28 =	simm.s32 $_size_execute0_lowered;
	s3 =	sadd.s32 s3, s5;
	[dreg:$0x0] =	wrdreg $0x0  }
0xa8: {  	s5 =	sshll.u32 s28, $0x1;
	[dreg:$0x2] =	wrdreg s3  }
0xa9: {  	[dreg:$0x3] =	wrdreg s5  }
0xaa: {  	[dreg:$0x4] =	wrdreg $0xC0  }
0xab: {  	_ =	task [dreg:s7], $0x5FFFF  }
0xac: {  	[dreg:$0x1] =	wrdreg $0xFFFFFFFF  }
0xad: {  	[dreg:$0x0] =	wrdreg $0x60  }
0xae: {  	[dreg:$0x2] =	wrdreg s2  }
0xaf: {  	[dreg:$0x3] =	wrdreg s24  }
0xb0: {  	[dreg:$0x4] =	wrdreg $0x50000  }
0xb1: {  	[dreg:$0x5] =	wrdreg $0x9  }
0xb2: {  	_ =	task.clear_ibuf [dreg:s7], $0x6FFFF;
	_ =	strace $0x9000004C  }
0xb3: {  	s29 =	simm.s32 $0x9;
	_ =	strace $0x8000004E  }
0xb4: {  	_ =	swait.ge [sflag:s29], $0x1  }
0xb5: {  	[sflag:s29] =	ssyncadd.s32 $0xFFFFFFFF  }
0xb6: {  	_ =	strace $0x9000004E  }
0xb7: {  	_ =	sfence  }
0xb8: {  	s30 =	sld [smem:$0x0];
	_ =	sdelay $0x2  }
0xb9: {  	s31 =	sshll.u32 s1, $0xD;
	s1 =	sshrl.u32 s1, $0x2  }
0xba: {  	s3 =	sand.u32 $0x4000, s31;
	s1 =	sadd.s32 s1, s30  }
0xbb: {  	s0 =	sor.u32 s3, s0;
	s1 =	sshll.u32 s1, $0x11  }
0xbc: {  	s0 =	sor.u32 s1, s0  }
0xbd: {  	s0 =	sadd.s32 $0x8F2B, s0  }
0xbe: {  	[sflag:s0] =	ssyncadd.remote.s32 $0x1  }
0xbf: {  	_ =	sfence.sel $0xFFFF  }
0xc0: {  	[dreg:$0x0] =	wrdreg $0xFFFFFFFF;
	(pc) =	sbr.abs _section_cstart, $3  }
0xc1: {  	[dreg:$0x1] =	wrdreg $0xFFFFFFFF  }
0xc2: {  	_ =	task.clear_ibuf [dreg:s7], $0x2FFFF;
	_ =	strace $0x9FFFFFFF  }
0xc3: {  	(tm) =	ssettm $0x7FFFFFFF  }
tec
execute0_lowered:
.L_overlay_start_1:
0x0: {  	(tag) =	ssettag $0x1  }
0x1: {  	s1 =	rddreg [dreg:$0x0]  }
0x2: {  	s6 =	rddreg [dreg:$0x1]  }
0x3: {  	s3 =	rddreg [dreg:$0x2]  }
0x4: {  	s0 =	rddreg [dreg:$0x3]  }
0x5: {  	s5 =	srdreg.scid;
	s2 =	stileid.u32;
	s4 =	simm.s32 $0x0  }
0x6: {  	s16 =	simm.s32 $0x4800;
	s19 =	simm.s32 $0x3;
	s20 =	simm.s32 $0x1  }
0x7: {  	s21 =	simm.s32 $0x2;
	s22 =	simm.s32 $0x0;
	s14 =	sand.u32 $0x1, s5  }
0x8: {  	s11 =	smul.u32 $0x2780, s2;
	[smem:$0x7FF] =	sst s4;
	s9 =	sadd.s32 $0x7400, s6  }
0x9: {  	s10 =	sadd.s32 $0x2400, s6;
	s29 =	sshll.u32 s2, $0x8;
	s31 =	sshll.u32 s2, $0xA  }
0xa: {  	s17 =	sshll.u32 s2, $0x6;
	s5 =	smul.u32 $0x27800, s14;
	_ =	strace $0x8000004D  }
0xb: {  	s8 =	ssub.s32 $0x2, s14;
	p0 =	seq.s32 s14, $0x0;
	s30 =	sor.u32 $0x4000, s29  }
0xc: {  	s17 =	sor.u32 $0x1C03, s17;
	s12 =	sshrl.u32 s8, $0x1;
	s18 =	sadd.s32 s11, s3  }
0xd: {  	s7 =	sadd.s32 s11, s5;
	s5 =	sadd.s32 $0xC400, s6;
	s15 =	ssub.s32 s8, s12  }
0xe: {  	s8 =	sadd.s32 s10, s30;
	s10 =	sadd.s32 s10, s31;
	s7 =	sshrl.u32 s7, $0x3  }
0xf: {  	s18 =	sshrl.u32 s18, $0x3;
	s13 =	sadd.s32 s7, s6;
	s6 =	simm.s32 $0x40  }
0x10: {  	s7 =	sadd.s32 s9, s30;
	s9 =	sadd.s32 s9, s31;
	s6 =	simm.s32 @!p0 $0x10  }
0x11: {  	s12 =	sadd.s32 $0x5AE00, s13;
	s13 =	smax.u32 s15, $0x1;
	p0 =	sne.s32 s14, $0x0  }
0x12: {  	s14 =	simm.s32 $0x80;
	s15 =	simm.s32 $0x4000;
	s11 =	sshrl.u32 s6, $0x1  }
.LBB2_1:
0x13: {  	s23 =	simm.s32 @p0 $0x0;
	s24 =	simm.s32 @p0 $0x3  }
0x14: {  	[tilespmem:s23], [sflag:$0x3] =	stream.linear.gather @p0 [hbm4b:s7+s23], $0x800, $0x38;
	[tilespmem:$0x7780] =	vst v63  }
0x15: {  	_ =	swait.ge @p0 [sflag:s24], $0x800  }
0x16: {  	[sflag:s24] =	ssyncset.done @p0 $0x0  }
0x17: {  	s25 =	simm.s32 @p0 $0x2000;
	[sflag:s24] =	ssyncadd.s32 @p0 $0xFFFFF800  }
0x18: {  	[tilespmem:s25], [sflag:$0x3] =	stream.linear.gather @p0 [hbm4b:s8+s23], $0x800, $0x38;
	[tilespmem:$0x7780] =	vst v63  }
0x19: {  	_ =	swait.ge @p0 [sflag:s24], $0x800  }
0x1a: {  	[sflag:s24] =	ssyncset.done @p0 $0x0  }
0x1b: {  	s23 =	simm.s32 @!p0 $0x0;
	[sflag:s24] =	ssyncadd.s32 @p0 $0xFFFFF800;
	s24 =	simm.s32 @!p0 $0x3  }
0x1c: {  	[tilespmem:s23], [sflag:$0x3] =	stream.linear.gather @!p0 [hbm4b:s9+s23], $0x2000, $0x38;
	[tilespmem:$0x7780] =	vst v63  }
0x1d: {  	_ =	swait.ge @!p0 [sflag:s24], $0x2000  }
0x1e: {  	[sflag:s24] =	ssyncset.done @!p0 $0x0  }
0x1f: {  	s25 =	simm.s32 @!p0 $0x2000;
	[sflag:s24] =	ssyncadd.s32 @!p0 $0xFFFFE000  }
0x20: {  	[tilespmem:s25], [sflag:$0x3] =	stream.linear.gather @!p0 [hbm4b:s10+s23], $0x2000, $0x38;
	[tilespmem:$0x7780] =	vst v63  }
0x21: {  	_ =	swait.ge @!p0 [sflag:s24], $0x2000  }
0x22: {  	[sflag:s24] =	ssyncset.done @!p0 $0x0  }
0x23: {  	[sflag:s24] =	ssyncadd.s32 @!p0 $0xFFFFE000  }
0x24: {  	[tilespmem:s15], [sflag:$0x1] =	stream.indirect.gather [hbm4b:s1+s14], $0x10, s4, s14, $0xb8;
	[tilespmem:$0x7780] =	vst v63  }
0x25: {  	_ = 	snop  }
0x26: {  	[tilespmem:s16], [sflag:$0x2] =	stream.indirect.gather [hbm4b:s1+s14], $0x10, s14, s14, $0xb8;
	[tilespmem:$0x7780] =	vst v63  }
0x27: {  	[spmem:s18], [sflag:s17] =	dma.local [hbm:s5], $0x4F0  }
0x28: {  	_ =	swait.ge [sflag:s19], $0x4F0  }
0x29: {  	[sflag:s19] =	ssyncset.done $0x0  }
0x2a: {  	[sflag:s19] =	ssyncadd.s32 $0xFFFFFB10  }
0x2b: {  	[bflag:$0x0] =	sbarrier.arrive $0xFFFF  }
0x2c: {  	_ =	swait.ge [sflag:s20], $0x800  }
0x2d: {  	[sflag:s20] =	ssyncset.done $0x0  }
0x2e: {  	s31 =	simm.s32 $0x2000;
	[sflag:s20] =	ssyncadd.s32 $0xFFFFF800  }
0x2f: {  	[spmem:s3] =	stream.indirect.scatter.add.f32 [tilespmem:s15], [sflag:$0x3], $0x10, s31, s14, $0xb8;
	[tilespmem:$0x7780] =	vst v63  }
0x30: {  	_ =	swait.ge [sflag:s19], $0x800  }
0x31: {  	p1 =	sle.u32 s6, $0x2;
	s23 =	simm.s32 $0x100;
	[sflag:s19] =	ssyncset.done $0x0  }
0x32: {  	s25 =	simm.s32 @!p1 $0x4000;
	s24 =	simm.s32 @!p1 $0x80;
	[sflag:s19] =	ssyncadd.s32 $0xFFFFF800  }
0x33: {  	[tilespmem:s25], [sflag:$0x1] =	stream.indirect.gather @!p1 [hbm4b:s1+s24], $0x10, s23, s24, $0xb8;
	[tilespmem:$0x7780] =	vst v63  }
0x34: {  	s23 =	sadd.s32 $0xFFFFFFFF, s11  }
0x35: {  	_ =	swait.ge [sflag:s21], $0x800;
	p1 =	sne.s32 s23, $0x0  }
.Ltmp0:
0x36: {  	p2 =	sle.u32 s6, $0x3;
	[sflag:s21] =	ssyncset.done $0x0;
	(pc) =	sbr.rel @!p1 .LBB2_3-.Ltmp0, $4  }
0x37: {  	s26 =	simm.s32 $0x2080;
	s28 =	simm.s32 @!p2 $0x180;
	[sflag:s21] =	ssyncadd.s32 $0xFFFFF800  }
0x38: {  	[spmem:s3] =	stream.indirect.scatter.add.f32 [tilespmem:s16], [sflag:$0x3], $0x10, s26, s14, $0xb8;
	[tilespmem:$0x7780] =	vst v63  }
0x39: {  	s29 =	simm.s32 @!p2 $0x80;
	s24 =	simm.s32 $0x4;
	_ =	swait.ge [sflag:s19], $0x800  }
0x3a: {  	s25 =	simm.s32 $0x200;
	s26 =	simm.s32 $0x2180;
	[sflag:s19] =	ssyncset.done $0x0  }
.LBB2_2:
0x3b: {  	s23 =	sadd.s32 $0xFFFFFFFF, s23;
	[sflag:s19] =	ssyncadd.s32 $0xFFFFF800;
	s30 =	simm.s32 @!p2 $0x4800  }
0x3c: {  	[tilespmem:s30], [sflag:$0x2] =	stream.indirect.gather @!p2 [hbm4b:s1+s29], $0x10, s28, s29, $0xb8;
	[tilespmem:$0x7780] =	vst v63  }
0x3d: {  	p1 =	sne.s32 s23, $0x0;
	s28 =	smov.u32 s24;
	_ =	swait.ge [sflag:s20], $0x800  }
0x3e: {  	s29 =	sadd.s32 $0xFFFFFF80, s26;
	s30 =	smov.u32 s25;
	[sflag:s20] =	ssyncset.done $0x0  }
0x3f: {  	[sflag:s20] =	ssyncadd.s32 $0xFFFFF800  }
0x40: {  	[spmem:s3] =	stream.indirect.scatter.add.f32 [tilespmem:s15], [sflag:$0x3], $0x10, s29, s14, $0xb8;
	[tilespmem:$0x7780] =	vst v63  }
0x41: {  	p2 =	sge.u32 s24, s6;
	_ =	swait.ge [sflag:s19], $0x800  }
0x42: {  	s31 =	simm.s32 @!p2 $0x4000;
	s29 =	simm.s32 @!p2 $0x80;
	[sflag:s19] =	ssyncset.done $0x0  }
0x43: {  	[sflag:s19] =	ssyncadd.s32 $0xFFFFF800  }
0x44: {  	[tilespmem:s31], [sflag:$0x1] =	stream.indirect.gather @!p2 [hbm4b:s1+s29], $0x10, s25, s29, $0xb8;
	[tilespmem:$0x7780] =	vst v63  }
0x45: {  	_ =	swait.ge [sflag:s21], $0x800  }
.Ltmp1:
0x46: {  	s24 =	sadd.s32 $0x2, s24;
	[sflag:s21] =	ssyncset.done $0x0;
	(pc) =	sbr.rel @p1 .LBB2_2-.Ltmp1, $4  }
0x47: {  	s28 =	sadd.s32 $0x1, s28;
	s25 =	sadd.s32 $0x100, s25;
	[sflag:s21] =	ssyncadd.s32 $0xFFFFF800  }
0x48: {  	[spmem:s3] =	stream.indirect.scatter.add.f32 [tilespmem:s16], [sflag:$0x3], $0x10, s26, s14, $0xb8;
	[tilespmem:$0x7780] =	vst v63  }
0x49: {  	p2 =	sge.u32 s28, s6;
	s26 =	sadd.s32 $0x100, s26;
	_ =	swait.ge [sflag:s19], $0x800  }
0x4a: {  	s28 =	sadd.s32 @!p2 $0x80, s30;
	s29 =	simm.s32 @!p2 $0x80;
	[sflag:s19] =	ssyncset.done $0x0  }
.LBB2_3:
0x4b: {  	[sflag:s19] =	ssyncadd.s32 $0xFFFFF800;
	s23 =	simm.s32 @!p2 $0x4800;
	s22 =	sadd.s32 $0x1, s22  }
0x4c: {  	[tilespmem:s23], [sflag:$0x2] =	stream.indirect.gather @!p2 [hbm4b:s1+s29], $0x10, s28, s29, $0xb8;
	[tilespmem:$0x7780] =	vst v63  }
0x4d: {  	p1 =	sne.s32 s22, s13  }
.Ltmp2:
0x4e: {  	[bflag:$0x0] =	sbarrier.arrive $0xFFFF;
	(pc) =	sbr.rel @p1 .LBB2_1-.Ltmp2, $4  }
0x4f: {  	[hbm:s12], [sflag:s17] =	dma.local [spmem:s18], $0x4F0  }
0x50: {  	_ =	swait.ge [sflag:s19], $0x4F0  }
0x51: {  	[sflag:s19] =	ssyncset.done $0x0  }
0x52: {  	[sflag:s19] =	ssyncadd.s32 $0xFFFFFB10  }
0x53: {  	_ =	sfence.sel $0x180000  }
0x54: {  	[bflag:$0x0] =	sbarrier.arrive $0xFFFF  }
0x55: {  	p0 =	sne.s32 s2, $0x0;
	_ =	strace $0x9000004D  }
0x56: {  	s0 =	sadd.s32 @!p0 $0x100000, s0;
	[bflag:$0x2] =	sbarrier.arrive $0xFFFF  }
0x57: {  	[sflag:s0] =	ssyncadd.tile.s32 @!p0 $0x1;
	_ =	shalt  }
.Lfunc_end2:
_tile_overlayer_lowered:
.L_overlay_start_2:
0x58: {  	(tag) =	ssettag $0x2  }
0x59: {  	s0 =	rddreg [dreg:$0x0];
	s2 =	stileid.u32  }
0x5a: {  	s1 =	rddreg [dreg:$0x1];
	p0 =	sne.s32 s2, $0x0  }
0x5b: {  	s3 =	rddreg [dreg:$0x2];
	[bflag:$0x3] =	sbarrier.arrive $0xFFFF;
	s2 =	simm.s32 @!p0 $0x1C03  }
0x5c: {  	[timem:s3], [sflag:s2] =	dma.local @!p0 [hbm:s0], s1  }
0x5d: {  	s0 =	simm.s32 @!p0 $0x3  }
0x5e: {  	_ =	swait.ge @!p0 [sflag:s0], s1  }
0x5f: {  	s1 =	ssub.s32 @!p0 $0x0, s1;
	[sflag:s0] =	ssyncset.done @!p0 $0x0  }
0x60: {  	[sflag:s0] =	ssyncadd.s32 @!p0 s1  }
0x61: {  	[bflag:$0x3] =	sbarrier.arrive $0xFFFF  }
0x62: {  	_ =	shalt  }

// kernel: kernel.8.cloned.1.call-start
scs
__scs_entry_jumppad:
0x0: {  	(pc) =	sbr.rel $0x88, $3  }
0x1: {  	(tag) =	ssettag $0x0;
	lr =	simm.s32 $0x1  }
0x2: {  	[smem:$0x3F9B] =	sst lr;
	_ =	strace $0xD0000000  }
0x3: {  	_ = 	snop  }
0x4: {  	_ = 	snop  }
0x5: {  	_ = 	snop  }
0x6: {  	_ = 	snop  }
0x7: {  	_ = 	snop  }
__scs_overlays_trampoline_lowered:
0x8: {  	[smem:$0x3FAA] =	sst s0  }
0x9: {  	[smem:$0x3FAB] =	sst s1  }
0xa: {  	[smem:$0x3FAC] =	sst s2  }
0xb: {  	[smem:$0x3FAD] =	sst s3  }
0xc: {  	[smem:$0x3FAE] =	sst s4  }
0xd: {  	[smem:$0x3FAF] =	sst s5  }
0xe: {  	[smem:$0x3FB0] =	sst s6  }
0xf: {  	[smem:$0x3FB1] =	sst s7  }
0x10: {  	[smem:$0x3FB2] =	sst s8  }
0x11: {  	[smem:$0x3FB3] =	sst s9;
	s0 =	simm.s32 @!p0 $0x0  }
0x12: {  	s1 =	sld [smem:$0x3F99];
	s0 =	simm.s32 @p0 $0x1  }
0x13: {  	[smem:$0x3FB4] =	sst s0;
	s0 =	simm.s32 @!p1 $0x0  }
0x14: {  	s2 =	sld [smem:$0x3F98];
	s0 =	simm.s32 @p1 $0x1  }
0x15: {  	[smem:$0x3FB5] =	sst s0;
	s0 =	simm.s32 @!p2 $0x0  }
0x16: {  	s3 =	sld [smem:$0x3FDB];
	s0 =	simm.s32 @p2 $0x1  }
0x17: {  	s4 =	simm.s32 $0x1BF5;
	[smem:$0x3FB7] =	sst s0  }
0x18: {  	s0 =	sld [smem:$0x3F9A];
	_ =	swait.ge [sflag:s4], $0x0  }
0x19: {  	s7 =	sld [smem:$0x3F9B]  }
0x1a: {  	s8 =	sadd.s32 $0xFFFFE003, lr  }
0x1b: {  	s9 =	sadd.s32 $0xFFFFFEF7, lr;
	s5 =	simm.s32 $0xFFFFFFFF;
	p2 =	slt.u32 s8, $0xFFFFF086  }
0x1c: {  	p1 =	slt.u32 s9, $0xF7A;
	s5 =	simm.s32 @!p2 $0x0  }
0x1d: {  	s5 =	simm.s32 @p1 $0x1;
	p0 =	seq.s32 s7, s2  }
0x1e: {  	s7 =	smul.u32 @!p0 $0xF7A, s2;
	p2 =	seq.s32 @!p0 s5, $0x0  }
0x1f: {  	s9 =	smul.u32 $0xF7A, s1;
	s8 =	simm.s32 @!p0 $0x1BF5;
	p2 =	por !p2, p0  }
0x20: {  	[sflag:s8] =	ssyncset.s32 @!p0 $0xFFFFF086;
	s6 =	sadd.s32 @!p0 s3, s7;
	s7 =	simm.s32 @!p0 $0x108  }
0x21: {  	s3 =	sadd.s32 s3, s9;
	s6 =	sadd.s32 @!p0 $0x88, s6;
	s7 =	simm.s32 @p2 $0x1082  }
0x22: {  	[simem:s7], [sflag:s8] =	dma.local @!p0 [hbm:s6], $0xF7A  }
0x23: {  	s9 =	sor.u32 $0xD0000000, s2;
	s6 =	simm.s32 $0x108;
	_ =	swait.ge @!p0 [sflag:s8], $0x0  }
0x24: {  	s3 =	sadd.s32 $0x88, s3;
	s6 =	simm.s32 @!p1 $0x1082;
	[sflag:s4] =	ssyncset.s32 $0xFFFFF086  }
0x25: {  	[simem:s6], [sflag:s4] =	dma.local [hbm:s3], $0xF7A  }
0x26: {  	[smem:$0x3F9B] =	sst s1;
	(tag) =	ssettag s2;
	_ =	strace s9  }
0x27: {  	s1 =	sld [smem:$0x3FAB]  }
0x28: {  	s2 =	sld [smem:$0x3FAC]  }
0x29: {  	s4 =	sld [smem:$0x3FAE]  }
0x2a: {  	p0 =	seq.s32 s5, $0x0;
	s5 =	sld [smem:$0x3FAF]  }
0x2b: {  	s6 =	sld [smem:$0x3FB0]  }
0x2c: {  	s7 =	sld [smem:$0x3FB1]  }
0x2d: {  	s3 =	simm.s32 $0x108;
	s8 =	sld [smem:$0x3FB2]  }
0x2e: {  	s3 =	simm.s32 @!p0 $0x1082;
	s9 =	sld [smem:$0x3FB3]  }
0x2f: {  	lr =	sadd.s32 s0, s3;
	s0 =	sld [smem:$0x3FAA]  }
0x30: {  	s3 =	sld [smem:$0x3FAD]  }
0x31: {  	[smem:$0x3FB6] =	sst s10  }
0x32: {  	s10 =	sld [smem:$0x3FB4];
	_ =	sdelay $0x3  }
0x33: {  	p0 =	seq.s32 s10, $0x1;
	s10 =	sld [smem:$0x3FB6];
	_ =	sdelay $0x3  }
0x34: {  	[smem:$0x3FB6] =	sst s10  }
0x35: {  	s10 =	sld [smem:$0x3FB5];
	_ =	sdelay $0x3  }
0x36: {  	p1 =	seq.s32 s10, $0x1;
	s10 =	sld [smem:$0x3FB6];
	_ =	sdelay $0x3  }
0x37: {  	[smem:$0x3FB6] =	sst s10  }
0x38: {  	s10 =	sld [smem:$0x3FB7]  }
0x39: {  	_ = 	snop;
	(pc) =	sbr.ind lr, $3  }
0x3a: {  	_ = 	snop  }
0x3b: {  	_ = 	snop  }
0x3c: {  	p2 =	seq.s32 s10, $0x1;
	s10 =	sld [smem:$0x3FB6]  }
0x3d: {  	_ =	shalt  }
0x3e: {  	_ =	shalt  }
0x3f: {  	_ =	shalt  }
0x40: {  	_ =	shalt  }
0x41: {  	_ =	shalt  }
0x42: {  	_ =	shalt  }
0x43: {  	_ =	shalt  }
0x44: {  	_ =	shalt  }
0x45: {  	_ =	shalt  }
0x46: {  	_ =	shalt  }
0x47: {  	_ =	shalt  }
0x48: {  	_ =	shalt  }
0x49: {  	_ =	shalt  }
0x4a: {  	_ =	shalt  }
0x4b: {  	_ =	shalt  }
0x4c: {  	_ =	shalt  }
0x4d: {  	_ =	shalt  }
0x4e: {  	_ =	shalt  }
0x4f: {  	_ =	shalt  }
0x50: {  	_ =	shalt  }
0x51: {  	_ =	shalt  }
0x52: {  	_ =	shalt  }
0x53: {  	_ =	shalt  }
0x54: {  	_ =	shalt  }
0x55: {  	_ =	shalt  }
0x56: {  	_ =	shalt  }
0x57: {  	_ =	shalt  }
0x58: {  	_ =	shalt  }
0x59: {  	_ =	shalt  }
0x5a: {  	_ =	shalt  }
0x5b: {  	_ =	shalt  }
0x5c: {  	_ =	shalt  }
0x5d: {  	_ =	shalt  }
0x5e: {  	_ =	shalt  }
0x5f: {  	_ =	shalt  }
0x60: {  	_ =	shalt  }
0x61: {  	_ =	shalt  }
0x62: {  	_ =	shalt  }
0x63: {  	_ =	shalt  }
0x64: {  	_ =	shalt  }
0x65: {  	_ =	shalt  }
0x66: {  	_ =	shalt  }
0x67: {  	_ =	shalt  }
0x68: {  	_ =	shalt  }
0x69: {  	_ =	shalt  }
0x6a: {  	_ =	shalt  }
0x6b: {  	_ =	shalt  }
0x6c: {  	_ =	shalt  }
0x6d: {  	_ =	shalt  }
0x6e: {  	_ =	shalt  }
0x6f: {  	_ =	shalt  }
0x70: {  	_ =	shalt  }
0x71: {  	_ =	shalt  }
0x72: {  	_ =	shalt  }
0x73: {  	_ =	shalt  }
0x74: {  	_ =	shalt  }
0x75: {  	_ =	shalt  }
0x76: {  	_ =	shalt  }
0x77: {  	_ =	shalt  }
0x78: {  	_ =	shalt  }
0x79: {  	_ =	shalt  }
0x7a: {  	_ =	shalt  }
0x7b: {  	_ =	shalt  }
0x7c: {  	_ =	shalt  }
0x7d: {  	_ =	shalt  }
0x7e: {  	_ =	shalt  }
0x7f: {  	_ =	shalt  }
0x80: {  	_ =	shalt  }
0x81: {  	_ =	shalt  }
0x82: {  	_ =	shalt  }
0x83: {  	_ =	shalt  }
0x84: {  	_ =	shalt  }
0x85: {  	_ =	shalt  }
0x86: {  	_ =	shalt  }
0x87: {  	_ =	shalt  }
.Lfunc_end0:
.L_simem_size_0:
called_computation_lowered:
.L_overlay_start_0:
0x88: {  	s2 =	sld [smem:$0x3FD9]  }
0x89: {  	s3 =	sld [smem:$0x3FFE];
	_ =	sdelay $0x1  }
0x8a: {  	s1 =	srdreg.scid  }
0x8b: {  	s0 =	sand.u32 $0x1, s1  }
0x8c: {  	s17 =	sshll.u32 s0, $0xA;
	s2 =	sadd.s32 s3, s2  }
0x8d: {  	s2 =	sadd.s32 s2, s17  }
0x8e: {  	[smem:$0x3FC2] =	sst s2  }
0x8f: {  	_ = 	snop  }
0x90: {  	s2 =	sld [smem:$0x3FD0];
	(tm) =	ssettm $0x1  }
0x91: {  	s18 =	sld [smem:$0x3FFB];
	_ =	sdelay $0x3  }
0x92: {  	_ =	strace s18  }
0x93: {  	s3 =	sld [smem:$0x3FFC];
	_ =	sdelay $0x3  }
0x94: {  	_ =	strace s3  }
0x95: {  	s3 =	sld [smem:$0x3FFD];
	_ =	sdelay $0x3  }
0x96: {  	_ =	strace s3  }
0x97: {  	_ =	strace $0x8FFFFFFF  }
0x98: {  	s19 =	sld [smem:$0x3FDB];
	_ =	sdelay $0x1  }
0x99: {  	s4 =	simm.s32 $_scs_section_size  }
0x9a: {  	s5 =	simm.s32 $_size__tile_overlayer_lowered;
	s6 =	simm.s32 $_tile_overlayer_lowered  }
0x9b: {  	s22 =	simm.s32 $0x1BFF;
	s21 =	sshll.u32 s6, $0x1;
	s3 =	sadd.s32 s4, s19  }
0x9c: {  	s7 =	simm.s32 $0x0;
	s20 =	sshll.u32 s5, $0x1;
	s5 =	sadd.s32 s21, s3  }
0x9d: {  	[timem:s7], [sflag:s22] =	dma.local [hbm:s5], s20  }
0x9e: {  	_ =	swait.ge [sflag:s22], s20  }
0x9f: {  	s4 =	ssub.s32 $0x0, s20;
	[sflag:s22] =	ssyncset.done $0x0  }
0xa0: {  	[sflag:s22] =	ssyncadd.s32 s4;
	_ =	sdelay $0x1  }
0xa1: {  	s23 =	simm.s32 $0x1B8B  }
0xa2: {  	_ =	swait.ge [sflag:s23], $0x1  }
0xa3: {  	[sflag:s23] =	ssyncset.done $0x0  }
0xa4: {  	s25 =	simm.s32 $0x1B8E;
	s24 =	sld [smem:$0x3FFE];
	[sflag:s23] =	ssyncadd.s32 $0xFFFFFFFF  }
0xa5: {  	s26 =	simm.s32 $execute0_lowered;
	[smem:$0x3FD2] =	sst s25  }
0xa6: {  	s5 =	sshll.u32 s26, $0x1;
	_ =	strace $0x80000046;
	[dreg:$0x1] =	wrdreg $0xFFFFFFFF  }
0xa7: {  	s28 =	simm.s32 $_size_execute0_lowered;
	s3 =	sadd.s32 s3, s5;
	[dreg:$0x0] =	wrdreg $0x0  }
0xa8: {  	s5 =	sshll.u32 s28, $0x1;
	[dreg:$0x2] =	wrdreg s3  }
0xa9: {  	[dreg:$0x3] =	wrdreg s5  }
0xaa: {  	[dreg:$0x4] =	wrdreg $0xC0  }
0xab: {  	_ =	task [dreg:s7], $0x5FFFF  }
0xac: {  	[dreg:$0x1] =	wrdreg $0xFFFFFFFF  }
0xad: {  	[dreg:$0x0] =	wrdreg $0x60  }
0xae: {  	[dreg:$0x2] =	wrdreg s2  }
0xaf: {  	[dreg:$0x3] =	wrdreg s24  }
0xb0: {  	[dreg:$0x4] =	wrdreg $0x50000  }
0xb1: {  	[dreg:$0x5] =	wrdreg $0x9  }
0xb2: {  	_ =	task.clear_ibuf [dreg:s7], $0x6FFFF;
	_ =	strace $0x90000046  }
0xb3: {  	s29 =	simm.s32 $0x9;
	_ =	strace $0x80000048  }
0xb4: {  	_ =	swait.ge [sflag:s29], $0x1  }
0xb5: {  	[sflag:s29] =	ssyncadd.s32 $0xFFFFFFFF  }
0xb6: {  	_ =	strace $0x90000048  }
0xb7: {  	_ =	sfence  }
0xb8: {  	s30 =	sld [smem:$0x0];
	_ =	sdelay $0x2  }
0xb9: {  	s31 =	sshll.u32 s1, $0xD;
	s1 =	sshrl.u32 s1, $0x2  }
0xba: {  	s3 =	sand.u32 $0x4000, s31;
	s1 =	sadd.s32 s1, s30  }
0xbb: {  	s0 =	sor.u32 s3, s0;
	s1 =	sshll.u32 s1, $0x11  }
0xbc: {  	s0 =	sor.u32 s1, s0  }
0xbd: {  	s0 =	sadd.s32 $0x8F2B, s0  }
0xbe: {  	[sflag:s0] =	ssyncadd.remote.s32 $0x1  }
0xbf: {  	_ =	sfence.sel $0xFFFF  }
0xc0: {  	[dreg:$0x0] =	wrdreg $0xFFFFFFFF;
	(pc) =	sbr.abs _section_cstart, $3  }
0xc1: {  	[dreg:$0x1] =	wrdreg $0xFFFFFFFF  }
0xc2: {  	_ =	task.clear_ibuf [dreg:s7], $0x2FFFF;
	_ =	strace $0x9FFFFFFF  }
0xc3: {  	(tm) =	ssettm $0x7FFFFFFF  }
tec
execute0_lowered:
.L_overlay_start_1:
0x0: {  	(tag) =	ssettag $0x1  }
0x1: {  	s1 =	rddreg [dreg:$0x0]  }
0x2: {  	s6 =	rddreg [dreg:$0x1]  }
0x3: {  	s3 =	rddreg [dreg:$0x2]  }
0x4: {  	s0 =	rddreg [dreg:$0x3]  }
0x5: {  	s5 =	srdreg.scid;
	s2 =	stileid.u32;
	s4 =	simm.s32 $0x0  }
0x6: {  	s16 =	simm.s32 $0x4800;
	s19 =	simm.s32 $0x3;
	s20 =	simm.s32 $0x1  }
0x7: {  	s21 =	simm.s32 $0x2;
	s22 =	simm.s32 $0x0;
	s14 =	sand.u32 $0x1, s5  }
0x8: {  	s11 =	smul.u32 $0x2780, s2;
	[smem:$0x7FF] =	sst s4;
	s9 =	sadd.s32 $0x7400, s6  }
0x9: {  	s10 =	sadd.s32 $0x2400, s6;
	s29 =	sshll.u32 s2, $0x8;
	s31 =	sshll.u32 s2, $0xA  }
0xa: {  	s17 =	sshll.u32 s2, $0x6;
	s5 =	smul.u32 $0x27800, s14;
	_ =	strace $0x80000047  }
0xb: {  	s8 =	ssub.s32 $0x2, s14;
	p0 =	seq.s32 s14, $0x0;
	s30 =	sor.u32 $0x4000, s29  }
0xc: {  	s17 =	sor.u32 $0x1C03, s17;
	s12 =	sshrl.u32 s8, $0x1;
	s18 =	sadd.s32 s11, s3  }
0xd: {  	s7 =	sadd.s32 s11, s5;
	s5 =	sadd.s32 $0xC400, s6;
	s15 =	ssub.s32 s8, s12  }
0xe: {  	s8 =	sadd.s32 s10, s30;
	s10 =	sadd.s32 s10, s31;
	s7 =	sshrl.u32 s7, $0x3  }
0xf: {  	s18 =	sshrl.u32 s18, $0x3;
	s13 =	sadd.s32 s7, s6;
	s6 =	simm.s32 $0x40  }
0x10: {  	s7 =	sadd.s32 s9, s30;
	s9 =	sadd.s32 s9, s31;
	s6 =	simm.s32 @!p0 $0x10  }
0x11: {  	s12 =	sadd.s32 $0xCA00, s13;
	s13 =	smax.u32 s15, $0x1;
	p0 =	sne.s32 s14, $0x0  }
0x12: {  	s14 =	simm.s32 $0x80;
	s15 =	simm.s32 $0x4000;
	s11 =	sshrl.u32 s6, $0x1  }
.LBB2_1:
0x13: {  	s23 =	simm.s32 @p0 $0x0;
	s24 =	simm.s32 @p0 $0x3  }
0x14: {  	[tilespmem:s23], [sflag:$0x3] =	stream.linear.gather @p0 [hbm4b:s7+s23], $0x800, $0x38;
	[tilespmem:$0x7780] =	vst v63  }
0x15: {  	_ =	swait.ge @p0 [sflag:s24], $0x800  }
0x16: {  	[sflag:s24] =	ssyncset.done @p0 $0x0  }
0x17: {  	s25 =	simm.s32 @p0 $0x2000;
	[sflag:s24] =	ssyncadd.s32 @p0 $0xFFFFF800  }
0x18: {  	[tilespmem:s25], [sflag:$0x3] =	stream.linear.gather @p0 [hbm4b:s8+s23], $0x800, $0x38;
	[tilespmem:$0x7780] =	vst v63  }
0x19: {  	_ =	swait.ge @p0 [sflag:s24], $0x800  }
0x1a: {  	[sflag:s24] =	ssyncset.done @p0 $0x0  }
0x1b: {  	s23 =	simm.s32 @!p0 $0x0;
	[sflag:s24] =	ssyncadd.s32 @p0 $0xFFFFF800;
	s24 =	simm.s32 @!p0 $0x3  }
0x1c: {  	[tilespmem:s23], [sflag:$0x3] =	stream.linear.gather @!p0 [hbm4b:s9+s23], $0x2000, $0x38;
	[tilespmem:$0x7780] =	vst v63  }
0x1d: {  	_ =	swait.ge @!p0 [sflag:s24], $0x2000  }
0x1e: {  	[sflag:s24] =	ssyncset.done @!p0 $0x0  }
0x1f: {  	s25 =	simm.s32 @!p0 $0x2000;
	[sflag:s24] =	ssyncadd.s32 @!p0 $0xFFFFE000  }
0x20: {  	[tilespmem:s25], [sflag:$0x3] =	stream.linear.gather @!p0 [hbm4b:s10+s23], $0x2000, $0x38;
	[tilespmem:$0x7780] =	vst v63  }
0x21: {  	_ =	swait.ge @!p0 [sflag:s24], $0x2000  }
0x22: {  	[sflag:s24] =	ssyncset.done @!p0 $0x0  }
0x23: {  	[sflag:s24] =	ssyncadd.s32 @!p0 $0xFFFFE000  }
0x24: {  	[tilespmem:s15], [sflag:$0x1] =	stream.indirect.gather [hbm4b:s1+s14], $0x10, s4, s14, $0xb8;
	[tilespmem:$0x7780] =	vst v63  }
0x25: {  	_ = 	snop  }
0x26: {  	[tilespmem:s16], [sflag:$0x2] =	stream.indirect.gather [hbm4b:s1+s14], $0x10, s14, s14, $0xb8;
	[tilespmem:$0x7780] =	vst v63  }
0x27: {  	[spmem:s18], [sflag:s17] =	dma.local [hbm:s5], $0x4F0  }
0x28: {  	_ =	swait.ge [sflag:s19], $0x4F0  }
0x29: {  	[sflag:s19] =	ssyncset.done $0x0  }
0x2a: {  	[sflag:s19] =	ssyncadd.s32 $0xFFFFFB10  }
0x2b: {  	[bflag:$0x0] =	sbarrier.arrive $0xFFFF  }
0x2c: {  	_ =	swait.ge [sflag:s20], $0x800  }
0x2d: {  	[sflag:s20] =	ssyncset.done $0x0  }
0x2e: {  	s31 =	simm.s32 $0x2000;
	[sflag:s20] =	ssyncadd.s32 $0xFFFFF800  }
0x2f: {  	[spmem:s3] =	stream.indirect.scatter.add.f32 [tilespmem:s15], [sflag:$0x3], $0x10, s31, s14, $0xb8;
	[tilespmem:$0x7780] =	vst v63  }
0x30: {  	_ =	swait.ge [sflag:s19], $0x800  }
0x31: {  	p1 =	sle.u32 s6, $0x2;
	s23 =	simm.s32 $0x100;
	[sflag:s19] =	ssyncset.done $0x0  }
0x32: {  	s25 =	simm.s32 @!p1 $0x4000;
	s24 =	simm.s32 @!p1 $0x80;
	[sflag:s19] =	ssyncadd.s32 $0xFFFFF800  }
0x33: {  	[tilespmem:s25], [sflag:$0x1] =	stream.indirect.gather @!p1 [hbm4b:s1+s24], $0x10, s23, s24, $0xb8;
	[tilespmem:$0x7780] =	vst v63  }
0x34: {  	s23 =	sadd.s32 $0xFFFFFFFF, s11  }
0x35: {  	_ =	swait.ge [sflag:s21], $0x800;
	p1 =	sne.s32 s23, $0x0  }
.Ltmp0:
0x36: {  	p2 =	sle.u32 s6, $0x3;
	[sflag:s21] =	ssyncset.done $0x0;
	(pc) =	sbr.rel @!p1 .LBB2_3-.Ltmp0, $4  }
0x37: {  	s26 =	simm.s32 $0x2080;
	s28 =	simm.s32 @!p2 $0x180;
	[sflag:s21] =	ssyncadd.s32 $0xFFFFF800  }
0x38: {  	[spmem:s3] =	stream.indirect.scatter.add.f32 [tilespmem:s16], [sflag:$0x3], $0x10, s26, s14, $0xb8;
	[tilespmem:$0x7780] =	vst v63  }
0x39: {  	s29 =	simm.s32 @!p2 $0x80;
	s24 =	simm.s32 $0x4;
	_ =	swait.ge [sflag:s19], $0x800  }
0x3a: {  	s25 =	simm.s32 $0x200;
	s26 =	simm.s32 $0x2180;
	[sflag:s19] =	ssyncset.done $0x0  }
.LBB2_2:
0x3b: {  	s23 =	sadd.s32 $0xFFFFFFFF, s23;
	[sflag:s19] =	ssyncadd.s32 $0xFFFFF800;
	s30 =	simm.s32 @!p2 $0x4800  }
0x3c: {  	[tilespmem:s30], [sflag:$0x2] =	stream.indirect.gather @!p2 [hbm4b:s1+s29], $0x10, s28, s29, $0xb8;
	[tilespmem:$0x7780] =	vst v63  }
0x3d: {  	p1 =	sne.s32 s23, $0x0;
	s28 =	smov.u32 s24;
	_ =	swait.ge [sflag:s20], $0x800  }
0x3e: {  	s29 =	sadd.s32 $0xFFFFFF80, s26;
	s30 =	smov.u32 s25;
	[sflag:s20] =	ssyncset.done $0x0  }
0x3f: {  	[sflag:s20] =	ssyncadd.s32 $0xFFFFF800  }
0x40: {  	[spmem:s3] =	stream.indirect.scatter.add.f32 [tilespmem:s15], [sflag:$0x3], $0x10, s29, s14, $0xb8;
	[tilespmem:$0x7780] =	vst v63  }
0x41: {  	p2 =	sge.u32 s24, s6;
	_ =	swait.ge [sflag:s19], $0x800  }
0x42: {  	s31 =	simm.s32 @!p2 $0x4000;
	s29 =	simm.s32 @!p2 $0x80;
	[sflag:s19] =	ssyncset.done $0x0  }
0x43: {  	[sflag:s19] =	ssyncadd.s32 $0xFFFFF800  }
0x44: {  	[tilespmem:s31], [sflag:$0x1] =	stream.indirect.gather @!p2 [hbm4b:s1+s29], $0x10, s25, s29, $0xb8;
	[tilespmem:$0x7780] =	vst v63  }
0x45: {  	_ =	swait.ge [sflag:s21], $0x800  }
.Ltmp1:
0x46: {  	s24 =	sadd.s32 $0x2, s24;
	[sflag:s21] =	ssyncset.done $0x0;
	(pc) =	sbr.rel @p1 .LBB2_2-.Ltmp1, $4  }
0x47: {  	s28 =	sadd.s32 $0x1, s28;
	s25 =	sadd.s32 $0x100, s25;
	[sflag:s21] =	ssyncadd.s32 $0xFFFFF800  }
0x48: {  	[spmem:s3] =	stream.indirect.scatter.add.f32 [tilespmem:s16], [sflag:$0x3], $0x10, s26, s14, $0xb8;
	[tilespmem:$0x7780] =	vst v63  }
0x49: {  	p2 =	sge.u32 s28, s6;
	s26 =	sadd.s32 $0x100, s26;
	_ =	swait.ge [sflag:s19], $0x800  }
0x4a: {  	s28 =	sadd.s32 @!p2 $0x80, s30;
	s29 =	simm.s32 @!p2 $0x80;
	[sflag:s19] =	ssyncset.done $0x0  }
.LBB2_3:
0x4b: {  	[sflag:s19] =	ssyncadd.s32 $0xFFFFF800;
	s23 =	simm.s32 @!p2 $0x4800;
	s22 =	sadd.s32 $0x1, s22  }
0x4c: {  	[tilespmem:s23], [sflag:$0x2] =	stream.indirect.gather @!p2 [hbm4b:s1+s29], $0x10, s28, s29, $0xb8;
	[tilespmem:$0x7780] =	vst v63  }
0x4d: {  	p1 =	sne.s32 s22, s13  }
.Ltmp2:
0x4e: {  	[bflag:$0x0] =	sbarrier.arrive $0xFFFF;
	(pc) =	sbr.rel @p1 .LBB2_1-.Ltmp2, $4  }
0x4f: {  	[hbm:s12], [sflag:s17] =	dma.local [spmem:s18], $0x4F0  }
0x50: {  	_ =	swait.ge [sflag:s19], $0x4F0  }
0x51: {  	[sflag:s19] =	ssyncset.done $0x0  }
0x52: {  	[sflag:s19] =	ssyncadd.s32 $0xFFFFFB10  }
0x53: {  	_ =	sfence.sel $0x180000  }
0x54: {  	[bflag:$0x0] =	sbarrier.arrive $0xFFFF  }
0x55: {  	p0 =	sne.s32 s2, $0x0;
	_ =	strace $0x90000047  }
0x56: {  	s0 =	sadd.s32 @!p0 $0x100000, s0;
	[bflag:$0x2] =	sbarrier.arrive $0xFFFF  }
0x57: {  	[sflag:s0] =	ssyncadd.tile.s32 @!p0 $0x1;
	_ =	shalt  }
.Lfunc_end2:
_tile_overlayer_lowered:
.L_overlay_start_2:
0x58: {  	(tag) =	ssettag $0x2  }
0x59: {  	s0 =	rddreg [dreg:$0x0];
	s2 =	stileid.u32  }
0x5a: {  	s1 =	rddreg [dreg:$0x1];
	p0 =	sne.s32 s2, $0x0  }
0x5b: {  	s3 =	rddreg [dreg:$0x2];
	[bflag:$0x3] =	sbarrier.arrive $0xFFFF;
	s2 =	simm.s32 @!p0 $0x1C03  }
0x5c: {  	[timem:s3], [sflag:s2] =	dma.local @!p0 [hbm:s0], s1  }
0x5d: {  	s0 =	simm.s32 @!p0 $0x3  }
0x5e: {  	_ =	swait.ge @!p0 [sflag:s0], s1  }
0x5f: {  	s1 =	ssub.s32 @!p0 $0x0, s1;
	[sflag:s0] =	ssyncset.done @!p0 $0x0  }
0x60: {  	[sflag:s0] =	ssyncadd.s32 @!p0 s1  }
0x61: {  	[bflag:$0x3] =	sbarrier.arrive $0xFFFF  }
0x62: {  	_ =	shalt  }

</sc_bundles>
